<compile_context>
chip_gen: v7x
topology: tpu7x:2x2x1
jax: 0.10.2.dev20260603
libtpu: 0.0.44.dev20260713+nightly
codegen_flags: <defaults>
</compile_context>

<pallas_src>
import functools

import jax
import jax.numpy as jnp
from jax.experimental import pallas as pl
from jax.experimental.pallas import tpu as pltpu
from jax.experimental.pallas import tpu_sc as plsc

TILE = 128
KNN = 16


def _sc_gather(table, gidx):
    E = gidx.shape[1]
    H = table.shape[1]
    win = 128
    mesh = plsc.VectorSubcoreMesh(core_axis_name="c", subcore_axis_name="s")

    @functools.partial(
        pl.kernel,
        out_type=jax.ShapeDtypeStruct((E, H), table.dtype),
        mesh=mesh)
    def gather_kernel(x_hbm, i_hbm, o_hbm):
        def body(i_vmem, o_vmem):
            pltpu.sync_copy(x_hbm.at[i_vmem.at[0]], o_vmem)

        pltpu.emit_pipeline(
            body,
            grid=(E // win,),
            in_specs=[pl.BlockSpec((1, win), lambda i: (0, i))],
            out_specs=[pl.BlockSpec((win, H), lambda i: (i, 0))],
            core_axis_name=("c", "s"),
            dimension_semantics=(pltpu.PARALLEL,),
        )(i_hbm, o_hbm)

    return gather_kernel(table, gidx)


def _knn_kernel(ct_ref, ctT_ref, idx_ref, geom_ref):
    ct = ct_ref[0]
    ctT = ctT_ref[0]
    n = ctT.shape[1]
    cx = ctT[0:1, :]
    cy = ctT[1:2, :]
    cz = ctT[2:3, :]
    sq_j = cx * cx + cy * cy + cz * cz
    tx = ct[:, 0:1]
    ty = ct[:, 1:2]
    tz = ct[:, 2:3]
    sq_i = tx * tx + ty * ty + tz * tz
    dotm = jnp.dot(ct, ctT, preferred_element_type=jnp.float32)
    d2 = sq_i + sq_j - 2.0 * dotm
    dist = jnp.sqrt(jnp.maximum(d2, 0.0))

    iota_f = jax.lax.broadcasted_iota(jnp.int32, (TILE, n), 1).astype(jnp.float32)
    big = jnp.float32(3.0e38)
    idx_cols = []
    d = dist
    for _ in range(KNN):
        m = jnp.min(d, axis=1, keepdims=True)
        j = jnp.min(jnp.where(d == m, iota_f, big), axis=1, keepdims=True)
        sel = iota_f == j
        d = jnp.where(sel, big, d)
        idx_cols.append(j)
    idx = jnp.concatenate(idx_cols, axis=1).astype(jnp.int32)
    idx_ref[0] = idx

    idx_lo = jnp.bitwise_and(idx, 127)
    idx_hi = jnp.right_shift(idx, 7)
    gx = jnp.zeros((TILE, KNN), jnp.float32)
    gy = jnp.zeros((TILE, KNN), jnp.float32)
    gz = jnp.zeros((TILE, KNN), jnp.float32)
    for ch in range(n // 128):
        inch = idx_hi == ch
        sl = slice(ch * 128, (ch + 1) * 128)
        px = jnp.take_along_axis(jnp.broadcast_to(cx[:, sl], (TILE, 128)),
                                 idx_lo, axis=1)
        py = jnp.take_along_axis(jnp.broadcast_to(cy[:, sl], (TILE, 128)),
                                 idx_lo, axis=1)
        pz = jnp.take_along_axis(jnp.broadcast_to(cz[:, sl], (TILE, 128)),
                                 idx_lo, axis=1)
        gx = jnp.where(inch, px, gx)
        gy = jnp.where(inch, py, gy)
        gz = jnp.where(inch, pz, gz)
    rx = gx - tx
    ry = gy - ty
    rz = gz - tz
    dd = jnp.sqrt(jnp.maximum(rx * rx + ry * ry + rz * rz, 1e-12)) + 1e-6
    dn = jnp.log1p(dd)
    geom_ref[0] = jnp.concatenate([rx, ry, rz, dn], axis=1)


def _edge_kernel(feat_t_ref, fn_ref, geom_ref, text_ref,
                 gate_w_ref, gate_b_ref, bias_w_ref, bias_b_ref,
                 w1big_ref, b1big_ref, geom_w2_ref, geom_b2_ref,
                 edge_w1_ref, edge_b1_ref, edge_w2_ref, edge_b2_ref,
                 msg_w_ref, msg_b_ref, m0_ref, m0t_ref,
                 out_w1_ref, out_w2_ref, out_b_ref, ln_g_ref, ln_b_ref,
                 o_ref):
    f32 = jnp.float32
    dot = functools.partial(jnp.dot, preferred_element_type=f32)
    feat_i = feat_t_ref[0]
    hdim = feat_i.shape[1]
    fnp = fn_ref[0].reshape(TILE * KNN, hdim // 2)
    lo = jax.lax.bitcast_convert_type(
        jax.lax.shift_left(fnp, 16), f32)
    hi = jax.lax.bitcast_convert_type(
        jnp.bitwise_and(fnp, jnp.int32(-65536)), f32)
    fn = jnp.concatenate([lo, hi], axis=1)
    A = geom_ref[0]

    tex = text_ref[0]
    tg = jax.nn.sigmoid(dot(tex, gate_w_ref[...]) + gate_b_ref[...])
    tb = dot(tex, bias_w_ref[...]) + bias_b_ref[...]

    g1w = jax.nn.relu(dot(A, w1big_ref[...]) + b1big_ref[...])
    g1 = g1w.reshape(TILE * KNN, hdim)
    gemb = jax.nn.relu(dot(g1, geom_w2_ref[...]) + geom_b2_ref[...])
    gcond = gemb * tg + tb

    frep = jnp.broadcast_to(feat_i[:, None, :],
                            (TILE, KNN, hdim)).reshape(TILE * KNN, hdim)
    ef = jnp.tanh(frep + fn + gcond)
    h = jax.nn.relu(dot(ef, edge_w1_ref[...]) + edge_b1_ref[...])
    logits = dot(h, edge_w2_ref[...]) + edge_b2_ref[...]

    ex = jnp.exp(logits)
    denom = dot(m0_ref[...], ex)
    edenom = dot(m0t_ref[...], denom)
    msg = jax.nn.relu(dot(fn, msg_w_ref[...]) + msg_b_ref[...])
    ctx = dot(m0_ref[...], msg * (ex / edenom))

    out = jax.nn.relu(dot(feat_i, out_w1_ref[...]) + dot(ctx, out_w2_ref[...])
                      + out_b_ref[...])
    x = feat_i + out
    mu = jnp.mean(x, axis=1, keepdims=True)
    var = jnp.mean((x - mu) ** 2, axis=1, keepdims=True)
    o_ref[0] = (x - mu) * jax.lax.rsqrt(var + 1e-5) * ln_g_ref[...] + ln_b_ref[...]


def _knn_call(centers, centersT):
    B, N, _ = centers.shape
    nt = N // TILE
    f32 = jnp.float32
    return pl.pallas_call(
        _knn_kernel,
        grid=(B, nt),
        in_specs=[
            pl.BlockSpec((1, TILE, 3), lambda b, t: (b, t, 0)),
            pl.BlockSpec((1, 3, N), lambda b, t: (b, 0, 0)),
        ],
        out_specs=[
            pl.BlockSpec((1, TILE, KNN), lambda b, t: (b, t, 0)),
            pl.BlockSpec((1, TILE, 4 * KNN), lambda b, t: (b, t, 0)),
        ],
        out_shape=[
            jax.ShapeDtypeStruct((B, N, KNN), jnp.int32),
            jax.ShapeDtypeStruct((B, N, 4 * KNN), f32),
        ],
        compiler_params=pltpu.CompilerParams(
            dimension_semantics=("parallel", "parallel")),
    )(centers, centersT)


def _edge_call(feat, fngat, geomA, text_global, weights):
    B, N, H = feat.shape
    nt = N // TILE
    f32 = jnp.float32
    (gate_w, gate_b, bias_w, bias_b, w1big, b1big, geom_w2, geom_b2,
     edge_w1, edge_b1, edge_w2, edge_b2, msg_w, msg_b, m0,
     out_w, out_b, ln_g, ln_b) = weights
    bcast = lambda b, t: (0, 0)
    w_spec = lambda shape: pl.BlockSpec(shape, bcast)
    Hh = edge_w1.shape[1]
    return pl.pallas_call(
        _edge_kernel,
        grid=(B, nt),
        in_specs=[
            pl.BlockSpec((1, TILE, H), lambda b, t: (b, t, 0)),
            pl.BlockSpec((1, TILE, KNN, H // 2), lambda b, t: (b, t, 0, 0)),
            pl.BlockSpec((1, TILE, 4 * KNN), lambda b, t: (b, t, 0)),
            pl.BlockSpec((1, 1, H), lambda b, t: (b, 0, 0)),
            w_spec((H, H)), w_spec((1, H)),
            w_spec((H, H)), w_spec((1, H)),
            w_spec((4 * KNN, KNN * H)), w_spec((1, KNN * H)),
            w_spec((H, H)), w_spec((1, H)),
            w_spec((H, Hh)), w_spec((1, Hh)),
            w_spec((Hh, 1)), w_spec((1, 1)),
            w_spec((H, H)), w_spec((1, H)),
            w_spec((TILE, TILE * KNN)),
            w_spec((TILE * KNN, TILE)),
            w_spec((H, H)), w_spec((H, H)), w_spec((1, H)),
            w_spec((1, H)), w_spec((1, H)),
        ],
        out_specs=pl.BlockSpec((1, TILE, H), lambda b, t: (b, t, 0)),
        out_shape=jax.ShapeDtypeStruct((B, N, H), f32),
        compiler_params=pltpu.CompilerParams(
            dimension_semantics=("parallel", "parallel")),
    )(feat, fngat, geomA, text_global.reshape(B, 1, H),
      gate_w, gate_b.reshape(1, H),
      bias_w, bias_b.reshape(1, H),
      w1big, b1big,
      geom_w2, geom_b2.reshape(1, H),
      edge_w1, edge_b1.reshape(1, Hh),
      edge_w2, edge_b2.reshape(1, 1),
      msg_w, msg_b.reshape(1, H), m0, m0.T,
      out_w[:H], out_w[H:], out_b.reshape(1, H),
      ln_g.reshape(1, H), ln_b.reshape(1, H))


def kernel(feat, centers, text_global, geom_w1, geom_b1, geom_w2, geom_b2,
           gate_w, gate_b, bias_w, bias_b, edge_w1, edge_b1, edge_w2, edge_b2,
           msg_w, msg_b, out_w, out_b, ln_g, ln_b):
    B, N, H = feat.shape
    f32 = jnp.float32

    w1big = (jnp.eye(KNN, dtype=f32)[None, :, :, None]
             * geom_w1[:, None, None, :]).reshape(4 * KNN, KNN * H)
    b1big = jnp.tile(geom_b1.reshape(1, H), (1, KNN))
    m0 = (jnp.arange(TILE * KNN, dtype=jnp.int32)[None, :] // KNN
          == jnp.arange(TILE, dtype=jnp.int32)[:, None]).astype(f32)
    weights = (gate_w, gate_b, bias_w, bias_b, w1big, b1big, geom_w2, geom_b2,
               edge_w1, edge_b1, edge_w2, edge_b2, msg_w, msg_b, m0,
               out_w, out_b, ln_g, ln_b)

    centersT = jnp.transpose(centers, (0, 2, 1))

    CH = 4
    offs = (jnp.arange(CH, dtype=jnp.int32) * N)[:, None, None]
    knn_res = []
    for b0 in range(0, B, CH):
        sl = slice(b0, b0 + CH)
        knn_res.append(_knn_call(centers[sl], centersT[sl]))
    gats = []
    for c, b0 in enumerate(range(0, B, CH)):
        sl = slice(b0, b0 + CH)
        gidx = (knn_res[c][0] + offs).reshape(1, CH * N * KNN)
        fb = feat[sl].reshape(CH * N, H).astype(jnp.bfloat16)
        u = jax.lax.bitcast_convert_type(fb, jnp.uint16).astype(jnp.uint32)
        packed = (u[:, :H // 2]
                  | (u[:, H // 2:] << 16)).astype(jnp.int32)
        gats.append(_sc_gather(packed, gidx).reshape(CH, N, KNN, H // 2))
    outs = []
    for c, b0 in enumerate(range(0, B, CH)):
        sl = slice(b0, b0 + CH)
        outs.append(_edge_call(feat[sl], gats[c], knn_res[c][1],
                               text_global[sl], weights))
    return jnp.concatenate(outs, axis=0)

# --- scband reference (transcript-rebuilt; emitter-appended) ---
"""Pipeline reference for scband-lang-rel-context-block-71064528879970 (READ-ONLY COPY).

The authoritative reference and input builder live on the scoring server;
editing this copy changes nothing except your own understanding.
"""

import jax, jax.numpy as jnp
import numpy as np

B_L, N, H, K = 8, 1024, 256, 16

def setup_inputs(seed: int = 0):
    key = jax.random.key(seed)
    ks = jax.random.split(key, 16)
    s = 0.05
    def nrm(k, shape):
        return jax.random.normal(k, shape, dtype=jnp.float32) * s
    return {
        "feat": jax.random.normal(ks[0], (B_L, N, H), dtype=jnp.float32),
        "centers": jax.random.normal(ks[1], (B_L, N, 3), dtype=jnp.float32),
        "text_global": jax.random.normal(ks[2], (B_L, H), dtype=jnp.float32),
        "geom_w1": nrm(ks[3], (4, H)), "geom_b1": jnp.zeros((H,), jnp.float32),
        "geom_w2": nrm(ks[4], (H, H)), "geom_b2": jnp.zeros((H,), jnp.float32),
        "gate_w": nrm(ks[5], (H, H)), "gate_b": jnp.zeros((H,), jnp.float32),
        "bias_w": nrm(ks[6], (H, H)), "bias_b": jnp.zeros((H,), jnp.float32),
        "edge_w1": nrm(ks[7], (H, H // 2)), "edge_b1": jnp.zeros((H // 2,), jnp.float32),
        "edge_w2": nrm(ks[8], (H // 2, 1)), "edge_b2": jnp.zeros((1,), jnp.float32),
        "msg_w": nrm(ks[9], (H, H)), "msg_b": jnp.zeros((H,), jnp.float32),
        "out_w": nrm(ks[10], (2 * H, H)), "out_b": jnp.zeros((H,), jnp.float32),
        "ln_g": jnp.ones((H,), jnp.float32), "ln_b": jnp.zeros((H,), jnp.float32),
    }

def _forward(feat, centers, text_global, geom_w1, geom_b1, geom_w2, geom_b2, gate_w, gate_b, bias_w, bias_b, edge_w1, edge_b1, edge_w2, edge_b2, msg_w, msg_b, out_w, out_b, ln_g, ln_b):
    B, Np, Hd = feat.shape
    k = min(K, Np)
    sq = jnp.sum(centers * centers, axis=-1)
    d2 = sq[:, :, None] + sq[:, None, :] - 2.0 * jnp.einsum('bnd,bmd->bnm', centers, centers)
    dist_matrix = jnp.sqrt(jnp.maximum(d2, 0.0))
    _, knn_idx = jax.lax.top_k(-jax.lax.stop_gradient(dist_matrix), k)
    idx_flat = knn_idx.reshape(B, Np * k)
    feat_neigh = jnp.take_along_axis(feat, idx_flat[:, :, None], axis=1).reshape(B, Np, k, Hd)
    centers_neigh = jnp.take_along_axis(centers, idx_flat[:, :, None], axis=1).reshape(B, Np, k, 3)
    rel = centers_neigh - centers[:, :, None, :]
    dist = jnp.sqrt(jnp.maximum(jnp.sum(rel * rel, axis=-1, keepdims=True), 1e-12)) + 1e-06
    dist_norm = jnp.log1p(dist)
    geom = jnp.concatenate([rel, dist_norm], axis=-1)
    geom_emb = jax.nn.relu(jax.nn.relu(geom @ geom_w1 + geom_b1) @ geom_w2 + geom_b2)
    text_gate = jax.nn.sigmoid(text_global @ gate_w + gate_b)[:, None, None, :]
    text_bias = (text_global @ bias_w + bias_b)[:, None, None, :]
    geom_cond = geom_emb * text_gate + text_bias
    edge_feat = jnp.tanh(feat[:, :, None, :] + feat_neigh + geom_cond)
    edge_logits = (jax.nn.relu(edge_feat @ edge_w1 + edge_b1) @ edge_w2 + edge_b2)[..., 0]
    edge_alpha = jax.nn.softmax(edge_logits, axis=-1)[..., None]
    msg = jax.nn.relu(feat_neigh @ msg_w + msg_b)
    ctx = jnp.sum(edge_alpha * msg, axis=2)
    out = jax.nn.relu(jnp.concatenate([feat, ctx], axis=-1) @ out_w + out_b)
    x = feat + out
    mu = jnp.mean(x, axis=-1, keepdims=True)
    var = jnp.mean((x - mu) ** 2, axis=-1, keepdims=True)
    return (x - mu) / jnp.sqrt(var + 1e-05) * ln_g + ln_b

def reference(feat, centers, text_global, geom_w1, geom_b1, geom_w2, geom_b2, gate_w, gate_b, bias_w, bias_b, edge_w1, edge_b1, edge_w2, edge_b2, msg_w, msg_b, out_w, out_b, ln_g, ln_b):
    return _forward(feat, centers, text_global, geom_w1, geom_b1, geom_w2, geom_b2, gate_w, gate_b, bias_w, bias_b, edge_w1, edge_b1, edge_w2, edge_b2, msg_w, msg_b, out_w, out_b, ln_g, ln_b)

if __name__ == "__main__":
    import jax
    _d = setup_inputs()
    print(jax.jit(kernel)(*tuple(_d.values())))

</pallas_src>

<mosaic_0001>
#map = affine_map<(d0, d1) -> (0, 0)>
module attributes {stable_mosaic.version = 14 : i64} {
  func.func @gather_kernel(%arg0: i32, %arg1: i32, %arg2: memref<4096x128xi32, #tpu.memory_space<hbm>>, %arg3: memref<1x65536xi32, #tpu.memory_space<hbm>>, %arg4: memref<65536x128xi32, #tpu.memory_space<hbm>>) attributes {dimension_semantics = [#tpu.dimension_semantics<core_parallel>, #tpu.dimension_semantics<subcore_parallel>], iteration_bounds = array<i64: 2, 16>, scalar_prefetch = 0 : i64, scratch_operands = 0 : i64, tpu.core_type = #tpu.core_type<sc_vector_subcore>, window_params = [{transform_indices = #map}, {transform_indices = #map}, {transform_indices = #map}]} {
    %mul3A = arith.constant 1 : i32
    %mul3A_0 = arith.muli %arg1, %mul3A : i32
    %add3A = arith.constant 0 : i32
    %add3A_1 = arith.addi %add3A, %mul3A_0 : i32
    %mul3A_2 = arith.constant 16 : i32
    %mul3A_3 = arith.muli %arg0, %mul3A_2 : i32
    %add3A_4 = arith.addi %add3A_1, %mul3A_3 : i32
    %mul3A_5 = arith.constant 16 : i32
    %mul3A_6 = arith.muli %add3A_4, %mul3A_5 : i32
    "tpu.region"() ({
      %run_scoped3A = memref.alloca() : memref<2x1x128xi32, #tpu.memory_space<vmem>>
      %run_scoped3A_7 = tpu.sem_alloc : memref<2x!tpu.dma_semaphore, #tpu.memory_space<semaphore_mem>>
      %run_scoped3A_8 = memref.alloca() : memref<2x128x128xi32, #tpu.memory_space<vmem>>
      %run_scoped3A_9 = tpu.sem_alloc : memref<2x!tpu.dma_semaphore, #tpu.memory_space<semaphore_mem>>
      %add3A_10 = arith.constant 0 : i32
      %add3A_11 = arith.addi %add3A_10, %mul3A_6 : i32
      %select_n3A = arith.constant true
      %select_n3A_12 = arith.constant 0 : i32
      %select_n3A_13 = arith.constant -1 : i32
      %select_n3A_14 = arith.select %select_n3A, %select_n3A_13, %select_n3A_12 : i32
      %eq3A = arith.constant -1 : i32
      %eq3A_15 = arith.cmpi eq, %select_n3A_14, %eq3A : i32
      %select_n3A_16 = arith.constant 15 : i32
      %select_n3A_17 = arith.select %eq3A_15, %select_n3A_16, %select_n3A_14 : i32
      %add3A_18 = arith.addi %select_n3A_17, %mul3A_6 : i32
      %select_n3A_19 = arith.constant true
      %select_n3A_20 = arith.constant 0 : i32
      %select_n3A_21 = arith.constant 1 : i32
      %select_n3A_22 = arith.select %select_n3A_19, %select_n3A_21, %select_n3A_20 : i32
      %eq3A_23 = arith.constant 16 : i32
      %eq3A_24 = arith.cmpi eq, %select_n3A_22, %eq3A_23 : i32
      %select_n3A_25 = arith.constant 0 : i32
      %select_n3A_26 = arith.select %eq3A_24, %select_n3A_25, %select_n3A_22 : i32
      %add3A_27 = arith.addi %select_n3A_26, %mul3A_6 : i32
      %add3A_28 = arith.constant 1 : i32
      %add3A_29 = arith.addi %select_n3A_26, %add3A_28 : i32
      %select_n3A_30 = arith.constant true
      %select_n3A_31 = arith.select %select_n3A_30, %add3A_29, %select_n3A_26 : i32
      %eq3A_32 = arith.constant 16 : i32
      %eq3A_33 = arith.cmpi eq, %select_n3A_31, %eq3A_32 : i32
      %select_n3A_34 = arith.constant 0 : i32
      %select_n3A_35 = arith.select %eq3A_33, %select_n3A_34, %select_n3A_31 : i32
      %add3A_36 = arith.addi %select_n3A_35, %mul3A_6 : i32
      "tpu.trace_start"() <{level = 10 : i32, message = "ep_initialize_0"}> : () -> ()
      %rem3A = arith.constant 0 : i32
      %rem3A_37 = arith.constant 2 : i32
      %rem3A_38 = arith.remui %rem3A, %rem3A_37 : i32
      %mul3A_39 = arith.constant 128 : i32
      %mul3A_40 = arith.muli %mul3A_39, %add3A_11 : i32
      %dma_start3A = arith.constant 0 : i32
      %dma_start3A_41 = arith.constant 0 : i32
      %dma_start3A_42 = tpu.memref_slice %run_scoped3A[%rem3A_38, %dma_start3A, %dma_start3A_41] : memref<2x1x128xi32, #tpu.memory_space<vmem>> -> memref<1x1x128xi32, #tpu.memory_space<vmem>>
      %dma_start3A_43 = tpu.memref_squeeze %dma_start3A_42 : memref<1x1x128xi32, #tpu.memory_space<vmem>> -> memref<1x128xi32, #tpu.memory_space<vmem>>
      %dma_start3A_44 = arith.constant 0 : i32
      %dma_start3A_45 = tpu.memref_slice %arg3[%dma_start3A_44, %mul3A_40] : memref<1x65536xi32, #tpu.memory_space<hbm>> -> memref<1x128xi32, #tpu.memory_space<hbm>>
      %dma_start3A_46 = tpu.memref_slice %run_scoped3A_7[%rem3A_38] : memref<2x!tpu.dma_semaphore, #tpu.memory_space<semaphore_mem>> -> memref<1x!tpu.dma_semaphore, #tpu.memory_space<semaphore_mem>>
      %dma_start3A_47 = tpu.memref_squeeze %dma_start3A_46 : memref<1x!tpu.dma_semaphore, #tpu.memory_space<semaphore_mem>> -> memref<!tpu.dma_semaphore, #tpu.memory_space<semaphore_mem>>
      %dma_start3A_48 = arith.constant 0 : i32
      %dma_start3A_49 = arith.constant 0 : i32
      %dma_start3A_50 = tpu.memref_slice %run_scoped3A[%rem3A_38, %dma_start3A_48, %dma_start3A_49] : memref<2x1x128xi32, #tpu.memory_space<vmem>> -> memref<1x1x128xi32, #tpu.memory_space<vmem>>
      %dma_start3A_51 = tpu.memref_squeeze %dma_start3A_50 : memref<1x1x128xi32, #tpu.memory_space<vmem>> -> memref<1x128xi32, #tpu.memory_space<vmem>>
      %dma_start3A_52 = arith.constant 0 : i32
      %dma_start3A_53 = tpu.memref_slice %arg3[%dma_start3A_52, %mul3A_40] : memref<1x65536xi32, #tpu.memory_space<hbm>> -> memref<1x128xi32, #tpu.memory_space<hbm>>
      tpu.enqueue_dma source(%dma_start3A_53 : memref<1x128xi32, #tpu.memory_space<hbm>>) target(%dma_start3A_51 : memref<1x128xi32, #tpu.memory_space<vmem>>) target_semaphore(%dma_start3A_47 : memref<!tpu.dma_semaphore, #tpu.memory_space<semaphore_mem>>)
      %add3A_54 = arith.constant 0 : i32
      %add3A_55 = arith.constant 1 : i32
      %add3A_56 = arith.addi %add3A_54, %add3A_55 : i32
      %select_n3A_57 = arith.constant true
      %select_n3A_58 = arith.constant 0 : i32
      %select_n3A_59 = arith.select %select_n3A_57, %add3A_56, %select_n3A_58 : i32
      "tpu.trace_stop"() : () -> ()
      %scan3A = arith.constant 0 : i32
      %scan3A_60 = arith.constant 0 : i32
      %scan3A_61 = arith.constant 0 : i32
      %scan3A_62 = arith.constant 0 : i32
      %scan3A_63 = arith.constant 0 : i32
      %scan3A_64 = arith.constant 16 : i32
      %scan3A_65 = arith.addi %scan3A_63, %scan3A_64 : i32
      %scan3A_66 = arith.constant 1 : i32
      %scan3A_67:5 = scf.for %scan3A_121 = %scan3A_63 to %scan3A_65 step %scan3A_66 iter_args(%scan3A_122 = %select_n3A_59, %scan3A_123 = %scan3A, %scan3A_124 = %scan3A_60, %scan3A_125 = %scan3A_61, %scan3A_126 = %scan3A_62) -> (i32, i32, i32, i32, i32)  : i32 {
        %eq3A_127 = arith.constant 0 : i32
        %eq3A_128 = arith.cmpi eq, %scan3A_121, %eq3A_127 : i32
        %eq3A_129 = arith.constant 15 : i32
        %eq3A_130 = arith.cmpi eq, %scan3A_121, %eq3A_129 : i32
        %add3A_131 = arith.addi %scan3A_126, %mul3A_6 : i32
        %sub3A_132 = arith.constant 1 : i32
        %sub3A_133 = arith.subi %scan3A_126, %sub3A_132 : i32
        %select_n3A_134 = arith.constant true
        %select_n3A_135 = arith.select %select_n3A_134, %sub3A_133, %scan3A_126 : i32
        %eq3A_136 = arith.constant -1 : i32
        %eq3A_137 = arith.cmpi eq, %select_n3A_135, %eq3A_136 : i32
        %select_n3A_138 = arith.constant 15 : i32
        %select_n3A_139 = arith.select %eq3A_137, %select_n3A_138, %select_n3A_135 : i32
        %add3A_140 = arith.addi %select_n3A_139, %mul3A_6 : i32
        %add3A_141 = arith.constant 1 : i32
        %add3A_142 = arith.addi %scan3A_126, %add3A_141 : i32
        %select_n3A_143 = arith.constant true
        %select_n3A_144 = arith.select %select_n3A_143, %add3A_142, %scan3A_126 : i32
        %eq3A_145 = arith.constant 16 : i32
        %eq3A_146 = arith.cmpi eq, %select_n3A_144, %eq3A_145 : i32
        %select_n3A_147 = arith.constant 0 : i32
        %select_n3A_148 = arith.select %eq3A_146, %select_n3A_147, %select_n3A_144 : i32
        %add3A_149 = arith.addi %select_n3A_148, %mul3A_6 : i32
        %add3A_150 = arith.constant 1 : i32
        %add3A_151 = arith.addi %select_n3A_148, %add3A_150 : i32
        %select_n3A_152 = arith.constant true
        %select_n3A_153 = arith.select %select_n3A_152, %add3A_151, %select_n3A_148 : i32
        %eq3A_154 = arith.constant 16 : i32
        %eq3A_155 = arith.cmpi eq, %select_n3A_153, %eq3A_154 : i32
        %select_n3A_156 = arith.constant 0 : i32
        %select_n3A_157 = arith.select %eq3A_155, %select_n3A_156, %select_n3A_153 : i32
        %add3A_158 = arith.addi %select_n3A_157, %mul3A_6 : i32
        %ne3A = arith.cmpi ne, %add3A_131, %add3A_149 : i32
        %or3A = arith.constant false
        %or3A_159 = arith.ori %or3A, %ne3A : i1
        %ge3A = arith.constant 15 : i32
        %ge3A_160 = arith.cmpi sge, %scan3A_121, %ge3A : i32
        %not3A = arith.constant true
        %not3A_161 = arith.xori %ge3A_160, %not3A : i1
        %and3A = arith.andi %or3A_159, %not3A_161 : i1
        %convert_element_type3A = arith.extui %and3A : i1 to i32
        %cond3A = arith.constant 0 : i32
        %cond3A_162 = arith.cmpi ne, %convert_element_type3A, %cond3A : i32
        scf.if %cond3A_162 {
          "tpu.trace_start"() <{level = 10 : i32, message = "ep_copy_in"}> : () -> ()
          %rem3A_264 = arith.constant 2 : i32
          %rem3A_265 = arith.remui %scan3A_122, %rem3A_264 : i32
          %mul3A_266 = arith.constant 128 : i32
          %mul3A_267 = arith.muli %mul3A_266, %add3A_149 : i32
          %dma_start3A_268 = arith.constant 0 : i32
          %dma_start3A_269 = arith.constant 0 : i32
          %dma_start3A_270 = tpu.memref_slice %run_scoped3A[%rem3A_265, %dma_start3A_268, %dma_start3A_269] : memref<2x1x128xi32, #tpu.memory_space<vmem>> -> memref<1x1x128xi32, #tpu.memory_space<vmem>>
          %dma_start3A_271 = tpu.memref_squeeze %dma_start3A_270 : memref<1x1x128xi32, #tpu.memory_space<vmem>> -> memref<1x128xi32, #tpu.memory_space<vmem>>
          %dma_start3A_272 = arith.constant 0 : i32
          %dma_start3A_273 = tpu.memref_slice %arg3[%dma_start3A_272, %mul3A_267] : memref<1x65536xi32, #tpu.memory_space<hbm>> -> memref<1x128xi32, #tpu.memory_space<hbm>>
          %dma_start3A_274 = tpu.memref_slice %run_scoped3A_7[%rem3A_265] : memref<2x!tpu.dma_semaphore, #tpu.memory_space<semaphore_mem>> -> memref<1x!tpu.dma_semaphore, #tpu.memory_space<semaphore_mem>>
          %dma_start3A_275 = tpu.memref_squeeze %dma_start3A_274 : memref<1x!tpu.dma_semaphore, #tpu.memory_space<semaphore_mem>> -> memref<!tpu.dma_semaphore, #tpu.memory_space<semaphore_mem>>
          %dma_start3A_276 = arith.constant 0 : i32
          %dma_start3A_277 = arith.constant 0 : i32
          %dma_start3A_278 = tpu.memref_slice %run_scoped3A[%rem3A_265, %dma_start3A_276, %dma_start3A_277] : memref<2x1x128xi32, #tpu.memory_space<vmem>> -> memref<1x1x128xi32, #tpu.memory_space<vmem>>
          %dma_start3A_279 = tpu.memref_squeeze %dma_start3A_278 : memref<1x1x128xi32, #tpu.memory_space<vmem>> -> memref<1x128xi32, #tpu.memory_space<vmem>>
          %dma_start3A_280 = arith.constant 0 : i32
          %dma_start3A_281 = tpu.memref_slice %arg3[%dma_start3A_280, %mul3A_267] : memref<1x65536xi32, #tpu.memory_space<hbm>> -> memref<1x128xi32, #tpu.memory_space<hbm>>
          tpu.enqueue_dma source(%dma_start3A_281 : memref<1x128xi32, #tpu.memory_space<hbm>>) target(%dma_start3A_279 : memref<1x128xi32, #tpu.memory_space<vmem>>) target_semaphore(%dma_start3A_275 : memref<!tpu.dma_semaphore, #tpu.memory_space<semaphore_mem>>)
          "tpu.trace_stop"() : () -> ()
        } else {
        }
        %and3A_163 = arith.constant true
        %and3A_164 = arith.andi %and3A, %and3A_163 : i1
        %add3A_165 = arith.constant 1 : i32
        %add3A_166 = arith.addi %scan3A_122, %add3A_165 : i32
        %select_n3A_167 = arith.select %and3A_164, %add3A_166, %scan3A_122 : i32
        %ne3A_168 = arith.cmpi ne, %add3A_131, %add3A_149 : i32
        %or3A_169 = arith.constant false
        %or3A_170 = arith.ori %or3A_169, %ne3A_168 : i1
        %or3A_171 = arith.constant false
        %or3A_172 = arith.ori %or3A_170, %or3A_171 : i1
        %ge3A_173 = arith.constant 15 : i32
        %ge3A_174 = arith.cmpi sge, %scan3A_121, %ge3A_173 : i32
        %not3A_175 = arith.constant true
        %not3A_176 = arith.xori %ge3A_174, %not3A_175 : i1
        %and3A_177 = arith.andi %or3A_172, %not3A_176 : i1
        %ne3A_178 = arith.cmpi ne, %add3A_131, %add3A_140 : i32
        %or3A_179 = arith.constant false
        %or3A_180 = arith.ori %or3A_179, %ne3A_178 : i1
        %or3A_181 = arith.ori %or3A_180, %eq3A_128 : i1
        %convert_element_type3A_182 = arith.extui %or3A_181 : i1 to i32
        %cond3A_183 = arith.constant 0 : i32
        %cond3A_184 = arith.cmpi ne, %convert_element_type3A_182, %cond3A_183 : i32
        scf.if %cond3A_184 {
          "tpu.trace_start"() <{level = 10 : i32, message = "ep_wait_in"}> : () -> ()
          %mul3A_264 = arith.constant 128 : i32
          %mul3A_265 = arith.muli %mul3A_264, %add3A_131 : i32
          %rem3A_266 = arith.constant 2 : i32
          %rem3A_267 = arith.remui %scan3A_123, %rem3A_266 : i32
          %dma_wait3A_268 = arith.constant 0 : i32
          %dma_wait3A_269 = arith.constant 0 : i32
          %dma_wait3A_270 = tpu.memref_slice %run_scoped3A[%rem3A_267, %dma_wait3A_268, %dma_wait3A_269] : memref<2x1x128xi32, #tpu.memory_space<vmem>> -> memref<1x1x128xi32, #tpu.memory_space<vmem>>
          %dma_wait3A_271 = tpu.memref_squeeze %dma_wait3A_270 : memref<1x1x128xi32, #tpu.memory_space<vmem>> -> memref<1x128xi32, #tpu.memory_space<vmem>>
          %dma_wait3A_272 = arith.constant 0 : i32
          %dma_wait3A_273 = tpu.memref_slice %arg3[%dma_wait3A_272, %mul3A_265] : memref<1x65536xi32, #tpu.memory_space<hbm>> -> memref<1x128xi32, #tpu.memory_space<hbm>>
          %dma_wait3A_274 = tpu.memref_slice %run_scoped3A_7[%rem3A_267] : memref<2x!tpu.dma_semaphore, #tpu.memory_space<semaphore_mem>> -> memref<1x!tpu.dma_semaphore, #tpu.memory_space<semaphore_mem>>
          %dma_wait3A_275 = tpu.memref_squeeze %dma_wait3A_274 : memref<1x!tpu.dma_semaphore, #tpu.memory_space<semaphore_mem>> -> memref<!tpu.dma_semaphore, #tpu.memory_space<semaphore_mem>>
          %dma_wait3A_276 = arith.constant 0 : i32
          %dma_wait3A_277 = arith.constant 0 : i32
          %dma_wait3A_278 = tpu.memref_slice %run_scoped3A[%rem3A_267, %dma_wait3A_276, %dma_wait3A_277] : memref<2x1x128xi32, #tpu.memory_space<vmem>> -> memref<1x1x128xi32, #tpu.memory_space<vmem>>
          %dma_wait3A_279 = tpu.memref_squeeze %dma_wait3A_278 : memref<1x1x128xi32, #tpu.memory_space<vmem>> -> memref<1x128xi32, #tpu.memory_space<vmem>>
          %dma_wait3A_280 = arith.constant 0 : i32
          %dma_wait3A_281 = tpu.memref_slice %arg3[%dma_wait3A_280, %mul3A_265] : memref<1x65536xi32, #tpu.memory_space<hbm>> -> memref<1x128xi32, #tpu.memory_space<hbm>>
          tpu.wait_dma2 semaphore(%dma_wait3A_275 : memref<!tpu.dma_semaphore, #tpu.memory_space<semaphore_mem>>) src(%dma_wait3A_281 : memref<1x128xi32, #tpu.memory_space<hbm>>) dst(%dma_wait3A_279 : memref<1x128xi32, #tpu.memory_space<vmem>>)
          "tpu.trace_stop"() : () -> ()
        } else {
        }
        %ne3A_185 = arith.cmpi ne, %add3A_131, %add3A_140 : i32
        %or3A_186 = arith.constant false
        %or3A_187 = arith.ori %or3A_186, %ne3A_185 : i1
        %or3A_188 = arith.constant false
        %or3A_189 = arith.ori %or3A_187, %or3A_188 : i1
        %or3A_190 = arith.ori %or3A_189, %eq3A_128 : i1
        %convert_element_type3A_191 = arith.extui %or3A_190 : i1 to i32
        %cond3A_192 = arith.constant 0 : i32
        %cond3A_193 = arith.cmpi ne, %convert_element_type3A_191, %cond3A_192 : i32
        scf.if %cond3A_193 {
        } else {
        }
        %rem3A_194 = arith.constant 2 : i32
        %rem3A_195 = arith.remui %scan3A_123, %rem3A_194 : i32
        %rem3A_196 = arith.constant 2 : i32
        %rem3A_197 = arith.remui %scan3A_124, %rem3A_196 : i32
        %run_scoped3A_198 = arith.constant 0 : i32
        "tpu.trace_start"() <{level = 10 : i32, message = "ep_run_kernel"}> : () -> ()
        "tpu.region"() ({
          %run_scoped3A_264 = tpu.sem_alloc : memref<!tpu.dma_semaphore, #tpu.memory_space<semaphore_mem>>
          %dma_start3A_265 = arith.constant 0 : i32
          %dma_start3A_266 = arith.constant 0 : i32
          %dma_start3A_267 = tpu.memref_slice %run_scoped3A_8[%rem3A_197, %dma_start3A_265, %dma_start3A_266] : memref<2x128x128xi32, #tpu.memory_space<vmem>> -> memref<1x128x128xi32, #tpu.memory_space<vmem>>
          %dma_start3A_268 = tpu.memref_squeeze %dma_start3A_267 : memref<1x128x128xi32, #tpu.memory_space<vmem>> -> memref<128x128xi32, #tpu.memory_space<vmem>>
          %dma_start3A_269 = arith.constant 0 : i32
          %dma_start3A_270 = arith.constant 0 : i32
          %dma_start3A_271 = tpu.memref_slice %run_scoped3A[%rem3A_195, %dma_start3A_269, %dma_start3A_270] : memref<2x1x128xi32, #tpu.memory_space<vmem>> -> memref<1x1x128xi32, #tpu.memory_space<vmem>>
          %dma_start3A_272 = tpu.memref_squeeze %dma_start3A_271 : memref<1x1x128xi32, #tpu.memory_space<vmem>> -> memref<1x128xi32, #tpu.memory_space<vmem>>
          %dma_start3A_273 = arith.constant 0 : i32
          %dma_start3A_274 = tpu.memref_slice %dma_start3A_272[%run_scoped3A_198, %dma_start3A_273] : memref<1x128xi32, #tpu.memory_space<vmem>> -> memref<1x128xi32, #tpu.memory_space<vmem>>
          %dma_start3A_275 = tpu.memref_squeeze %dma_start3A_274 : memref<1x128xi32, #tpu.memory_space<vmem>> -> memref<128xi32, #tpu.memory_space<vmem>>
          %dma_start3A_276 = arith.constant 0 : i32
          %dma_start3A_277 = arith.constant 0 : i32
          %dma_start3A_278 = tpu.memref_slice %arg2[%dma_start3A_276, %dma_start3A_277] : memref<4096x128xi32, #tpu.memory_space<hbm>> -> memref<4096x128xi32, #tpu.memory_space<hbm>>
          tpu.enqueue_indirect_dma source(%dma_start3A_278 : memref<4096x128xi32, #tpu.memory_space<hbm>>) target(%dma_start3A_268 : memref<128x128xi32, #tpu.memory_space<vmem>>) offsets(%dma_start3A_275 : memref<128xi32, #tpu.memory_space<vmem>>) semaphore(%run_scoped3A_264 : memref<!tpu.dma_semaphore, #tpu.memory_space<semaphore_mem>>)
          %dma_wait3A_279 = arith.constant 0 : i32
          %dma_wait3A_280 = arith.constant 0 : i32
          %dma_wait3A_281 = tpu.memref_slice %run_scoped3A_8[%rem3A_197, %dma_wait3A_279, %dma_wait3A_280] : memref<2x128x128xi32, #tpu.memory_space<vmem>> -> memref<1x128x128xi32, #tpu.memory_space<vmem>>
          %dma_wait3A_282 = tpu.memref_squeeze %dma_wait3A_281 : memref<1x128x128xi32, #tpu.memory_space<vmem>> -> memref<128x128xi32, #tpu.memory_space<vmem>>
          %dma_wait3A_283 = arith.constant 0 : i32
          %dma_wait3A_284 = arith.constant 0 : i32
          %dma_wait3A_285 = tpu.memref_slice %run_scoped3A[%rem3A_195, %dma_wait3A_283, %dma_wait3A_284] : memref<2x1x128xi32, #tpu.memory_space<vmem>> -> memref<1x1x128xi32, #tpu.memory_space<vmem>>
          %dma_wait3A_286 = tpu.memref_squeeze %dma_wait3A_285 : memref<1x1x128xi32, #tpu.memory_space<vmem>> -> memref<1x128xi32, #tpu.memory_space<vmem>>
          %dma_wait3A_287 = arith.constant 0 : i32
          %dma_wait3A_288 = tpu.memref_slice %dma_wait3A_286[%run_scoped3A_198, %dma_wait3A_287] : memref<1x128xi32, #tpu.memory_space<vmem>> -> memref<1x128xi32, #tpu.memory_space<vmem>>
          %dma_wait3A_289 = tpu.memref_squeeze %dma_wait3A_288 : memref<1x128xi32, #tpu.memory_space<vmem>> -> memref<128xi32, #tpu.memory_space<vmem>>
          %dma_wait3A_290 = arith.constant 0 : i32
          %dma_wait3A_291 = arith.constant 0 : i32
          %dma_wait3A_292 = tpu.memref_slice %arg2[%dma_wait3A_290, %dma_wait3A_291] : memref<4096x128xi32, #tpu.memory_space<hbm>> -> memref<4096x128xi32, #tpu.memory_space<hbm>>
          tpu.wait_indirect_dma semaphore(%run_scoped3A_264 : memref<!tpu.dma_semaphore, #tpu.memory_space<semaphore_mem>>) src(%dma_wait3A_292 : memref<4096x128xi32, #tpu.memory_space<hbm>>) dst(%dma_wait3A_282 : memref<128x128xi32, #tpu.memory_space<vmem>>)
          tpu.yield
        }) : () -> ()
        "tpu.trace_stop"() : () -> ()
        %ne3A_199 = arith.cmpi ne, %add3A_131, %add3A_149 : i32
        %or3A_200 = arith.constant false
        %or3A_201 = arith.ori %or3A_200, %ne3A_199 : i1
        %or3A_202 = arith.ori %or3A_201, %eq3A_130 : i1
        %convert_element_type3A_203 = arith.extui %or3A_202 : i1 to i32
        %cond3A_204 = arith.constant 0 : i32
        %cond3A_205 = arith.cmpi ne, %convert_element_type3A_203, %cond3A_204 : i32
        scf.if %cond3A_205 {
        } else {
        }
        %and3A_206 = arith.constant false
        %and3A_207 = arith.andi %or3A_202, %and3A_206 : i1
        %ne3A_208 = arith.cmpi ne, %add3A_131, %add3A_149 : i32
        %or3A_209 = arith.constant false
        %or3A_210 = arith.ori %or3A_209, %ne3A_208 : i1
        %or3A_211 = arith.constant false
        %or3A_212 = arith.ori %or3A_210, %or3A_211 : i1
        %or3A_213 = arith.ori %or3A_212, %eq3A_130 : i1
        %convert_element_type3A_214 = arith.extui %or3A_213 : i1 to i32
        %cond3A_215 = arith.constant 0 : i32
        %cond3A_216 = arith.cmpi ne, %convert_element_type3A_214, %cond3A_215 : i32
        scf.if %cond3A_216 {
          "tpu.trace_start"() <{level = 10 : i32, message = "ep_copy_out"}> : () -> ()
          %rem3A_264 = arith.constant 2 : i32
          %rem3A_265 = arith.remui %scan3A_124, %rem3A_264 : i32
          %mul3A_266 = arith.constant 128 : i32
          %mul3A_267 = arith.muli %mul3A_266, %add3A_131 : i32
          %dma_start3A_268 = arith.constant 0 : i32
          %dma_start3A_269 = arith.constant 0 : i32
          %dma_start3A_270 = tpu.memref_slice %run_scoped3A_8[%rem3A_265, %dma_start3A_268, %dma_start3A_269] : memref<2x128x128xi32, #tpu.memory_space<vmem>> -> memref<1x128x128xi32, #tpu.memory_space<vmem>>
          %dma_start3A_271 = tpu.memref_squeeze %dma_start3A_270 : memref<1x128x128xi32, #tpu.memory_space<vmem>> -> memref<128x128xi32, #tpu.memory_space<vmem>>
          %dma_start3A_272 = arith.constant 0 : i32
          %dma_start3A_273 = tpu.memref_slice %arg4[%mul3A_267, %dma_start3A_272] : memref<65536x128xi32, #tpu.memory_space<hbm>> -> memref<128x128xi32, #tpu.memory_space<hbm>>
          %dma_start3A_274 = tpu.memref_slice %run_scoped3A_9[%rem3A_265] : memref<2x!tpu.dma_semaphore, #tpu.memory_space<semaphore_mem>> -> memref<1x!tpu.dma_semaphore, #tpu.memory_space<semaphore_mem>>
          %dma_start3A_275 = tpu.memref_squeeze %dma_start3A_274 : memref<1x!tpu.dma_semaphore, #tpu.memory_space<semaphore_mem>> -> memref<!tpu.dma_semaphore, #tpu.memory_space<semaphore_mem>>
          %dma_start3A_276 = arith.constant 0 : i32
          %dma_start3A_277 = tpu.memref_slice %arg4[%mul3A_267, %dma_start3A_276] : memref<65536x128xi32, #tpu.memory_space<hbm>> -> memref<128x128xi32, #tpu.memory_space<hbm>>
          %dma_start3A_278 = arith.constant 0 : i32
          %dma_start3A_279 = arith.constant 0 : i32
          %dma_start3A_280 = tpu.memref_slice %run_scoped3A_8[%rem3A_265, %dma_start3A_278, %dma_start3A_279] : memref<2x128x128xi32, #tpu.memory_space<vmem>> -> memref<1x128x128xi32, #tpu.memory_space<vmem>>
          %dma_start3A_281 = tpu.memref_squeeze %dma_start3A_280 : memref<1x128x128xi32, #tpu.memory_space<vmem>> -> memref<128x128xi32, #tpu.memory_space<vmem>>
          tpu.enqueue_dma source(%dma_start3A_281 : memref<128x128xi32, #tpu.memory_space<vmem>>) target(%dma_start3A_277 : memref<128x128xi32, #tpu.memory_space<hbm>>) target_semaphore(%dma_start3A_275 : memref<!tpu.dma_semaphore, #tpu.memory_space<semaphore_mem>>)
          "tpu.trace_stop"() : () -> ()
        } else {
        }
        %and3A_217 = arith.constant true
        %and3A_218 = arith.andi %or3A_213, %and3A_217 : i1
        %add3A_219 = arith.constant 1 : i32
        %add3A_220 = arith.addi %scan3A_124, %add3A_219 : i32
        %select_n3A_221 = arith.select %and3A_218, %add3A_220, %scan3A_124 : i32
        %ne3A_222 = arith.cmpi ne, %add3A_131, %add3A_140 : i32
        %or3A_223 = arith.constant false
        %or3A_224 = arith.ori %or3A_223, %ne3A_222 : i1
        %not3A_225 = arith.constant true
        %not3A_226 = arith.xori %eq3A_128, %not3A_225 : i1
        %and3A_227 = arith.andi %or3A_224, %not3A_226 : i1
        %convert_element_type3A_228 = arith.extui %and3A_227 : i1 to i32
        %cond3A_229 = arith.constant 0 : i32
        %cond3A_230 = arith.cmpi ne, %convert_element_type3A_228, %cond3A_229 : i32
        scf.if %cond3A_230 {
        } else {
        }
        %and3A_231 = arith.constant false
        %and3A_232 = arith.andi %and3A_227, %and3A_231 : i1
        %ne3A_233 = arith.cmpi ne, %add3A_131, %add3A_140 : i32
        %or3A_234 = arith.constant false
        %or3A_235 = arith.ori %or3A_234, %ne3A_233 : i1
        %or3A_236 = arith.constant false
        %or3A_237 = arith.ori %or3A_235, %or3A_236 : i1
        %not3A_238 = arith.constant true
        %not3A_239 = arith.xori %eq3A_128, %not3A_238 : i1
        %and3A_240 = arith.andi %or3A_237, %not3A_239 : i1
        %convert_element_type3A_241 = arith.extui %and3A_240 : i1 to i32
        %cond3A_242 = arith.constant 0 : i32
        %cond3A_243 = arith.cmpi ne, %convert_element_type3A_241, %cond3A_242 : i32
        scf.if %cond3A_243 {
          "tpu.trace_start"() <{level = 10 : i32, message = "ep_wait_out"}> : () -> ()
          %rem3A_264 = arith.constant 2 : i32
          %rem3A_265 = arith.remui %scan3A_125, %rem3A_264 : i32
          %mul3A_266 = arith.constant 128 : i32
          %mul3A_267 = arith.muli %mul3A_266, %add3A_140 : i32
          %dma_wait3A_268 = arith.constant 0 : i32
          %dma_wait3A_269 = arith.constant 0 : i32
          %dma_wait3A_270 = tpu.memref_slice %run_scoped3A_8[%rem3A_265, %dma_wait3A_268, %dma_wait3A_269] : memref<2x128x128xi32, #tpu.memory_space<vmem>> -> memref<1x128x128xi32, #tpu.memory_space<vmem>>
          %dma_wait3A_271 = tpu.memref_squeeze %dma_wait3A_270 : memref<1x128x128xi32, #tpu.memory_space<vmem>> -> memref<128x128xi32, #tpu.memory_space<vmem>>
          %dma_wait3A_272 = arith.constant 0 : i32
          %dma_wait3A_273 = tpu.memref_slice %arg4[%mul3A_267, %dma_wait3A_272] : memref<65536x128xi32, #tpu.memory_space<hbm>> -> memref<128x128xi32, #tpu.memory_space<hbm>>
          %dma_wait3A_274 = tpu.memref_slice %run_scoped3A_9[%rem3A_265] : memref<2x!tpu.dma_semaphore, #tpu.memory_space<semaphore_mem>> -> memref<1x!tpu.dma_semaphore, #tpu.memory_space<semaphore_mem>>
          %dma_wait3A_275 = tpu.memref_squeeze %dma_wait3A_274 : memref<1x!tpu.dma_semaphore, #tpu.memory_space<semaphore_mem>> -> memref<!tpu.dma_semaphore, #tpu.memory_space<semaphore_mem>>
          %dma_wait3A_276 = arith.constant 0 : i32
          %dma_wait3A_277 = tpu.memref_slice %arg4[%mul3A_267, %dma_wait3A_276] : memref<65536x128xi32, #tpu.memory_space<hbm>> -> memref<128x128xi32, #tpu.memory_space<hbm>>
          %dma_wait3A_278 = arith.constant 0 : i32
          %dma_wait3A_279 = arith.constant 0 : i32
          %dma_wait3A_280 = tpu.memref_slice %run_scoped3A_8[%rem3A_265, %dma_wait3A_278, %dma_wait3A_279] : memref<2x128x128xi32, #tpu.memory_space<vmem>> -> memref<1x128x128xi32, #tpu.memory_space<vmem>>
          %dma_wait3A_281 = tpu.memref_squeeze %dma_wait3A_280 : memref<1x128x128xi32, #tpu.memory_space<vmem>> -> memref<128x128xi32, #tpu.memory_space<vmem>>
          tpu.wait_dma2 semaphore(%dma_wait3A_275 : memref<!tpu.dma_semaphore, #tpu.memory_space<semaphore_mem>>) src(%dma_wait3A_281 : memref<128x128xi32, #tpu.memory_space<vmem>>) dst(%dma_wait3A_277 : memref<128x128xi32, #tpu.memory_space<hbm>>)
          "tpu.trace_stop"() : () -> ()
        } else {
        }
        %and3A_244 = arith.constant true
        %and3A_245 = arith.andi %and3A_240, %and3A_244 : i1
        %add3A_246 = arith.constant 1 : i32
        %add3A_247 = arith.addi %scan3A_125, %add3A_246 : i32
        %select_n3A_248 = arith.select %and3A_245, %add3A_247, %scan3A_125 : i32
        %ne3A_249 = arith.cmpi ne, %add3A_131, %add3A_149 : i32
        %or3A_250 = arith.constant false
        %or3A_251 = arith.ori %or3A_250, %ne3A_249 : i1
        %or3A_252 = arith.ori %or3A_251, %eq3A_130 : i1
        %add3A_253 = arith.constant 1 : i32
        %add3A_254 = arith.addi %scan3A_123, %add3A_253 : i32
        %select_n3A_255 = arith.select %or3A_252, %add3A_254, %scan3A_123 : i32
        %add3A_256 = arith.constant 1 : i32
        %add3A_257 = arith.addi %scan3A_126, %add3A_256 : i32
        %select_n3A_258 = arith.constant true
        %select_n3A_259 = arith.select %select_n3A_258, %add3A_257, %scan3A_126 : i32
        %eq3A_260 = arith.constant 16 : i32
        %eq3A_261 = arith.cmpi eq, %select_n3A_259, %eq3A_260 : i32
        %select_n3A_262 = arith.constant 0 : i32
        %select_n3A_263 = arith.select %eq3A_261, %select_n3A_262, %select_n3A_259 : i32
        scf.yield %select_n3A_167, %select_n3A_255, %select_n3A_221, %select_n3A_248, %select_n3A_263 : i32, i32, i32, i32, i32
      }
      %scan3A_68 = arith.constant 16 : i32
      %sub3A = arith.constant 1 : i32
      %sub3A_69 = arith.subi %scan3A_67#4, %sub3A : i32
      %select_n3A_70 = arith.constant true
      %select_n3A_71 = arith.select %select_n3A_70, %sub3A_69, %scan3A_67#4 : i32
      %eq3A_72 = arith.constant -1 : i32
      %eq3A_73 = arith.cmpi eq, %select_n3A_71, %eq3A_72 : i32
      %select_n3A_74 = arith.constant 15 : i32
      %select_n3A_75 = arith.select %eq3A_73, %select_n3A_74, %select_n3A_71 : i32
      %add3A_76 = arith.addi %select_n3A_75, %mul3A_6 : i32
      %sub3A_77 = arith.constant 1 : i32
      %sub3A_78 = arith.subi %select_n3A_75, %sub3A_77 : i32
      %select_n3A_79 = arith.constant true
      %select_n3A_80 = arith.select %select_n3A_79, %sub3A_78, %select_n3A_75 : i32
      %eq3A_81 = arith.constant -1 : i32
      %eq3A_82 = arith.cmpi eq, %select_n3A_80, %eq3A_81 : i32
      %select_n3A_83 = arith.constant 15 : i32
      %select_n3A_84 = arith.select %eq3A_82, %select_n3A_83, %select_n3A_80 : i32
      %add3A_85 = arith.addi %select_n3A_84, %mul3A_6 : i32
      %add3A_86 = arith.constant 1 : i32
      %add3A_87 = arith.addi %select_n3A_75, %add3A_86 : i32
      %select_n3A_88 = arith.constant true
      %select_n3A_89 = arith.select %select_n3A_88, %add3A_87, %select_n3A_75 : i32
      %eq3A_90 = arith.constant 16 : i32
      %eq3A_91 = arith.cmpi eq, %select_n3A_89, %eq3A_90 : i32
      %select_n3A_92 = arith.constant 0 : i32
      %select_n3A_93 = arith.select %eq3A_91, %select_n3A_92, %select_n3A_89 : i32
      %add3A_94 = arith.addi %select_n3A_93, %mul3A_6 : i32
      %add3A_95 = arith.constant 1 : i32
      %add3A_96 = arith.addi %select_n3A_93, %add3A_95 : i32
      %select_n3A_97 = arith.constant true
      %select_n3A_98 = arith.select %select_n3A_97, %add3A_96, %select_n3A_93 : i32
      %eq3A_99 = arith.constant 16 : i32
      %eq3A_100 = arith.cmpi eq, %select_n3A_98, %eq3A_99 : i32
      %select_n3A_101 = arith.constant 0 : i32
      %select_n3A_102 = arith.select %eq3A_100, %select_n3A_101, %select_n3A_98 : i32
      %add3A_103 = arith.addi %select_n3A_102, %mul3A_6 : i32
      "tpu.trace_start"() <{level = 10 : i32, message = "ep_finalize"}> : () -> ()
      %rem3A_104 = arith.constant 2 : i32
      %rem3A_105 = arith.remui %scan3A_67#3, %rem3A_104 : i32
      %mul3A_106 = arith.constant 128 : i32
      %mul3A_107 = arith.muli %mul3A_106, %add3A_76 : i32
      %dma_wait3A = arith.constant 0 : i32
      %dma_wait3A_108 = arith.constant 0 : i32
      %dma_wait3A_109 = tpu.memref_slice %run_scoped3A_8[%rem3A_105, %dma_wait3A, %dma_wait3A_108] : memref<2x128x128xi32, #tpu.memory_space<vmem>> -> memref<1x128x128xi32, #tpu.memory_space<vmem>>
      %dma_wait3A_110 = tpu.memref_squeeze %dma_wait3A_109 : memref<1x128x128xi32, #tpu.memory_space<vmem>> -> memref<128x128xi32, #tpu.memory_space<vmem>>
      %dma_wait3A_111 = arith.constant 0 : i32
      %dma_wait3A_112 = tpu.memref_slice %arg4[%mul3A_107, %dma_wait3A_111] : memref<65536x128xi32, #tpu.memory_space<hbm>> -> memref<128x128xi32, #tpu.memory_space<hbm>>
      %dma_wait3A_113 = tpu.memref_slice %run_scoped3A_9[%rem3A_105] : memref<2x!tpu.dma_semaphore, #tpu.memory_space<semaphore_mem>> -> memref<1x!tpu.dma_semaphore, #tpu.memory_space<semaphore_mem>>
      %dma_wait3A_114 = tpu.memref_squeeze %dma_wait3A_113 : memref<1x!tpu.dma_semaphore, #tpu.memory_space<semaphore_mem>> -> memref<!tpu.dma_semaphore, #tpu.memory_space<semaphore_mem>>
      %dma_wait3A_115 = arith.constant 0 : i32
      %dma_wait3A_116 = tpu.memref_slice %arg4[%mul3A_107, %dma_wait3A_115] : memref<65536x128xi32, #tpu.memory_space<hbm>> -> memref<128x128xi32, #tpu.memory_space<hbm>>
      %dma_wait3A_117 = arith.constant 0 : i32
      %dma_wait3A_118 = arith.constant 0 : i32
      %dma_wait3A_119 = tpu.memref_slice %run_scoped3A_8[%rem3A_105, %dma_wait3A_117, %dma_wait3A_118] : memref<2x128x128xi32, #tpu.memory_space<vmem>> -> memref<1x128x128xi32, #tpu.memory_space<vmem>>
      %dma_wait3A_120 = tpu.memref_squeeze %dma_wait3A_119 : memref<1x128x128xi32, #tpu.memory_space<vmem>> -> memref<128x128xi32, #tpu.memory_space<vmem>>
      tpu.wait_dma2 semaphore(%dma_wait3A_114 : memref<!tpu.dma_semaphore, #tpu.memory_space<semaphore_mem>>) src(%dma_wait3A_120 : memref<128x128xi32, #tpu.memory_space<vmem>>) dst(%dma_wait3A_116 : memref<128x128xi32, #tpu.memory_space<hbm>>)
      "tpu.trace_stop"() : () -> ()
      tpu.yield
    }) : () -> ()
    return
  }
}

#map = affine_map<(d0, d1) -> (0, 0)>
module attributes {stable_mosaic.version = 14 : i64} {
  func.func @gather_kernel(%arg0: i32, %arg1: i32, %arg2: memref<4096x128xi32, #tpu.memory_space<hbm>>, %arg3: memref<1x65536xi32, #tpu.memory_space<hbm>>, %arg4: memref<65536x128xi32, #tpu.memory_space<hbm>>) attributes {dimension_semantics = [#tpu.dimension_semantics<core_parallel>, #tpu.dimension_semantics<subcore_parallel>], iteration_bounds = array<i64: 2, 16>, scalar_prefetch = 0 : i64, scratch_operands = 0 : i64, tpu.core_type = #tpu.core_type<sc_vector_subcore>, window_params = [{transform_indices = #map}, {transform_indices = #map}, {transform_indices = #map}]} {
    %mul3A = arith.constant 1 : i32
    %mul3A_0 = arith.muli %arg1, %mul3A : i32
    %add3A = arith.constant 0 : i32
    %add3A_1 = arith.addi %add3A, %mul3A_0 : i32
    %mul3A_2 = arith.constant 16 : i32
    %mul3A_3 = arith.muli %arg0, %mul3A_2 : i32
    %add3A_4 = arith.addi %add3A_1, %mul3A_3 : i32
    %mul3A_5 = arith.constant 16 : i32
    %mul3A_6 = arith.muli %add3A_4, %mul3A_5 : i32
    "tpu.region"() ({
      %run_scoped3A = memref.alloca() : memref<2x1x128xi32, #tpu.memory_space<vmem>>
      %run_scoped3A_7 = tpu.sem_alloc : memref<2x!tpu.dma_semaphore, #tpu.memory_space<semaphore_mem>>
      %run_scoped3A_8 = memref.alloca() : memref<2x128x128xi32, #tpu.memory_space<vmem>>
      %run_scoped3A_9 = tpu.sem_alloc : memref<2x!tpu.dma_semaphore, #tpu.memory_space<semaphore_mem>>
      %add3A_10 = arith.constant 0 : i32
      %add3A_11 = arith.addi %add3A_10, %mul3A_6 : i32
      %select_n3A = arith.constant true
      %select_n3A_12 = arith.constant 0 : i32
      %select_n3A_13 = arith.constant -1 : i32
      %select_n3A_14 = arith.select %select_n3A, %select_n3A_13, %select_n3A_12 : i32
      %eq3A = arith.constant -1 : i32
      %eq3A_15 = arith.cmpi eq, %select_n3A_14, %eq3A : i32
      %select_n3A_16 = arith.constant 15 : i32
      %select_n3A_17 = arith.select %eq3A_15, %select_n3A_16, %select_n3A_14 : i32
      %add3A_18 = arith.addi %select_n3A_17, %mul3A_6 : i32
      %select_n3A_19 = arith.constant true
      %select_n3A_20 = arith.constant 0 : i32
      %select_n3A_21 = arith.constant 1 : i32
      %select_n3A_22 = arith.select %select_n3A_19, %select_n3A_21, %select_n3A_20 : i32
      %eq3A_23 = arith.constant 16 : i32
      %eq3A_24 = arith.cmpi eq, %select_n3A_22, %eq3A_23 : i32
      %select_n3A_25 = arith.constant 0 : i32
      %select_n3A_26 = arith.select %eq3A_24, %select_n3A_25, %select_n3A_22 : i32
      %add3A_27 = arith.addi %select_n3A_26, %mul3A_6 : i32
      %add3A_28 = arith.constant 1 : i32
      %add3A_29 = arith.addi %select_n3A_26, %add3A_28 : i32
      %select_n3A_30 = arith.constant true
      %select_n3A_31 = arith.select %select_n3A_30, %add3A_29, %select_n3A_26 : i32
      %eq3A_32 = arith.constant 16 : i32
      %eq3A_33 = arith.cmpi eq, %select_n3A_31, %eq3A_32 : i32
      %select_n3A_34 = arith.constant 0 : i32
      %select_n3A_35 = arith.select %eq3A_33, %select_n3A_34, %select_n3A_31 : i32
      %add3A_36 = arith.addi %select_n3A_35, %mul3A_6 : i32
      "tpu.trace_start"() <{level = 10 : i32, message = "ep_initialize_0"}> : () -> ()
      %rem3A = arith.constant 0 : i32
      %rem3A_37 = arith.constant 2 : i32
      %rem3A_38 = arith.remui %rem3A, %rem3A_37 : i32
      %mul3A_39 = arith.constant 128 : i32
      %mul3A_40 = arith.muli %mul3A_39, %add3A_11 : i32
      %dma_start3A = arith.constant 0 : i32
      %dma_start3A_41 = arith.constant 0 : i32
      %dma_start3A_42 = tpu.memref_slice %run_scoped3A[%rem3A_38, %dma_start3A, %dma_start3A_41] : memref<2x1x128xi32, #tpu.memory_space<vmem>> -> memref<1x1x128xi32, #tpu.memory_space<vmem>>
      %dma_start3A_43 = tpu.memref_squeeze %dma_start3A_42 : memref<1x1x128xi32, #tpu.memory_space<vmem>> -> memref<1x128xi32, #tpu.memory_space<vmem>>
      %dma_start3A_44 = arith.constant 0 : i32
      %dma_start3A_45 = tpu.memref_slice %arg3[%dma_start3A_44, %mul3A_40] : memref<1x65536xi32, #tpu.memory_space<hbm>> -> memref<1x128xi32, #tpu.memory_space<hbm>>
      %dma_start3A_46 = tpu.memref_slice %run_scoped3A_7[%rem3A_38] : memref<2x!tpu.dma_semaphore, #tpu.memory_space<semaphore_mem>> -> memref<1x!tpu.dma_semaphore, #tpu.memory_space<semaphore_mem>>
      %dma_start3A_47 = tpu.memref_squeeze %dma_start3A_46 : memref<1x!tpu.dma_semaphore, #tpu.memory_space<semaphore_mem>> -> memref<!tpu.dma_semaphore, #tpu.memory_space<semaphore_mem>>
      %dma_start3A_48 = arith.constant 0 : i32
      %dma_start3A_49 = arith.constant 0 : i32
      %dma_start3A_50 = tpu.memref_slice %run_scoped3A[%rem3A_38, %dma_start3A_48, %dma_start3A_49] : memref<2x1x128xi32, #tpu.memory_space<vmem>> -> memref<1x1x128xi32, #tpu.memory_space<vmem>>
      %dma_start3A_51 = tpu.memref_squeeze %dma_start3A_50 : memref<1x1x128xi32, #tpu.memory_space<vmem>> -> memref<1x128xi32, #tpu.memory_space<vmem>>
      %dma_start3A_52 = arith.constant 0 : i32
      %dma_start3A_53 = tpu.memref_slice %arg3[%dma_start3A_52, %mul3A_40] : memref<1x65536xi32, #tpu.memory_space<hbm>> -> memref<1x128xi32, #tpu.memory_space<hbm>>
      tpu.enqueue_dma source(%dma_start3A_53 : memref<1x128xi32, #tpu.memory_space<hbm>>) target(%dma_start3A_51 : memref<1x128xi32, #tpu.memory_space<vmem>>) target_semaphore(%dma_start3A_47 : memref<!tpu.dma_semaphore, #tpu.memory_space<semaphore_mem>>)
      %add3A_54 = arith.constant 0 : i32
      %add3A_55 = arith.constant 1 : i32
      %add3A_56 = arith.addi %add3A_54, %add3A_55 : i32
      %select_n3A_57 = arith.constant true
      %select_n3A_58 = arith.constant 0 : i32
      %select_n3A_59 = arith.select %select_n3A_57, %add3A_56, %select_n3A_58 : i32
      "tpu.trace_stop"() : () -> ()
      %scan3A = arith.constant 0 : i32
      %scan3A_60 = arith.constant 0 : i32
      %scan3A_61 = arith.constant 0 : i32
      %scan3A_62 = arith.constant 0 : i32
      %scan3A_63 = arith.constant 0 : i32
      %scan3A_64 = arith.constant 16 : i32
      %scan3A_65 = arith.addi %scan3A_63, %scan3A_64 : i32
      %scan3A_66 = arith.constant 1 : i32
      %scan3A_67:5 = scf.for %scan3A_121 = %scan3A_63 to %scan3A_65 step %scan3A_66 iter_args(%scan3A_122 = %select_n3A_59, %scan3A_123 = %scan3A, %scan3A_124 = %scan3A_60, %scan3A_125 = %scan3A_61, %scan3A_126 = %scan3A_62) -> (i32, i32, i32, i32, i32)  : i32 {
        %eq3A_127 = arith.constant 0 : i32
        %eq3A_128 = arith.cmpi eq, %scan3A_121, %eq3A_127 : i32
        %eq3A_129 = arith.constant 15 : i32
        %eq3A_130 = arith.cmpi eq, %scan3A_121, %eq3A_129 : i32
        %add3A_131 = arith.addi %scan3A_126, %mul3A_6 : i32
        %sub3A_132 = arith.constant 1 : i32
        %sub3A_133 = arith.subi %scan3A_126, %sub3A_132 : i32
        %select_n3A_134 = arith.constant true
        %select_n3A_135 = arith.select %select_n3A_134, %sub3A_133, %scan3A_126 : i32
        %eq3A_136 = arith.constant -1 : i32
        %eq3A_137 = arith.cmpi eq, %select_n3A_135, %eq3A_136 : i32
        %select_n3A_138 = arith.constant 15 : i32
        %select_n3A_139 = arith.select %eq3A_137, %select_n3A_138, %select_n3A_135 : i32
        %add3A_140 = arith.addi %select_n3A_139, %mul3A_6 : i32
        %add3A_141 = arith.constant 1 : i32
        %add3A_142 = arith.addi %scan3A_126, %add3A_141 : i32
        %select_n3A_143 = arith.constant true
        %select_n3A_144 = arith.select %select_n3A_143, %add3A_142, %scan3A_126 : i32
        %eq3A_145 = arith.constant 16 : i32
        %eq3A_146 = arith.cmpi eq, %select_n3A_144, %eq3A_145 : i32
        %select_n3A_147 = arith.constant 0 : i32
        %select_n3A_148 = arith.select %eq3A_146, %select_n3A_147, %select_n3A_144 : i32
        %add3A_149 = arith.addi %select_n3A_148, %mul3A_6 : i32
        %add3A_150 = arith.constant 1 : i32
        %add3A_151 = arith.addi %select_n3A_148, %add3A_150 : i32
        %select_n3A_152 = arith.constant true
        %select_n3A_153 = arith.select %select_n3A_152, %add3A_151, %select_n3A_148 : i32
        %eq3A_154 = arith.constant 16 : i32
        %eq3A_155 = arith.cmpi eq, %select_n3A_153, %eq3A_154 : i32
        %select_n3A_156 = arith.constant 0 : i32
        %select_n3A_157 = arith.select %eq3A_155, %select_n3A_156, %select_n3A_153 : i32
        %add3A_158 = arith.addi %select_n3A_157, %mul3A_6 : i32
        %ne3A = arith.cmpi ne, %add3A_131, %add3A_149 : i32
        %or3A = arith.constant false
        %or3A_159 = arith.ori %or3A, %ne3A : i1
        %ge3A = arith.constant 15 : i32
        %ge3A_160 = arith.cmpi sge, %scan3A_121, %ge3A : i32
        %not3A = arith.constant true
        %not3A_161 = arith.xori %ge3A_160, %not3A : i1
        %and3A = arith.andi %or3A_159, %not3A_161 : i1
        %convert_element_type3A = arith.extui %and3A : i1 to i32
        %cond3A = arith.constant 0 : i32
        %cond3A_162 = arith.cmpi ne, %convert_element_type3A, %cond3A : i32
        scf.if %cond3A_162 {
          "tpu.trace_start"() <{level = 10 : i32, message = "ep_copy_in"}> : () -> ()
          %rem3A_264 = arith.constant 2 : i32
          %rem3A_265 = arith.remui %scan3A_122, %rem3A_264 : i32
          %mul3A_266 = arith.constant 128 : i32
          %mul3A_267 = arith.muli %mul3A_266, %add3A_149 : i32
          %dma_start3A_268 = arith.constant 0 : i32
          %dma_start3A_269 = arith.constant 0 : i32
          %dma_start3A_270 = tpu.memref_slice %run_scoped3A[%rem3A_265, %dma_start3A_268, %dma_start3A_269] : memref<2x1x128xi32, #tpu.memory_space<vmem>> -> memref<1x1x128xi32, #tpu.memory_space<vmem>>
          %dma_start3A_271 = tpu.memref_squeeze %dma_start3A_270 : memref<1x1x128xi32, #tpu.memory_space<vmem>> -> memref<1x128xi32, #tpu.memory_space<vmem>>
          %dma_start3A_272 = arith.constant 0 : i32
          %dma_start3A_273 = tpu.memref_slice %arg3[%dma_start3A_272, %mul3A_267] : memref<1x65536xi32, #tpu.memory_space<hbm>> -> memref<1x128xi32, #tpu.memory_space<hbm>>
          %dma_start3A_274 = tpu.memref_slice %run_scoped3A_7[%rem3A_265] : memref<2x!tpu.dma_semaphore, #tpu.memory_space<semaphore_mem>> -> memref<1x!tpu.dma_semaphore, #tpu.memory_space<semaphore_mem>>
          %dma_start3A_275 = tpu.memref_squeeze %dma_start3A_274 : memref<1x!tpu.dma_semaphore, #tpu.memory_space<semaphore_mem>> -> memref<!tpu.dma_semaphore, #tpu.memory_space<semaphore_mem>>
          %dma_start3A_276 = arith.constant 0 : i32
          %dma_start3A_277 = arith.constant 0 : i32
          %dma_start3A_278 = tpu.memref_slice %run_scoped3A[%rem3A_265, %dma_start3A_276, %dma_start3A_277] : memref<2x1x128xi32, #tpu.memory_space<vmem>> -> memref<1x1x128xi32, #tpu.memory_space<vmem>>
          %dma_start3A_279 = tpu.memref_squeeze %dma_start3A_278 : memref<1x1x128xi32, #tpu.memory_space<vmem>> -> memref<1x128xi32, #tpu.memory_space<vmem>>
          %dma_start3A_280 = arith.constant 0 : i32
          %dma_start3A_281 = tpu.memref_slice %arg3[%dma_start3A_280, %mul3A_267] : memref<1x65536xi32, #tpu.memory_space<hbm>> -> memref<1x128xi32, #tpu.memory_space<hbm>>
          tpu.enqueue_dma source(%dma_start3A_281 : memref<1x128xi32, #tpu.memory_space<hbm>>) target(%dma_start3A_279 : memref<1x128xi32, #tpu.memory_space<vmem>>) target_semaphore(%dma_start3A_275 : memref<!tpu.dma_semaphore, #tpu.memory_space<semaphore_mem>>)
          "tpu.trace_stop"() : () -> ()
        } else {
        }
        %and3A_163 = arith.constant true
        %and3A_164 = arith.andi %and3A, %and3A_163 : i1
        %add3A_165 = arith.constant 1 : i32
        %add3A_166 = arith.addi %scan3A_122, %add3A_165 : i32
        %select_n3A_167 = arith.select %and3A_164, %add3A_166, %scan3A_122 : i32
        %ne3A_168 = arith.cmpi ne, %add3A_131, %add3A_149 : i32
        %or3A_169 = arith.constant false
        %or3A_170 = arith.ori %or3A_169, %ne3A_168 : i1
        %or3A_171 = arith.constant false
        %or3A_172 = arith.ori %or3A_170, %or3A_171 : i1
        %ge3A_173 = arith.constant 15 : i32
        %ge3A_174 = arith.cmpi sge, %scan3A_121, %ge3A_173 : i32
        %not3A_175 = arith.constant true
        %not3A_176 = arith.xori %ge3A_174, %not3A_175 : i1
        %and3A_177 = arith.andi %or3A_172, %not3A_176 : i1
        %ne3A_178 = arith.cmpi ne, %add3A_131, %add3A_140 : i32
        %or3A_179 = arith.constant false
        %or3A_180 = arith.ori %or3A_179, %ne3A_178 : i1
        %or3A_181 = arith.ori %or3A_180, %eq3A_128 : i1
        %convert_element_type3A_182 = arith.extui %or3A_181 : i1 to i32
        %cond3A_183 = arith.constant 0 : i32
        %cond3A_184 = arith.cmpi ne, %convert_element_type3A_182, %cond3A_183 : i32
        scf.if %cond3A_184 {
          "tpu.trace_start"() <{level = 10 : i32, message = "ep_wait_in"}> : () -> ()
          %mul3A_264 = arith.constant 128 : i32
          %mul3A_265 = arith.muli %mul3A_264, %add3A_131 : i32
          %rem3A_266 = arith.constant 2 : i32
          %rem3A_267 = arith.remui %scan3A_123, %rem3A_266 : i32
          %dma_wait3A_268 = arith.constant 0 : i32
          %dma_wait3A_269 = arith.constant 0 : i32
          %dma_wait3A_270 = tpu.memref_slice %run_scoped3A[%rem3A_267, %dma_wait3A_268, %dma_wait3A_269] : memref<2x1x128xi32, #tpu.memory_space<vmem>> -> memref<1x1x128xi32, #tpu.memory_space<vmem>>
          %dma_wait3A_271 = tpu.memref_squeeze %dma_wait3A_270 : memref<1x1x128xi32, #tpu.memory_space<vmem>> -> memref<1x128xi32, #tpu.memory_space<vmem>>
          %dma_wait3A_272 = arith.constant 0 : i32
          %dma_wait3A_273 = tpu.memref_slice %arg3[%dma_wait3A_272, %mul3A_265] : memref<1x65536xi32, #tpu.memory_space<hbm>> -> memref<1x128xi32, #tpu.memory_space<hbm>>
          %dma_wait3A_274 = tpu.memref_slice %run_scoped3A_7[%rem3A_267] : memref<2x!tpu.dma_semaphore, #tpu.memory_space<semaphore_mem>> -> memref<1x!tpu.dma_semaphore, #tpu.memory_space<semaphore_mem>>
          %dma_wait3A_275 = tpu.memref_squeeze %dma_wait3A_274 : memref<1x!tpu.dma_semaphore, #tpu.memory_space<semaphore_mem>> -> memref<!tpu.dma_semaphore, #tpu.memory_space<semaphore_mem>>
          %dma_wait3A_276 = arith.constant 0 : i32
          %dma_wait3A_277 = arith.constant 0 : i32
          %dma_wait3A_278 = tpu.memref_slice %run_scoped3A[%rem3A_267, %dma_wait3A_276, %dma_wait3A_277] : memref<2x1x128xi32, #tpu.memory_space<vmem>> -> memref<1x1x128xi32, #tpu.memory_space<vmem>>
          %dma_wait3A_279 = tpu.memref_squeeze %dma_wait3A_278 : memref<1x1x128xi32, #tpu.memory_space<vmem>> -> memref<1x128xi32, #tpu.memory_space<vmem>>
          %dma_wait3A_280 = arith.constant 0 : i32
          %dma_wait3A_281 = tpu.memref_slice %arg3[%dma_wait3A_280, %mul3A_265] : memref<1x65536xi32, #tpu.memory_space<hbm>> -> memref<1x128xi32, #tpu.memory_space<hbm>>
          tpu.wait_dma2 semaphore(%dma_wait3A_275 : memref<!tpu.dma_semaphore, #tpu.memory_space<semaphore_mem>>) src(%dma_wait3A_281 : memref<1x128xi32, #tpu.memory_space<hbm>>) dst(%dma_wait3A_279 : memref<1x128xi32, #tpu.memory_space<vmem>>)
          "tpu.trace_stop"() : () -> ()
        } else {
        }
        %ne3A_185 = arith.cmpi ne, %add3A_131, %add3A_140 : i32
        %or3A_186 = arith.constant false
        %or3A_187 = arith.ori %or3A_186, %ne3A_185 : i1
        %or3A_188 = arith.constant false
        %or3A_189 = arith.ori %or3A_187, %or3A_188 : i1
        %or3A_190 = arith.ori %or3A_189, %eq3A_128 : i1
        %convert_element_type3A_191 = arith.extui %or3A_190 : i1 to i32
        %cond3A_192 = arith.constant 0 : i32
        %cond3A_193 = arith.cmpi ne, %convert_element_type3A_191, %cond3A_192 : i32
        scf.if %cond3A_193 {
        } else {
        }
        %rem3A_194 = arith.constant 2 : i32
        %rem3A_195 = arith.remui %scan3A_123, %rem3A_194 : i32
        %rem3A_196 = arith.constant 2 : i32
        %rem3A_197 = arith.remui %scan3A_124, %rem3A_196 : i32
        %run_scoped3A_198 = arith.constant 0 : i32
        "tpu.trace_start"() <{level = 10 : i32, message = "ep_run_kernel"}> : () -> ()
        "tpu.region"() ({
          %run_scoped3A_264 = tpu.sem_alloc : memref<!tpu.dma_semaphore, #tpu.memory_space<semaphore_mem>>
          %dma_start3A_265 = arith.constant 0 : i32
          %dma_start3A_266 = arith.constant 0 : i32
          %dma_start3A_267 = tpu.memref_slice %run_scoped3A_8[%rem3A_197, %dma_start3A_265, %dma_start3A_266] : memref<2x128x128xi32, #tpu.memory_space<vmem>> -> memref<1x128x128xi32, #tpu.memory_space<vmem>>
          %dma_start3A_268 = tpu.memref_squeeze %dma_start3A_267 : memref<1x128x128xi32, #tpu.memory_space<vmem>> -> memref<128x128xi32, #tpu.memory_space<vmem>>
          %dma_start3A_269 = arith.constant 0 : i32
          %dma_start3A_270 = arith.constant 0 : i32
          %dma_start3A_271 = tpu.memref_slice %run_scoped3A[%rem3A_195, %dma_start3A_269, %dma_start3A_270] : memref<2x1x128xi32, #tpu.memory_space<vmem>> -> memref<1x1x128xi32, #tpu.memory_space<vmem>>
          %dma_start3A_272 = tpu.memref_squeeze %dma_start3A_271 : memref<1x1x128xi32, #tpu.memory_space<vmem>> -> memref<1x128xi32, #tpu.memory_space<vmem>>
          %dma_start3A_273 = arith.constant 0 : i32
          %dma_start3A_274 = tpu.memref_slice %dma_start3A_272[%run_scoped3A_198, %dma_start3A_273] : memref<1x128xi32, #tpu.memory_space<vmem>> -> memref<1x128xi32, #tpu.memory_space<vmem>>
          %dma_start3A_275 = tpu.memref_squeeze %dma_start3A_274 : memref<1x128xi32, #tpu.memory_space<vmem>> -> memref<128xi32, #tpu.memory_space<vmem>>
          %dma_start3A_276 = arith.constant 0 : i32
          %dma_start3A_277 = arith.constant 0 : i32
          %dma_start3A_278 = tpu.memref_slice %arg2[%dma_start3A_276, %dma_start3A_277] : memref<4096x128xi32, #tpu.memory_space<hbm>> -> memref<4096x128xi32, #tpu.memory_space<hbm>>
          tpu.enqueue_indirect_dma source(%dma_start3A_278 : memref<4096x128xi32, #tpu.memory_space<hbm>>) target(%dma_start3A_268 : memref<128x128xi32, #tpu.memory_space<vmem>>) offsets(%dma_start3A_275 : memref<128xi32, #tpu.memory_space<vmem>>) semaphore(%run_scoped3A_264 : memref<!tpu.dma_semaphore, #tpu.memory_space<semaphore_mem>>)
          %dma_wait3A_279 = arith.constant 0 : i32
          %dma_wait3A_280 = arith.constant 0 : i32
          %dma_wait3A_281 = tpu.memref_slice %run_scoped3A_8[%rem3A_197, %dma_wait3A_279, %dma_wait3A_280] : memref<2x128x128xi32, #tpu.memory_space<vmem>> -> memref<1x128x128xi32, #tpu.memory_space<vmem>>
          %dma_wait3A_282 = tpu.memref_squeeze %dma_wait3A_281 : memref<1x128x128xi32, #tpu.memory_space<vmem>> -> memref<128x128xi32, #tpu.memory_space<vmem>>
          %dma_wait3A_283 = arith.constant 0 : i32
          %dma_wait3A_284 = arith.constant 0 : i32
          %dma_wait3A_285 = tpu.memref_slice %run_scoped3A[%rem3A_195, %dma_wait3A_283, %dma_wait3A_284] : memref<2x1x128xi32, #tpu.memory_space<vmem>> -> memref<1x1x128xi32, #tpu.memory_space<vmem>>
          %dma_wait3A_286 = tpu.memref_squeeze %dma_wait3A_285 : memref<1x1x128xi32, #tpu.memory_space<vmem>> -> memref<1x128xi32, #tpu.memory_space<vmem>>
          %dma_wait3A_287 = arith.constant 0 : i32
          %dma_wait3A_288 = tpu.memref_slice %dma_wait3A_286[%run_scoped3A_198, %dma_wait3A_287] : memref<1x128xi32, #tpu.memory_space<vmem>> -> memref<1x128xi32, #tpu.memory_space<vmem>>
          %dma_wait3A_289 = tpu.memref_squeeze %dma_wait3A_288 : memref<1x128xi32, #tpu.memory_space<vmem>> -> memref<128xi32, #tpu.memory_space<vmem>>
          %dma_wait3A_290 = arith.constant 0 : i32
          %dma_wait3A_291 = arith.constant 0 : i32
          %dma_wait3A_292 = tpu.memref_slice %arg2[%dma_wait3A_290, %dma_wait3A_291] : memref<4096x128xi32, #tpu.memory_space<hbm>> -> memref<4096x128xi32, #tpu.memory_space<hbm>>
          tpu.wait_indirect_dma semaphore(%run_scoped3A_264 : memref<!tpu.dma_semaphore, #tpu.memory_space<semaphore_mem>>) src(%dma_wait3A_292 : memref<4096x128xi32, #tpu.memory_space<hbm>>) dst(%dma_wait3A_282 : memref<128x128xi32, #tpu.memory_space<vmem>>)
          tpu.yield
        }) : () -> ()
        "tpu.trace_stop"() : () -> ()
        %ne3A_199 = arith.cmpi ne, %add3A_131, %add3A_149 : i32
        %or3A_200 = arith.constant false
        %or3A_201 = arith.ori %or3A_200, %ne3A_199 : i1
        %or3A_202 = arith.ori %or3A_201, %eq3A_130 : i1
        %convert_element_type3A_203 = arith.extui %or3A_202 : i1 to i32
        %cond3A_204 = arith.constant 0 : i32
        %cond3A_205 = arith.cmpi ne, %convert_element_type3A_203, %cond3A_204 : i32
        scf.if %cond3A_205 {
        } else {
        }
        %and3A_206 = arith.constant false
        %and3A_207 = arith.andi %or3A_202, %and3A_206 : i1
        %ne3A_208 = arith.cmpi ne, %add3A_131, %add3A_149 : i32
        %or3A_209 = arith.constant false
        %or3A_210 = arith.ori %or3A_209, %ne3A_208 : i1
        %or3A_211 = arith.constant false
        %or3A_212 = arith.ori %or3A_210, %or3A_211 : i1
        %or3A_213 = arith.ori %or3A_212, %eq3A_130 : i1
        %convert_element_type3A_214 = arith.extui %or3A_213 : i1 to i32
        %cond3A_215 = arith.constant 0 : i32
        %cond3A_216 = arith.cmpi ne, %convert_element_type3A_214, %cond3A_215 : i32
        scf.if %cond3A_216 {
          "tpu.trace_start"() <{level = 10 : i32, message = "ep_copy_out"}> : () -> ()
          %rem3A_264 = arith.constant 2 : i32
          %rem3A_265 = arith.remui %scan3A_124, %rem3A_264 : i32
          %mul3A_266 = arith.constant 128 : i32
          %mul3A_267 = arith.muli %mul3A_266, %add3A_131 : i32
          %dma_start3A_268 = arith.constant 0 : i32
          %dma_start3A_269 = arith.constant 0 : i32
          %dma_start3A_270 = tpu.memref_slice %run_scoped3A_8[%rem3A_265, %dma_start3A_268, %dma_start3A_269] : memref<2x128x128xi32, #tpu.memory_space<vmem>> -> memref<1x128x128xi32, #tpu.memory_space<vmem>>
          %dma_start3A_271 = tpu.memref_squeeze %dma_start3A_270 : memref<1x128x128xi32, #tpu.memory_space<vmem>> -> memref<128x128xi32, #tpu.memory_space<vmem>>
          %dma_start3A_272 = arith.constant 0 : i32
          %dma_start3A_273 = tpu.memref_slice %arg4[%mul3A_267, %dma_start3A_272] : memref<65536x128xi32, #tpu.memory_space<hbm>> -> memref<128x128xi32, #tpu.memory_space<hbm>>
          %dma_start3A_274 = tpu.memref_slice %run_scoped3A_9[%rem3A_265] : memref<2x!tpu.dma_semaphore, #tpu.memory_space<semaphore_mem>> -> memref<1x!tpu.dma_semaphore, #tpu.memory_space<semaphore_mem>>
          %dma_start3A_275 = tpu.memref_squeeze %dma_start3A_274 : memref<1x!tpu.dma_semaphore, #tpu.memory_space<semaphore_mem>> -> memref<!tpu.dma_semaphore, #tpu.memory_space<semaphore_mem>>
          %dma_start3A_276 = arith.constant 0 : i32
          %dma_start3A_277 = tpu.memref_slice %arg4[%mul3A_267, %dma_start3A_276] : memref<65536x128xi32, #tpu.memory_space<hbm>> -> memref<128x128xi32, #tpu.memory_space<hbm>>
          %dma_start3A_278 = arith.constant 0 : i32
          %dma_start3A_279 = arith.constant 0 : i32
          %dma_start3A_280 = tpu.memref_slice %run_scoped3A_8[%rem3A_265, %dma_start3A_278, %dma_start3A_279] : memref<2x128x128xi32, #tpu.memory_space<vmem>> -> memref<1x128x128xi32, #tpu.memory_space<vmem>>
          %dma_start3A_281 = tpu.memref_squeeze %dma_start3A_280 : memref<1x128x128xi32, #tpu.memory_space<vmem>> -> memref<128x128xi32, #tpu.memory_space<vmem>>
          tpu.enqueue_dma source(%dma_start3A_281 : memref<128x128xi32, #tpu.memory_space<vmem>>) target(%dma_start3A_277 : memref<128x128xi32, #tpu.memory_space<hbm>>) target_semaphore(%dma_start3A_275 : memref<!tpu.dma_semaphore, #tpu.memory_space<semaphore_mem>>)
          "tpu.trace_stop"() : () -> ()
        } else {
        }
        %and3A_217 = arith.constant true
        %and3A_218 = arith.andi %or3A_213, %and3A_217 : i1
        %add3A_219 = arith.constant 1 : i32
        %add3A_220 = arith.addi %scan3A_124, %add3A_219 : i32
        %select_n3A_221 = arith.select %and3A_218, %add3A_220, %scan3A_124 : i32
        %ne3A_222 = arith.cmpi ne, %add3A_131, %add3A_140 : i32
        %or3A_223 = arith.constant false
        %or3A_224 = arith.ori %or3A_223, %ne3A_222 : i1
        %not3A_225 = arith.constant true
        %not3A_226 = arith.xori %eq3A_128, %not3A_225 : i1
        %and3A_227 = arith.andi %or3A_224, %not3A_226 : i1
        %convert_element_type3A_228 = arith.extui %and3A_227 : i1 to i32
        %cond3A_229 = arith.constant 0 : i32
        %cond3A_230 = arith.cmpi ne, %convert_element_type3A_228, %cond3A_229 : i32
        scf.if %cond3A_230 {
        } else {
        }
        %and3A_231 = arith.constant false
        %and3A_232 = arith.andi %and3A_227, %and3A_231 : i1
        %ne3A_233 = arith.cmpi ne, %add3A_131, %add3A_140 : i32
        %or3A_234 = arith.constant false
        %or3A_235 = arith.ori %or3A_234, %ne3A_233 : i1
        %or3A_236 = arith.constant false
        %or3A_237 = arith.ori %or3A_235, %or3A_236 : i1
        %not3A_238 = arith.constant true
        %not3A_239 = arith.xori %eq3A_128, %not3A_238 : i1
        %and3A_240 = arith.andi %or3A_237, %not3A_239 : i1
        %convert_element_type3A_241 = arith.extui %and3A_240 : i1 to i32
        %cond3A_242 = arith.constant 0 : i32
        %cond3A_243 = arith.cmpi ne, %convert_element_type3A_241, %cond3A_242 : i32
        scf.if %cond3A_243 {
          "tpu.trace_start"() <{level = 10 : i32, message = "ep_wait_out"}> : () -> ()
          %rem3A_264 = arith.constant 2 : i32
          %rem3A_265 = arith.remui %scan3A_125, %rem3A_264 : i32
          %mul3A_266 = arith.constant 128 : i32
          %mul3A_267 = arith.muli %mul3A_266, %add3A_140 : i32
          %dma_wait3A_268 = arith.constant 0 : i32
          %dma_wait3A_269 = arith.constant 0 : i32
          %dma_wait3A_270 = tpu.memref_slice %run_scoped3A_8[%rem3A_265, %dma_wait3A_268, %dma_wait3A_269] : memref<2x128x128xi32, #tpu.memory_space<vmem>> -> memref<1x128x128xi32, #tpu.memory_space<vmem>>
          %dma_wait3A_271 = tpu.memref_squeeze %dma_wait3A_270 : memref<1x128x128xi32, #tpu.memory_space<vmem>> -> memref<128x128xi32, #tpu.memory_space<vmem>>
          %dma_wait3A_272 = arith.constant 0 : i32
          %dma_wait3A_273 = tpu.memref_slice %arg4[%mul3A_267, %dma_wait3A_272] : memref<65536x128xi32, #tpu.memory_space<hbm>> -> memref<128x128xi32, #tpu.memory_space<hbm>>
          %dma_wait3A_274 = tpu.memref_slice %run_scoped3A_9[%rem3A_265] : memref<2x!tpu.dma_semaphore, #tpu.memory_space<semaphore_mem>> -> memref<1x!tpu.dma_semaphore, #tpu.memory_space<semaphore_mem>>
          %dma_wait3A_275 = tpu.memref_squeeze %dma_wait3A_274 : memref<1x!tpu.dma_semaphore, #tpu.memory_space<semaphore_mem>> -> memref<!tpu.dma_semaphore, #tpu.memory_space<semaphore_mem>>
          %dma_wait3A_276 = arith.constant 0 : i32
          %dma_wait3A_277 = tpu.memref_slice %arg4[%mul3A_267, %dma_wait3A_276] : memref<65536x128xi32, #tpu.memory_space<hbm>> -> memref<128x128xi32, #tpu.memory_space<hbm>>
          %dma_wait3A_278 = arith.constant 0 : i32
          %dma_wait3A_279 = arith.constant 0 : i32
          %dma_wait3A_280 = tpu.memref_slice %run_scoped3A_8[%rem3A_265, %dma_wait3A_278, %dma_wait3A_279] : memref<2x128x128xi32, #tpu.memory_space<vmem>> -> memref<1x128x128xi32, #tpu.memory_space<vmem>>
          %dma_wait3A_281 = tpu.memref_squeeze %dma_wait3A_280 : memref<1x128x128xi32, #tpu.memory_space<vmem>> -> memref<128x128xi32, #tpu.memory_space<vmem>>
          tpu.wait_dma2 semaphore(%dma_wait3A_275 : memref<!tpu.dma_semaphore, #tpu.memory_space<semaphore_mem>>) src(%dma_wait3A_281 : memref<128x128xi32, #tpu.memory_space<vmem>>) dst(%dma_wait3A_277 : memref<128x128xi32, #tpu.memory_space<hbm>>)
          "tpu.trace_stop"() : () -> ()
        } else {
        }
        %and3A_244 = arith.constant true
        %and3A_245 = arith.andi %and3A_240, %and3A_244 : i1
        %add3A_246 = arith.constant 1 : i32
        %add3A_247 = arith.addi %scan3A_125, %add3A_246 : i32
        %select_n3A_248 = arith.select %and3A_245, %add3A_247, %scan3A_125 : i32
        %ne3A_249 = arith.cmpi ne, %add3A_131, %add3A_149 : i32
        %or3A_250 = arith.constant false
        %or3A_251 = arith.ori %or3A_250, %ne3A_249 : i1
        %or3A_252 = arith.ori %or3A_251, %eq3A_130 : i1
        %add3A_253 = arith.constant 1 : i32
        %add3A_254 = arith.addi %scan3A_123, %add3A_253 : i32
        %select_n3A_255 = arith.select %or3A_252, %add3A_254, %scan3A_123 : i32
        %add3A_256 = arith.constant 1 : i32
        %add3A_257 = arith.addi %scan3A_126, %add3A_256 : i32
        %select_n3A_258 = arith.constant true
        %select_n3A_259 = arith.select %select_n3A_258, %add3A_257, %scan3A_126 : i32
        %eq3A_260 = arith.constant 16 : i32
        %eq3A_261 = arith.cmpi eq, %select_n3A_259, %eq3A_260 : i32
        %select_n3A_262 = arith.constant 0 : i32
        %select_n3A_263 = arith.select %eq3A_261, %select_n3A_262, %select_n3A_259 : i32
        scf.yield %select_n3A_167, %select_n3A_255, %select_n3A_221, %select_n3A_248, %select_n3A_263 : i32, i32, i32, i32, i32
      }
      %scan3A_68 = arith.constant 16 : i32
      %sub3A = arith.constant 1 : i32
      %sub3A_69 = arith.subi %scan3A_67#4, %sub3A : i32
      %select_n3A_70 = arith.constant true
      %select_n3A_71 = arith.select %select_n3A_70, %sub3A_69, %scan3A_67#4 : i32
      %eq3A_72 = arith.constant -1 : i32
      %eq3A_73 = arith.cmpi eq, %select_n3A_71, %eq3A_72 : i32
      %select_n3A_74 = arith.constant 15 : i32
      %select_n3A_75 = arith.select %eq3A_73, %select_n3A_74, %select_n3A_71 : i32
      %add3A_76 = arith.addi %select_n3A_75, %mul3A_6 : i32
      %sub3A_77 = arith.constant 1 : i32
      %sub3A_78 = arith.subi %select_n3A_75, %sub3A_77 : i32
      %select_n3A_79 = arith.constant true
      %select_n3A_80 = arith.select %select_n3A_79, %sub3A_78, %select_n3A_75 : i32
      %eq3A_81 = arith.constant -1 : i32
      %eq3A_82 = arith.cmpi eq, %select_n3A_80, %eq3A_81 : i32
      %select_n3A_83 = arith.constant 15 : i32
      %select_n3A_84 = arith.select %eq3A_82, %select_n3A_83, %select_n3A_80 : i32
      %add3A_85 = arith.addi %select_n3A_84, %mul3A_6 : i32
      %add3A_86 = arith.constant 1 : i32
      %add3A_87 = arith.addi %select_n3A_75, %add3A_86 : i32
      %select_n3A_88 = arith.constant true
      %select_n3A_89 = arith.select %select_n3A_88, %add3A_87, %select_n3A_75 : i32
      %eq3A_90 = arith.constant 16 : i32
      %eq3A_91 = arith.cmpi eq, %select_n3A_89, %eq3A_90 : i32
      %select_n3A_92 = arith.constant 0 : i32
      %select_n3A_93 = arith.select %eq3A_91, %select_n3A_92, %select_n3A_89 : i32
      %add3A_94 = arith.addi %select_n3A_93, %mul3A_6 : i32
      %add3A_95 = arith.constant 1 : i32
      %add3A_96 = arith.addi %select_n3A_93, %add3A_95 : i32
      %select_n3A_97 = arith.constant true
      %select_n3A_98 = arith.select %select_n3A_97, %add3A_96, %select_n3A_93 : i32
      %eq3A_99 = arith.constant 16 : i32
      %eq3A_100 = arith.cmpi eq, %select_n3A_98, %eq3A_99 : i32
      %select_n3A_101 = arith.constant 0 : i32
      %select_n3A_102 = arith.select %eq3A_100, %select_n3A_101, %select_n3A_98 : i32
      %add3A_103 = arith.addi %select_n3A_102, %mul3A_6 : i32
      "tpu.trace_start"() <{level = 10 : i32, message = "ep_finalize"}> : () -> ()
      %rem3A_104 = arith.constant 2 : i32
      %rem3A_105 = arith.remui %scan3A_67#3, %rem3A_104 : i32
      %mul3A_106 = arith.constant 128 : i32
      %mul3A_107 = arith.muli %mul3A_106, %add3A_76 : i32
      %dma_wait3A = arith.constant 0 : i32
      %dma_wait3A_108 = arith.constant 0 : i32
      %dma_wait3A_109 = tpu.memref_slice %run_scoped3A_8[%rem3A_105, %dma_wait3A, %dma_wait3A_108] : memref<2x128x128xi32, #tpu.memory_space<vmem>> -> memref<1x128x128xi32, #tpu.memory_space<vmem>>
      %dma_wait3A_110 = tpu.memref_squeeze %dma_wait3A_109 : memref<1x128x128xi32, #tpu.memory_space<vmem>> -> memref<128x128xi32, #tpu.memory_space<vmem>>
      %dma_wait3A_111 = arith.constant 0 : i32
      %dma_wait3A_112 = tpu.memref_slice %arg4[%mul3A_107, %dma_wait3A_111] : memref<65536x128xi32, #tpu.memory_space<hbm>> -> memref<128x128xi32, #tpu.memory_space<hbm>>
      %dma_wait3A_113 = tpu.memref_slice %run_scoped3A_9[%rem3A_105] : memref<2x!tpu.dma_semaphore, #tpu.memory_space<semaphore_mem>> -> memref<1x!tpu.dma_semaphore, #tpu.memory_space<semaphore_mem>>
      %dma_wait3A_114 = tpu.memref_squeeze %dma_wait3A_113 : memref<1x!tpu.dma_semaphore, #tpu.memory_space<semaphore_mem>> -> memref<!tpu.dma_semaphore, #tpu.memory_space<semaphore_mem>>
      %dma_wait3A_115 = arith.constant 0 : i32
      %dma_wait3A_116 = tpu.memref_slice %arg4[%mul3A_107, %dma_wait3A_115] : memref<65536x128xi32, #tpu.memory_space<hbm>> -> memref<128x128xi32, #tpu.memory_space<hbm>>
      %dma_wait3A_117 = arith.constant 0 : i32
      %dma_wait3A_118 = arith.constant 0 : i32
      %dma_wait3A_119 = tpu.memref_slice %run_scoped3A_8[%rem3A_105, %dma_wait3A_117, %dma_wait3A_118] : memref<2x128x128xi32, #tpu.memory_space<vmem>> -> memref<1x128x128xi32, #tpu.memory_space<vmem>>
      %dma_wait3A_120 = tpu.memref_squeeze %dma_wait3A_119 : memref<1x128x128xi32, #tpu.memory_space<vmem>> -> memref<128x128xi32, #tpu.memory_space<vmem>>
      tpu.wait_dma2 semaphore(%dma_wait3A_114 : memref<!tpu.dma_semaphore, #tpu.memory_space<semaphore_mem>>) src(%dma_wait3A_120 : memref<128x128xi32, #tpu.memory_space<vmem>>) dst(%dma_wait3A_116 : memref<128x128xi32, #tpu.memory_space<hbm>>)
      "tpu.trace_stop"() : () -> ()
      tpu.yield
    }) : () -> ()
    return
  }
}

module attributes {stable_mosaic.version = 14 : i64} {
  func.func @_knn_kernel(%arg0: i32, %arg1: i32, %arg2: memref<1x128x3xf32, #tpu.memory_space<vmem>>, %arg3: memref<1x3x1024xf32, #tpu.memory_space<vmem>>, %arg4: memref<1x128x16xi32, #tpu.memory_space<vmem>>, %arg5: memref<1x128x64xf32, #tpu.memory_space<vmem>>) attributes {dimension_semantics = [#tpu.dimension_semantics<parallel>, #tpu.dimension_semantics<parallel>], iteration_bounds = array<i64: 4, 8>, scalar_prefetch = 0 : i64, scratch_operands = 0 : i64, tpu.core_type = #tpu.core_type<tc>, window_params = [{transform_indices = @transform_0, window_bounds = array<i64: 1, 128, 3>}, {transform_indices = @transform_1, window_bounds = array<i64: 1, 3, 1024>}, {transform_indices = @transform_2, window_bounds = array<i64: 1, 128, 16>}, {transform_indices = @transform_3, window_bounds = array<i64: 1, 128, 64>}]} {
    %get3A = arith.constant 0 : index
    %get3A_0 = arith.constant 0 : index
    %get3A_1 = arith.constant 0 : index
    %get3A_2 = vector.load %arg2[%get3A, %get3A_0, %get3A_1] : memref<1x128x3xf32, #tpu.memory_space<vmem>>, vector<1x128x3xf32>
    %get3A_3 = vector.shape_cast %get3A_2 : vector<1x128x3xf32> to vector<128x3xf32>
    %get3A_4 = arith.constant 0 : index
    %get3A_5 = arith.constant 0 : index
    %get3A_6 = arith.constant 0 : index
    %get3A_7 = vector.load %arg3[%get3A_4, %get3A_5, %get3A_6] : memref<1x3x1024xf32, #tpu.memory_space<vmem>>, vector<1x3x1024xf32>
    %get3A_8 = vector.shape_cast %get3A_7 : vector<1x3x1024xf32> to vector<3x1024xf32>
    %slice3A = vector.extract_strided_slice %get3A_8 {offsets = [0, 0], sizes = [1, 1024], strides = [1, 1]} : vector<3x1024xf32> to vector<1x1024xf32>
    %slice3A_9 = vector.extract_strided_slice %get3A_8 {offsets = [1, 0], sizes = [1, 1024], strides = [1, 1]} : vector<3x1024xf32> to vector<1x1024xf32>
    %slice3A_10 = vector.extract_strided_slice %get3A_8 {offsets = [2, 0], sizes = [1, 1024], strides = [1, 1]} : vector<3x1024xf32> to vector<1x1024xf32>
    %mul3A = arith.mulf %slice3A, %slice3A : vector<1x1024xf32>
    %mul3A_11 = arith.mulf %slice3A_9, %slice3A_9 : vector<1x1024xf32>
    %add3A = arith.addf %mul3A, %mul3A_11 : vector<1x1024xf32>
    %mul3A_12 = arith.mulf %slice3A_10, %slice3A_10 : vector<1x1024xf32>
    %add3A_13 = arith.addf %add3A, %mul3A_12 : vector<1x1024xf32>
    %slice3A_14 = vector.extract_strided_slice %get3A_3 {offsets = [0, 0], sizes = [128, 1], strides = [1, 1]} : vector<128x3xf32> to vector<128x1xf32>
    %slice3A_15 = vector.extract_strided_slice %get3A_3 {offsets = [0, 1], sizes = [128, 1], strides = [1, 1]} : vector<128x3xf32> to vector<128x1xf32>
    %slice3A_16 = vector.extract_strided_slice %get3A_3 {offsets = [0, 2], sizes = [128, 1], strides = [1, 1]} : vector<128x3xf32> to vector<128x1xf32>
    %mul3A_17 = arith.mulf %slice3A_14, %slice3A_14 : vector<128x1xf32>
    %mul3A_18 = arith.mulf %slice3A_15, %slice3A_15 : vector<128x1xf32>
    %add3A_19 = arith.addf %mul3A_17, %mul3A_18 : vector<128x1xf32>
    %mul3A_20 = arith.mulf %slice3A_16, %slice3A_16 : vector<128x1xf32>
    %add3A_21 = arith.addf %add3A_19, %mul3A_20 : vector<128x1xf32>
    %dot_general3A = arith.constant dense<0.000000e+00> : vector<128x1024xf32>
    %dot_general3A_22 = tpu.matmul %get3A_3, %get3A_8, %dot_general3A {dimension_numbers = #tpu.dot_dimension_numbers<[1], [0], [0], [1], [0, 0, 1, 1], [], []>, transpose_lhs_hint = false} : vector<128x3xf32>, vector<3x1024xf32>, vector<128x1024xf32> -> vector<128x1024xf32>
    %add3A_23 = vector.broadcast %add3A_21 : vector<128x1xf32> to vector<128x1024xf32>
    %add3A_24 = vector.broadcast %add3A_13 : vector<1x1024xf32> to vector<128x1024xf32>
    %add3A_25 = arith.addf %add3A_23, %add3A_24 : vector<128x1024xf32>
    %mul3A_26 = arith.constant 2.000000e+00 : f32
    %mul3A_27 = vector.broadcast %mul3A_26 : f32 to vector<128x1024xf32>
    %mul3A_28 = arith.mulf %mul3A_27, %dot_general3A_22 : vector<128x1024xf32>
    %sub3A = arith.subf %add3A_25, %mul3A_28 : vector<128x1024xf32>
    %max3A = arith.constant 0.000000e+00 : f32
    %max3A_29 = vector.broadcast %max3A : f32 to vector<128x1024xf32>
    %max3A_30 = arith.maximumf %sub3A, %max3A_29 : vector<128x1024xf32>
    %sqrt3A = math.sqrt %max3A_30 : vector<128x1024xf32>
    %iota3A = tpu.iota {dimensions = array<i32: 1>} : vector<128x1024xi32>
    %convert_element_type3A = arith.sitofp %iota3A : vector<128x1024xi32> to vector<128x1024xf32>
    %reduce_min3A = arith.constant dense<0x7F800000> : vector<128xf32>
    %reduce_min3A_31 = vector.multi_reduction <minimumf>, %sqrt3A, %reduce_min3A [1] : vector<128x1024xf32> to vector<128xf32>
    %broadcast_in_dim3A = vector.shape_cast %reduce_min3A_31 : vector<128xf32> to vector<128x1xf32>
    %eq3A = vector.broadcast %broadcast_in_dim3A : vector<128x1xf32> to vector<128x1024xf32>
    %eq3A_32 = arith.cmpf oeq, %sqrt3A, %eq3A : vector<128x1024xf32>
    %jit3A = arith.constant 3.000000e+38 : f32
    %broadcast_in_dim3A_33 = vector.broadcast %jit3A : f32 to vector<128x1024xf32>
    %select_n3A = arith.select %eq3A_32, %convert_element_type3A, %broadcast_in_dim3A_33 : vector<128x1024xi1>, vector<128x1024xf32>
    %reduce_min3A_34 = arith.constant dense<0x7F800000> : vector<128xf32>
    %reduce_min3A_35 = vector.multi_reduction <minimumf>, %select_n3A, %reduce_min3A_34 [1] : vector<128x1024xf32> to vector<128xf32>
    %broadcast_in_dim3A_36 = vector.shape_cast %reduce_min3A_35 : vector<128xf32> to vector<128x1xf32>
    %eq3A_37 = vector.broadcast %broadcast_in_dim3A_36 : vector<128x1xf32> to vector<128x1024xf32>
    %eq3A_38 = arith.cmpf oeq, %convert_element_type3A, %eq3A_37 : vector<128x1024xf32>
    %jit3A_39 = arith.constant 3.000000e+38 : f32
    %broadcast_in_dim3A_40 = vector.broadcast %jit3A_39 : f32 to vector<128x1024xf32>
    %select_n3A_41 = arith.select %eq3A_38, %broadcast_in_dim3A_40, %sqrt3A : vector<128x1024xi1>, vector<128x1024xf32>
    %reduce_min3A_42 = arith.constant dense<0x7F800000> : vector<128xf32>
    %reduce_min3A_43 = vector.multi_reduction <minimumf>, %select_n3A_41, %reduce_min3A_42 [1] : vector<128x1024xf32> to vector<128xf32>
    %broadcast_in_dim3A_44 = vector.shape_cast %reduce_min3A_43 : vector<128xf32> to vector<128x1xf32>
    %eq3A_45 = vector.broadcast %broadcast_in_dim3A_44 : vector<128x1xf32> to vector<128x1024xf32>
    %eq3A_46 = arith.cmpf oeq, %select_n3A_41, %eq3A_45 : vector<128x1024xf32>
    %jit3A_47 = arith.constant 3.000000e+38 : f32
    %broadcast_in_dim3A_48 = vector.broadcast %jit3A_47 : f32 to vector<128x1024xf32>
    %select_n3A_49 = arith.select %eq3A_46, %convert_element_type3A, %broadcast_in_dim3A_48 : vector<128x1024xi1>, vector<128x1024xf32>
    %reduce_min3A_50 = arith.constant dense<0x7F800000> : vector<128xf32>
    %reduce_min3A_51 = vector.multi_reduction <minimumf>, %select_n3A_49, %reduce_min3A_50 [1] : vector<128x1024xf32> to vector<128xf32>
    %broadcast_in_dim3A_52 = vector.shape_cast %reduce_min3A_51 : vector<128xf32> to vector<128x1xf32>
    %eq3A_53 = vector.broadcast %broadcast_in_dim3A_52 : vector<128x1xf32> to vector<128x1024xf32>
    %eq3A_54 = arith.cmpf oeq, %convert_element_type3A, %eq3A_53 : vector<128x1024xf32>
    %jit3A_55 = arith.constant 3.000000e+38 : f32
    %broadcast_in_dim3A_56 = vector.broadcast %jit3A_55 : f32 to vector<128x1024xf32>
    %select_n3A_57 = arith.select %eq3A_54, %broadcast_in_dim3A_56, %select_n3A_41 : vector<128x1024xi1>, vector<128x1024xf32>
    %reduce_min3A_58 = arith.constant dense<0x7F800000> : vector<128xf32>
    %reduce_min3A_59 = vector.multi_reduction <minimumf>, %select_n3A_57, %reduce_min3A_58 [1] : vector<128x1024xf32> to vector<128xf32>
    %broadcast_in_dim3A_60 = vector.shape_cast %reduce_min3A_59 : vector<128xf32> to vector<128x1xf32>
    %eq3A_61 = vector.broadcast %broadcast_in_dim3A_60 : vector<128x1xf32> to vector<128x1024xf32>
    %eq3A_62 = arith.cmpf oeq, %select_n3A_57, %eq3A_61 : vector<128x1024xf32>
    %jit3A_63 = arith.constant 3.000000e+38 : f32
    %broadcast_in_dim3A_64 = vector.broadcast %jit3A_63 : f32 to vector<128x1024xf32>
    %select_n3A_65 = arith.select %eq3A_62, %convert_element_type3A, %broadcast_in_dim3A_64 : vector<128x1024xi1>, vector<128x1024xf32>
    %reduce_min3A_66 = arith.constant dense<0x7F800000> : vector<128xf32>
    %reduce_min3A_67 = vector.multi_reduction <minimumf>, %select_n3A_65, %reduce_min3A_66 [1] : vector<128x1024xf32> to vector<128xf32>
    %broadcast_in_dim3A_68 = vector.shape_cast %reduce_min3A_67 : vector<128xf32> to vector<128x1xf32>
    %eq3A_69 = vector.broadcast %broadcast_in_dim3A_68 : vector<128x1xf32> to vector<128x1024xf32>
    %eq3A_70 = arith.cmpf oeq, %convert_element_type3A, %eq3A_69 : vector<128x1024xf32>
    %jit3A_71 = arith.constant 3.000000e+38 : f32
    %broadcast_in_dim3A_72 = vector.broadcast %jit3A_71 : f32 to vector<128x1024xf32>
    %select_n3A_73 = arith.select %eq3A_70, %broadcast_in_dim3A_72, %select_n3A_57 : vector<128x1024xi1>, vector<128x1024xf32>
    %reduce_min3A_74 = arith.constant dense<0x7F800000> : vector<128xf32>
    %reduce_min3A_75 = vector.multi_reduction <minimumf>, %select_n3A_73, %reduce_min3A_74 [1] : vector<128x1024xf32> to vector<128xf32>
    %broadcast_in_dim3A_76 = vector.shape_cast %reduce_min3A_75 : vector<128xf32> to vector<128x1xf32>
    %eq3A_77 = vector.broadcast %broadcast_in_dim3A_76 : vector<128x1xf32> to vector<128x1024xf32>
    %eq3A_78 = arith.cmpf oeq, %select_n3A_73, %eq3A_77 : vector<128x1024xf32>
    %jit3A_79 = arith.constant 3.000000e+38 : f32
    %broadcast_in_dim3A_80 = vector.broadcast %jit3A_79 : f32 to vector<128x1024xf32>
    %select_n3A_81 = arith.select %eq3A_78, %convert_element_type3A, %broadcast_in_dim3A_80 : vector<128x1024xi1>, vector<128x1024xf32>
    %reduce_min3A_82 = arith.constant dense<0x7F800000> : vector<128xf32>
    %reduce_min3A_83 = vector.multi_reduction <minimumf>, %select_n3A_81, %reduce_min3A_82 [1] : vector<128x1024xf32> to vector<128xf32>
    %broadcast_in_dim3A_84 = vector.shape_cast %reduce_min3A_83 : vector<128xf32> to vector<128x1xf32>
    %eq3A_85 = vector.broadcast %broadcast_in_dim3A_84 : vector<128x1xf32> to vector<128x1024xf32>
    %eq3A_86 = arith.cmpf oeq, %convert_element_type3A, %eq3A_85 : vector<128x1024xf32>
    %jit3A_87 = arith.constant 3.000000e+38 : f32
    %broadcast_in_dim3A_88 = vector.broadcast %jit3A_87 : f32 to vector<128x1024xf32>
    %select_n3A_89 = arith.select %eq3A_86, %broadcast_in_dim3A_88, %select_n3A_73 : vector<128x1024xi1>, vector<128x1024xf32>
    %reduce_min3A_90 = arith.constant dense<0x7F800000> : vector<128xf32>
    %reduce_min3A_91 = vector.multi_reduction <minimumf>, %select_n3A_89, %reduce_min3A_90 [1] : vector<128x1024xf32> to vector<128xf32>
    %broadcast_in_dim3A_92 = vector.shape_cast %reduce_min3A_91 : vector<128xf32> to vector<128x1xf32>
    %eq3A_93 = vector.broadcast %broadcast_in_dim3A_92 : vector<128x1xf32> to vector<128x1024xf32>
    %eq3A_94 = arith.cmpf oeq, %select_n3A_89, %eq3A_93 : vector<128x1024xf32>
    %jit3A_95 = arith.constant 3.000000e+38 : f32
    %broadcast_in_dim3A_96 = vector.broadcast %jit3A_95 : f32 to vector<128x1024xf32>
    %select_n3A_97 = arith.select %eq3A_94, %convert_element_type3A, %broadcast_in_dim3A_96 : vector<128x1024xi1>, vector<128x1024xf32>
    %reduce_min3A_98 = arith.constant dense<0x7F800000> : vector<128xf32>
    %reduce_min3A_99 = vector.multi_reduction <minimumf>, %select_n3A_97, %reduce_min3A_98 [1] : vector<128x1024xf32> to vector<128xf32>
    %broadcast_in_dim3A_100 = vector.shape_cast %reduce_min3A_99 : vector<128xf32> to vector<128x1xf32>
    %eq3A_101 = vector.broadcast %broadcast_in_dim3A_100 : vector<128x1xf32> to vector<128x1024xf32>
    %eq3A_102 = arith.cmpf oeq, %convert_element_type3A, %eq3A_101 : vector<128x1024xf32>
    %jit3A_103 = arith.constant 3.000000e+38 : f32
    %broadcast_in_dim3A_104 = vector.broadcast %jit3A_103 : f32 to vector<128x1024xf32>
    %select_n3A_105 = arith.select %eq3A_102, %broadcast_in_dim3A_104, %select_n3A_89 : vector<128x1024xi1>, vector<128x1024xf32>
    %reduce_min3A_106 = arith.constant dense<0x7F800000> : vector<128xf32>
    %reduce_min3A_107 = vector.multi_reduction <minimumf>, %select_n3A_105, %reduce_min3A_106 [1] : vector<128x1024xf32> to vector<128xf32>
    %broadcast_in_dim3A_108 = vector.shape_cast %reduce_min3A_107 : vector<128xf32> to vector<128x1xf32>
    %eq3A_109 = vector.broadcast %broadcast_in_dim3A_108 : vector<128x1xf32> to vector<128x1024xf32>
    %eq3A_110 = arith.cmpf oeq, %select_n3A_105, %eq3A_109 : vector<128x1024xf32>
    %jit3A_111 = arith.constant 3.000000e+38 : f32
    %broadcast_in_dim3A_112 = vector.broadcast %jit3A_111 : f32 to vector<128x1024xf32>
    %select_n3A_113 = arith.select %eq3A_110, %convert_element_type3A, %broadcast_in_dim3A_112 : vector<128x1024xi1>, vector<128x1024xf32>
    %reduce_min3A_114 = arith.constant dense<0x7F800000> : vector<128xf32>
    %reduce_min3A_115 = vector.multi_reduction <minimumf>, %select_n3A_113, %reduce_min3A_114 [1] : vector<128x1024xf32> to vector<128xf32>
    %broadcast_in_dim3A_116 = vector.shape_cast %reduce_min3A_115 : vector<128xf32> to vector<128x1xf32>
    %eq3A_117 = vector.broadcast %broadcast_in_dim3A_116 : vector<128x1xf32> to vector<128x1024xf32>
    %eq3A_118 = arith.cmpf oeq, %convert_element_type3A, %eq3A_117 : vector<128x1024xf32>
    %jit3A_119 = arith.constant 3.000000e+38 : f32
    %broadcast_in_dim3A_120 = vector.broadcast %jit3A_119 : f32 to vector<128x1024xf32>
    %select_n3A_121 = arith.select %eq3A_118, %broadcast_in_dim3A_120, %select_n3A_105 : vector<128x1024xi1>, vector<128x1024xf32>
    %reduce_min3A_122 = arith.constant dense<0x7F800000> : vector<128xf32>
    %reduce_min3A_123 = vector.multi_reduction <minimumf>, %select_n3A_121, %reduce_min3A_122 [1] : vector<128x1024xf32> to vector<128xf32>
    %broadcast_in_dim3A_124 = vector.shape_cast %reduce_min3A_123 : vector<128xf32> to vector<128x1xf32>
    %eq3A_125 = vector.broadcast %broadcast_in_dim3A_124 : vector<128x1xf32> to vector<128x1024xf32>
    %eq3A_126 = arith.cmpf oeq, %select_n3A_121, %eq3A_125 : vector<128x1024xf32>
    %jit3A_127 = arith.constant 3.000000e+38 : f32
    %broadcast_in_dim3A_128 = vector.broadcast %jit3A_127 : f32 to vector<128x1024xf32>
    %select_n3A_129 = arith.select %eq3A_126, %convert_element_type3A, %broadcast_in_dim3A_128 : vector<128x1024xi1>, vector<128x1024xf32>
    %reduce_min3A_130 = arith.constant dense<0x7F800000> : vector<128xf32>
    %reduce_min3A_131 = vector.multi_reduction <minimumf>, %select_n3A_129, %reduce_min3A_130 [1] : vector<128x1024xf32> to vector<128xf32>
    %broadcast_in_dim3A_132 = vector.shape_cast %reduce_min3A_131 : vector<128xf32> to vector<128x1xf32>
    %eq3A_133 = vector.broadcast %broadcast_in_dim3A_132 : vector<128x1xf32> to vector<128x1024xf32>
    %eq3A_134 = arith.cmpf oeq, %convert_element_type3A, %eq3A_133 : vector<128x1024xf32>
    %jit3A_135 = arith.constant 3.000000e+38 : f32
    %broadcast_in_dim3A_136 = vector.broadcast %jit3A_135 : f32 to vector<128x1024xf32>
    %select_n3A_137 = arith.select %eq3A_134, %broadcast_in_dim3A_136, %select_n3A_121 : vector<128x1024xi1>, vector<128x1024xf32>
    %reduce_min3A_138 = arith.constant dense<0x7F800000> : vector<128xf32>
    %reduce_min3A_139 = vector.multi_reduction <minimumf>, %select_n3A_137, %reduce_min3A_138 [1] : vector<128x1024xf32> to vector<128xf32>
    %broadcast_in_dim3A_140 = vector.shape_cast %reduce_min3A_139 : vector<128xf32> to vector<128x1xf32>
    %eq3A_141 = vector.broadcast %broadcast_in_dim3A_140 : vector<128x1xf32> to vector<128x1024xf32>
    %eq3A_142 = arith.cmpf oeq, %select_n3A_137, %eq3A_141 : vector<128x1024xf32>
    %jit3A_143 = arith.constant 3.000000e+38 : f32
    %broadcast_in_dim3A_144 = vector.broadcast %jit3A_143 : f32 to vector<128x1024xf32>
    %select_n3A_145 = arith.select %eq3A_142, %convert_element_type3A, %broadcast_in_dim3A_144 : vector<128x1024xi1>, vector<128x1024xf32>
    %reduce_min3A_146 = arith.constant dense<0x7F800000> : vector<128xf32>
    %reduce_min3A_147 = vector.multi_reduction <minimumf>, %select_n3A_145, %reduce_min3A_146 [1] : vector<128x1024xf32> to vector<128xf32>
    %broadcast_in_dim3A_148 = vector.shape_cast %reduce_min3A_147 : vector<128xf32> to vector<128x1xf32>
    %eq3A_149 = vector.broadcast %broadcast_in_dim3A_148 : vector<128x1xf32> to vector<128x1024xf32>
    %eq3A_150 = arith.cmpf oeq, %convert_element_type3A, %eq3A_149 : vector<128x1024xf32>
    %jit3A_151 = arith.constant 3.000000e+38 : f32
    %broadcast_in_dim3A_152 = vector.broadcast %jit3A_151 : f32 to vector<128x1024xf32>
    %select_n3A_153 = arith.select %eq3A_150, %broadcast_in_dim3A_152, %select_n3A_137 : vector<128x1024xi1>, vector<128x1024xf32>
    %reduce_min3A_154 = arith.constant dense<0x7F800000> : vector<128xf32>
    %reduce_min3A_155 = vector.multi_reduction <minimumf>, %select_n3A_153, %reduce_min3A_154 [1] : vector<128x1024xf32> to vector<128xf32>
    %broadcast_in_dim3A_156 = vector.shape_cast %reduce_min3A_155 : vector<128xf32> to vector<128x1xf32>
    %eq3A_157 = vector.broadcast %broadcast_in_dim3A_156 : vector<128x1xf32> to vector<128x1024xf32>
    %eq3A_158 = arith.cmpf oeq, %select_n3A_153, %eq3A_157 : vector<128x1024xf32>
    %jit3A_159 = arith.constant 3.000000e+38 : f32
    %broadcast_in_dim3A_160 = vector.broadcast %jit3A_159 : f32 to vector<128x1024xf32>
    %select_n3A_161 = arith.select %eq3A_158, %convert_element_type3A, %broadcast_in_dim3A_160 : vector<128x1024xi1>, vector<128x1024xf32>
    %reduce_min3A_162 = arith.constant dense<0x7F800000> : vector<128xf32>
    %reduce_min3A_163 = vector.multi_reduction <minimumf>, %select_n3A_161, %reduce_min3A_162 [1] : vector<128x1024xf32> to vector<128xf32>
    %broadcast_in_dim3A_164 = vector.shape_cast %reduce_min3A_163 : vector<128xf32> to vector<128x1xf32>
    %eq3A_165 = vector.broadcast %broadcast_in_dim3A_164 : vector<128x1xf32> to vector<128x1024xf32>
    %eq3A_166 = arith.cmpf oeq, %convert_element_type3A, %eq3A_165 : vector<128x1024xf32>
    %jit3A_167 = arith.constant 3.000000e+38 : f32
    %broadcast_in_dim3A_168 = vector.broadcast %jit3A_167 : f32 to vector<128x1024xf32>
    %select_n3A_169 = arith.select %eq3A_166, %broadcast_in_dim3A_168, %select_n3A_153 : vector<128x1024xi1>, vector<128x1024xf32>
    %reduce_min3A_170 = arith.constant dense<0x7F800000> : vector<128xf32>
    %reduce_min3A_171 = vector.multi_reduction <minimumf>, %select_n3A_169, %reduce_min3A_170 [1] : vector<128x1024xf32> to vector<128xf32>
    %broadcast_in_dim3A_172 = vector.shape_cast %reduce_min3A_171 : vector<128xf32> to vector<128x1xf32>
    %eq3A_173 = vector.broadcast %broadcast_in_dim3A_172 : vector<128x1xf32> to vector<128x1024xf32>
    %eq3A_174 = arith.cmpf oeq, %select_n3A_169, %eq3A_173 : vector<128x1024xf32>
    %jit3A_175 = arith.constant 3.000000e+38 : f32
    %broadcast_in_dim3A_176 = vector.broadcast %jit3A_175 : f32 to vector<128x1024xf32>
    %select_n3A_177 = arith.select %eq3A_174, %convert_element_type3A, %broadcast_in_dim3A_176 : vector<128x1024xi1>, vector<128x1024xf32>
    %reduce_min3A_178 = arith.constant dense<0x7F800000> : vector<128xf32>
    %reduce_min3A_179 = vector.multi_reduction <minimumf>, %select_n3A_177, %reduce_min3A_178 [1] : vector<128x1024xf32> to vector<128xf32>
    %broadcast_in_dim3A_180 = vector.shape_cast %reduce_min3A_179 : vector<128xf32> to vector<128x1xf32>
    %eq3A_181 = vector.broadcast %broadcast_in_dim3A_180 : vector<128x1xf32> to vector<128x1024xf32>
    %eq3A_182 = arith.cmpf oeq, %convert_element_type3A, %eq3A_181 : vector<128x1024xf32>
    %jit3A_183 = arith.constant 3.000000e+38 : f32
    %broadcast_in_dim3A_184 = vector.broadcast %jit3A_183 : f32 to vector<128x1024xf32>
    %select_n3A_185 = arith.select %eq3A_182, %broadcast_in_dim3A_184, %select_n3A_169 : vector<128x1024xi1>, vector<128x1024xf32>
    %reduce_min3A_186 = arith.constant dense<0x7F800000> : vector<128xf32>
    %reduce_min3A_187 = vector.multi_reduction <minimumf>, %select_n3A_185, %reduce_min3A_186 [1] : vector<128x1024xf32> to vector<128xf32>
    %broadcast_in_dim3A_188 = vector.shape_cast %reduce_min3A_187 : vector<128xf32> to vector<128x1xf32>
    %eq3A_189 = vector.broadcast %broadcast_in_dim3A_188 : vector<128x1xf32> to vector<128x1024xf32>
    %eq3A_190 = arith.cmpf oeq, %select_n3A_185, %eq3A_189 : vector<128x1024xf32>
    %jit3A_191 = arith.constant 3.000000e+38 : f32
    %broadcast_in_dim3A_192 = vector.broadcast %jit3A_191 : f32 to vector<128x1024xf32>
    %select_n3A_193 = arith.select %eq3A_190, %convert_element_type3A, %broadcast_in_dim3A_192 : vector<128x1024xi1>, vector<128x1024xf32>
    %reduce_min3A_194 = arith.constant dense<0x7F800000> : vector<128xf32>
    %reduce_min3A_195 = vector.multi_reduction <minimumf>, %select_n3A_193, %reduce_min3A_194 [1] : vector<128x1024xf32> to vector<128xf32>
    %broadcast_in_dim3A_196 = vector.shape_cast %reduce_min3A_195 : vector<128xf32> to vector<128x1xf32>
    %eq3A_197 = vector.broadcast %broadcast_in_dim3A_196 : vector<128x1xf32> to vector<128x1024xf32>
    %eq3A_198 = arith.cmpf oeq, %convert_element_type3A, %eq3A_197 : vector<128x1024xf32>
    %jit3A_199 = arith.constant 3.000000e+38 : f32
    %broadcast_in_dim3A_200 = vector.broadcast %jit3A_199 : f32 to vector<128x1024xf32>
    %select_n3A_201 = arith.select %eq3A_198, %broadcast_in_dim3A_200, %select_n3A_185 : vector<128x1024xi1>, vector<128x1024xf32>
    %reduce_min3A_202 = arith.constant dense<0x7F800000> : vector<128xf32>
    %reduce_min3A_203 = vector.multi_reduction <minimumf>, %select_n3A_201, %reduce_min3A_202 [1] : vector<128x1024xf32> to vector<128xf32>
    %broadcast_in_dim3A_204 = vector.shape_cast %reduce_min3A_203 : vector<128xf32> to vector<128x1xf32>
    %eq3A_205 = vector.broadcast %broadcast_in_dim3A_204 : vector<128x1xf32> to vector<128x1024xf32>
    %eq3A_206 = arith.cmpf oeq, %select_n3A_201, %eq3A_205 : vector<128x1024xf32>
    %jit3A_207 = arith.constant 3.000000e+38 : f32
    %broadcast_in_dim3A_208 = vector.broadcast %jit3A_207 : f32 to vector<128x1024xf32>
    %select_n3A_209 = arith.select %eq3A_206, %convert_element_type3A, %broadcast_in_dim3A_208 : vector<128x1024xi1>, vector<128x1024xf32>
    %reduce_min3A_210 = arith.constant dense<0x7F800000> : vector<128xf32>
    %reduce_min3A_211 = vector.multi_reduction <minimumf>, %select_n3A_209, %reduce_min3A_210 [1] : vector<128x1024xf32> to vector<128xf32>
    %broadcast_in_dim3A_212 = vector.shape_cast %reduce_min3A_211 : vector<128xf32> to vector<128x1xf32>
    %eq3A_213 = vector.broadcast %broadcast_in_dim3A_212 : vector<128x1xf32> to vector<128x1024xf32>
    %eq3A_214 = arith.cmpf oeq, %convert_element_type3A, %eq3A_213 : vector<128x1024xf32>
    %jit3A_215 = arith.constant 3.000000e+38 : f32
    %broadcast_in_dim3A_216 = vector.broadcast %jit3A_215 : f32 to vector<128x1024xf32>
    %select_n3A_217 = arith.select %eq3A_214, %broadcast_in_dim3A_216, %select_n3A_201 : vector<128x1024xi1>, vector<128x1024xf32>
    %reduce_min3A_218 = arith.constant dense<0x7F800000> : vector<128xf32>
    %reduce_min3A_219 = vector.multi_reduction <minimumf>, %select_n3A_217, %reduce_min3A_218 [1] : vector<128x1024xf32> to vector<128xf32>
    %broadcast_in_dim3A_220 = vector.shape_cast %reduce_min3A_219 : vector<128xf32> to vector<128x1xf32>
    %eq3A_221 = vector.broadcast %broadcast_in_dim3A_220 : vector<128x1xf32> to vector<128x1024xf32>
    %eq3A_222 = arith.cmpf oeq, %select_n3A_217, %eq3A_221 : vector<128x1024xf32>
    %jit3A_223 = arith.constant 3.000000e+38 : f32
    %broadcast_in_dim3A_224 = vector.broadcast %jit3A_223 : f32 to vector<128x1024xf32>
    %select_n3A_225 = arith.select %eq3A_222, %convert_element_type3A, %broadcast_in_dim3A_224 : vector<128x1024xi1>, vector<128x1024xf32>
    %reduce_min3A_226 = arith.constant dense<0x7F800000> : vector<128xf32>
    %reduce_min3A_227 = vector.multi_reduction <minimumf>, %select_n3A_225, %reduce_min3A_226 [1] : vector<128x1024xf32> to vector<128xf32>
    %broadcast_in_dim3A_228 = vector.shape_cast %reduce_min3A_227 : vector<128xf32> to vector<128x1xf32>
    %eq3A_229 = vector.broadcast %broadcast_in_dim3A_228 : vector<128x1xf32> to vector<128x1024xf32>
    %eq3A_230 = arith.cmpf oeq, %convert_element_type3A, %eq3A_229 : vector<128x1024xf32>
    %jit3A_231 = arith.constant 3.000000e+38 : f32
    %broadcast_in_dim3A_232 = vector.broadcast %jit3A_231 : f32 to vector<128x1024xf32>
    %select_n3A_233 = arith.select %eq3A_230, %broadcast_in_dim3A_232, %select_n3A_217 : vector<128x1024xi1>, vector<128x1024xf32>
    %reduce_min3A_234 = arith.constant dense<0x7F800000> : vector<128xf32>
    %reduce_min3A_235 = vector.multi_reduction <minimumf>, %select_n3A_233, %reduce_min3A_234 [1] : vector<128x1024xf32> to vector<128xf32>
    %broadcast_in_dim3A_236 = vector.shape_cast %reduce_min3A_235 : vector<128xf32> to vector<128x1xf32>
    %eq3A_237 = vector.broadcast %broadcast_in_dim3A_236 : vector<128x1xf32> to vector<128x1024xf32>
    %eq3A_238 = arith.cmpf oeq, %select_n3A_233, %eq3A_237 : vector<128x1024xf32>
    %jit3A_239 = arith.constant 3.000000e+38 : f32
    %broadcast_in_dim3A_240 = vector.broadcast %jit3A_239 : f32 to vector<128x1024xf32>
    %select_n3A_241 = arith.select %eq3A_238, %convert_element_type3A, %broadcast_in_dim3A_240 : vector<128x1024xi1>, vector<128x1024xf32>
    %reduce_min3A_242 = arith.constant dense<0x7F800000> : vector<128xf32>
    %reduce_min3A_243 = vector.multi_reduction <minimumf>, %select_n3A_241, %reduce_min3A_242 [1] : vector<128x1024xf32> to vector<128xf32>
    %broadcast_in_dim3A_244 = vector.shape_cast %reduce_min3A_243 : vector<128xf32> to vector<128x1xf32>
    %eq3A_245 = vector.broadcast %broadcast_in_dim3A_244 : vector<128x1xf32> to vector<128x1024xf32>
    %eq3A_246 = arith.cmpf oeq, %convert_element_type3A, %eq3A_245 : vector<128x1024xf32>
    %jit3A_247 = arith.constant 3.000000e+38 : f32
    %broadcast_in_dim3A_248 = vector.broadcast %jit3A_247 : f32 to vector<128x1024xf32>
    %select_n3A_249 = arith.select %eq3A_246, %broadcast_in_dim3A_248, %select_n3A_233 : vector<128x1024xi1>, vector<128x1024xf32>
    %reduce_min3A_250 = arith.constant dense<0x7F800000> : vector<128xf32>
    %reduce_min3A_251 = vector.multi_reduction <minimumf>, %select_n3A_249, %reduce_min3A_250 [1] : vector<128x1024xf32> to vector<128xf32>
    %broadcast_in_dim3A_252 = vector.shape_cast %reduce_min3A_251 : vector<128xf32> to vector<128x1xf32>
    %eq3A_253 = vector.broadcast %broadcast_in_dim3A_252 : vector<128x1xf32> to vector<128x1024xf32>
    %eq3A_254 = arith.cmpf oeq, %select_n3A_249, %eq3A_253 : vector<128x1024xf32>
    %jit3A_255 = arith.constant 3.000000e+38 : f32
    %broadcast_in_dim3A_256 = vector.broadcast %jit3A_255 : f32 to vector<128x1024xf32>
    %select_n3A_257 = arith.select %eq3A_254, %convert_element_type3A, %broadcast_in_dim3A_256 : vector<128x1024xi1>, vector<128x1024xf32>
    %reduce_min3A_258 = arith.constant dense<0x7F800000> : vector<128xf32>
    %reduce_min3A_259 = vector.multi_reduction <minimumf>, %select_n3A_257, %reduce_min3A_258 [1] : vector<128x1024xf32> to vector<128xf32>
    %broadcast_in_dim3A_260 = vector.shape_cast %reduce_min3A_259 : vector<128xf32> to vector<128x1xf32>
    %eq3A_261 = vector.broadcast %broadcast_in_dim3A_260 : vector<128x1xf32> to vector<128x1024xf32>
    %eq3A_262 = arith.cmpf oeq, %convert_element_type3A, %eq3A_261 : vector<128x1024xf32>
    %jit3A_263 = arith.constant 3.000000e+38 : f32
    %broadcast_in_dim3A_264 = vector.broadcast %jit3A_263 : f32 to vector<128x1024xf32>
    %select_n3A_265 = arith.select %eq3A_262, %broadcast_in_dim3A_264, %select_n3A_249 : vector<128x1024xi1>, vector<128x1024xf32>
    %reduce_min3A_266 = arith.constant dense<0x7F800000> : vector<128xf32>
    %reduce_min3A_267 = vector.multi_reduction <minimumf>, %select_n3A_265, %reduce_min3A_266 [1] : vector<128x1024xf32> to vector<128xf32>
    %broadcast_in_dim3A_268 = vector.shape_cast %reduce_min3A_267 : vector<128xf32> to vector<128x1xf32>
    %eq3A_269 = vector.broadcast %broadcast_in_dim3A_268 : vector<128x1xf32> to vector<128x1024xf32>
    %eq3A_270 = arith.cmpf oeq, %select_n3A_265, %eq3A_269 : vector<128x1024xf32>
    %jit3A_271 = arith.constant 3.000000e+38 : f32
    %broadcast_in_dim3A_272 = vector.broadcast %jit3A_271 : f32 to vector<128x1024xf32>
    %select_n3A_273 = arith.select %eq3A_270, %convert_element_type3A, %broadcast_in_dim3A_272 : vector<128x1024xi1>, vector<128x1024xf32>
    %reduce_min3A_274 = arith.constant dense<0x7F800000> : vector<128xf32>
    %reduce_min3A_275 = vector.multi_reduction <minimumf>, %select_n3A_273, %reduce_min3A_274 [1] : vector<128x1024xf32> to vector<128xf32>
    %broadcast_in_dim3A_276 = vector.shape_cast %reduce_min3A_275 : vector<128xf32> to vector<128x1xf32>
    %concatenate3A = tpu.concatenate %broadcast_in_dim3A_36, %broadcast_in_dim3A_52, %broadcast_in_dim3A_68, %broadcast_in_dim3A_84, %broadcast_in_dim3A_100, %broadcast_in_dim3A_116, %broadcast_in_dim3A_132, %broadcast_in_dim3A_148, %broadcast_in_dim3A_164, %broadcast_in_dim3A_180, %broadcast_in_dim3A_196, %broadcast_in_dim3A_212, %broadcast_in_dim3A_228, %broadcast_in_dim3A_244, %broadcast_in_dim3A_260, %broadcast_in_dim3A_276 in 1 : vector<128x1xf32>, vector<128x1xf32>, vector<128x1xf32>, vector<128x1xf32>, vector<128x1xf32>, vector<128x1xf32>, vector<128x1xf32>, vector<128x1xf32>, vector<128x1xf32>, vector<128x1xf32>, vector<128x1xf32>, vector<128x1xf32>, vector<128x1xf32>, vector<128x1xf32>, vector<128x1xf32>, vector<128x1xf32> -> vector<128x16xf32>
    %convert_element_type3A_277 = arith.fptosi %concatenate3A : vector<128x16xf32> to vector<128x16xi32>
    %swap3A = arith.constant 0 : index
    %swap3A_278 = arith.constant 0 : index
    %swap3A_279 = arith.constant 0 : index
    %swap3A_280 = vector.load %arg4[%swap3A, %swap3A_278, %swap3A_279] : memref<1x128x16xi32, #tpu.memory_space<vmem>>, vector<1x128x16xi32>
    %swap3A_281 = vector.shape_cast %swap3A_280 : vector<1x128x16xi32> to vector<128x16xi32>
    %swap3A_282 = vector.shape_cast %convert_element_type3A_277 : vector<128x16xi32> to vector<1x128x16xi32>
    tpu.vector_store %arg4[%swap3A, %swap3A_278, %swap3A_279], %swap3A_282 {strides = array<i32>} : memref<1x128x16xi32, #tpu.memory_space<vmem>>, vector<1x128x16xi32>,
    %and3A = arith.constant 127 : i32
    %and3A_283 = vector.broadcast %and3A : i32 to vector<128x16xi32>
    %and3A_284 = arith.andi %convert_element_type3A_277, %and3A_283 : vector<128x16xi32>
    %shift_right_arithmetic3A = arith.constant 7 : i32
    %shift_right_arithmetic3A_285 = vector.broadcast %shift_right_arithmetic3A : i32 to vector<128x16xi32>
    %shift_right_arithmetic3A_286 = arith.shrsi %convert_element_type3A_277, %shift_right_arithmetic3A_285 : vector<128x16xi32>
    %broadcast_in_dim3A_287 = arith.constant 0.000000e+00 : f32
    %broadcast_in_dim3A_288 = vector.broadcast %broadcast_in_dim3A_287 : f32 to vector<128x16xf32>
    %broadcast_in_dim3A_289 = arith.constant 0.000000e+00 : f32
    %broadcast_in_dim3A_290 = vector.broadcast %broadcast_in_dim3A_289 : f32 to vector<128x16xf32>
    %broadcast_in_dim3A_291 = arith.constant 0.000000e+00 : f32
    %broadcast_in_dim3A_292 = vector.broadcast %broadcast_in_dim3A_291 : f32 to vector<128x16xf32>
    %eq3A_293 = arith.constant 0 : i32
    %eq3A_294 = vector.broadcast %eq3A_293 : i32 to vector<128x16xi32>
    %eq3A_295 = arith.cmpi eq, %shift_right_arithmetic3A_286, %eq3A_294 : vector<128x16xi32>
    %slice3A_296 = vector.extract_strided_slice %slice3A {offsets = [0, 0], sizes = [1, 128], strides = [1, 1]} : vector<1x1024xf32> to vector<1x128xf32>
    %broadcast_in_dim3A_297 = vector.shape_cast %slice3A_296 : vector<1x128xf32> to vector<1x128xf32>
    %broadcast_in_dim3A_298 = vector.broadcast %broadcast_in_dim3A_297 : vector<1x128xf32> to vector<128x128xf32>
    %lt3A = arith.constant 0 : i32
    %lt3A_299 = vector.broadcast %lt3A : i32 to vector<128x16xi32>
    %lt3A_300 = arith.cmpi slt, %and3A_284, %lt3A_299 : vector<128x16xi32>
    %add3A_301 = arith.constant 128 : i32
    %add3A_302 = vector.broadcast %add3A_301 : i32 to vector<128x16xi32>
    %add3A_303 = arith.addi %and3A_284, %add3A_302 : vector<128x16xi32>
    %select_n3A_304 = arith.select %lt3A_300, %add3A_303, %and3A_284 : vector<128x16xi1>, vector<128x16xi32>
    %reshape3A = vector.shape_cast %select_n3A_304 : vector<128x16xi32> to vector<128x16x1xi32>
    %gather3A = vector.shape_cast %reshape3A : vector<128x16x1xi32> to vector<128x16xi32>
    %gather3A_305 = tpu.dynamic_gather %broadcast_in_dim3A_298[%gather3A] in [1] : vector<128x128xf32>, vector<128x16xi32> -> vector<128x16xf32>
    %slice3A_306 = vector.extract_strided_slice %slice3A_9 {offsets = [0, 0], sizes = [1, 128], strides = [1, 1]} : vector<1x1024xf32> to vector<1x128xf32>
    %broadcast_in_dim3A_307 = vector.shape_cast %slice3A_306 : vector<1x128xf32> to vector<1x128xf32>
    %broadcast_in_dim3A_308 = vector.broadcast %broadcast_in_dim3A_307 : vector<1x128xf32> to vector<128x128xf32>
    %lt3A_309 = arith.constant 0 : i32
    %lt3A_310 = vector.broadcast %lt3A_309 : i32 to vector<128x16xi32>
    %lt3A_311 = arith.cmpi slt, %and3A_284, %lt3A_310 : vector<128x16xi32>
    %add3A_312 = arith.constant 128 : i32
    %add3A_313 = vector.broadcast %add3A_312 : i32 to vector<128x16xi32>
    %add3A_314 = arith.addi %and3A_284, %add3A_313 : vector<128x16xi32>
    %select_n3A_315 = arith.select %lt3A_311, %add3A_314, %and3A_284 : vector<128x16xi1>, vector<128x16xi32>
    %reshape3A_316 = vector.shape_cast %select_n3A_315 : vector<128x16xi32> to vector<128x16x1xi32>
    %gather3A_317 = vector.shape_cast %reshape3A_316 : vector<128x16x1xi32> to vector<128x16xi32>
    %gather3A_318 = tpu.dynamic_gather %broadcast_in_dim3A_308[%gather3A_317] in [1] : vector<128x128xf32>, vector<128x16xi32> -> vector<128x16xf32>
    %slice3A_319 = vector.extract_strided_slice %slice3A_10 {offsets = [0, 0], sizes = [1, 128], strides = [1, 1]} : vector<1x1024xf32> to vector<1x128xf32>
    %broadcast_in_dim3A_320 = vector.shape_cast %slice3A_319 : vector<1x128xf32> to vector<1x128xf32>
    %broadcast_in_dim3A_321 = vector.broadcast %broadcast_in_dim3A_320 : vector<1x128xf32> to vector<128x128xf32>
    %lt3A_322 = arith.constant 0 : i32
    %lt3A_323 = vector.broadcast %lt3A_322 : i32 to vector<128x16xi32>
    %lt3A_324 = arith.cmpi slt, %and3A_284, %lt3A_323 : vector<128x16xi32>
    %add3A_325 = arith.constant 128 : i32
    %add3A_326 = vector.broadcast %add3A_325 : i32 to vector<128x16xi32>
    %add3A_327 = arith.addi %and3A_284, %add3A_326 : vector<128x16xi32>
    %select_n3A_328 = arith.select %lt3A_324, %add3A_327, %and3A_284 : vector<128x16xi1>, vector<128x16xi32>
    %reshape3A_329 = vector.shape_cast %select_n3A_328 : vector<128x16xi32> to vector<128x16x1xi32>
    %gather3A_330 = vector.shape_cast %reshape3A_329 : vector<128x16x1xi32> to vector<128x16xi32>
    %gather3A_331 = tpu.dynamic_gather %broadcast_in_dim3A_321[%gather3A_330] in [1] : vector<128x128xf32>, vector<128x16xi32> -> vector<128x16xf32>
    %select_n3A_332 = arith.select %eq3A_295, %gather3A_305, %broadcast_in_dim3A_288 : vector<128x16xi1>, vector<128x16xf32>
    %select_n3A_333 = arith.select %eq3A_295, %gather3A_318, %broadcast_in_dim3A_290 : vector<128x16xi1>, vector<128x16xf32>
    %select_n3A_334 = arith.select %eq3A_295, %gather3A_331, %broadcast_in_dim3A_292 : vector<128x16xi1>, vector<128x16xf32>
    %eq3A_335 = arith.constant 1 : i32
    %eq3A_336 = vector.broadcast %eq3A_335 : i32 to vector<128x16xi32>
    %eq3A_337 = arith.cmpi eq, %shift_right_arithmetic3A_286, %eq3A_336 : vector<128x16xi32>
    %slice3A_338 = vector.extract_strided_slice %slice3A {offsets = [0, 128], sizes = [1, 128], strides = [1, 1]} : vector<1x1024xf32> to vector<1x128xf32>
    %broadcast_in_dim3A_339 = vector.shape_cast %slice3A_338 : vector<1x128xf32> to vector<1x128xf32>
    %broadcast_in_dim3A_340 = vector.broadcast %broadcast_in_dim3A_339 : vector<1x128xf32> to vector<128x128xf32>
    %lt3A_341 = arith.constant 0 : i32
    %lt3A_342 = vector.broadcast %lt3A_341 : i32 to vector<128x16xi32>
    %lt3A_343 = arith.cmpi slt, %and3A_284, %lt3A_342 : vector<128x16xi32>
    %add3A_344 = arith.constant 128 : i32
    %add3A_345 = vector.broadcast %add3A_344 : i32 to vector<128x16xi32>
    %add3A_346 = arith.addi %and3A_284, %add3A_345 : vector<128x16xi32>
    %select_n3A_347 = arith.select %lt3A_343, %add3A_346, %and3A_284 : vector<128x16xi1>, vector<128x16xi32>
    %reshape3A_348 = vector.shape_cast %select_n3A_347 : vector<128x16xi32> to vector<128x16x1xi32>
    %gather3A_349 = vector.shape_cast %reshape3A_348 : vector<128x16x1xi32> to vector<128x16xi32>
    %gather3A_350 = tpu.dynamic_gather %broadcast_in_dim3A_340[%gather3A_349] in [1] : vector<128x128xf32>, vector<128x16xi32> -> vector<128x16xf32>
    %slice3A_351 = vector.extract_strided_slice %slice3A_9 {offsets = [0, 128], sizes = [1, 128], strides = [1, 1]} : vector<1x1024xf32> to vector<1x128xf32>
    %broadcast_in_dim3A_352 = vector.shape_cast %slice3A_351 : vector<1x128xf32> to vector<1x128xf32>
    %broadcast_in_dim3A_353 = vector.broadcast %broadcast_in_dim3A_352 : vector<1x128xf32> to vector<128x128xf32>
    %lt3A_354 = arith.constant 0 : i32
    %lt3A_355 = vector.broadcast %lt3A_354 : i32 to vector<128x16xi32>
    %lt3A_356 = arith.cmpi slt, %and3A_284, %lt3A_355 : vector<128x16xi32>
    %add3A_357 = arith.constant 128 : i32
    %add3A_358 = vector.broadcast %add3A_357 : i32 to vector<128x16xi32>
    %add3A_359 = arith.addi %and3A_284, %add3A_358 : vector<128x16xi32>
    %select_n3A_360 = arith.select %lt3A_356, %add3A_359, %and3A_284 : vector<128x16xi1>, vector<128x16xi32>
    %reshape3A_361 = vector.shape_cast %select_n3A_360 : vector<128x16xi32> to vector<128x16x1xi32>
    %gather3A_362 = vector.shape_cast %reshape3A_361 : vector<128x16x1xi32> to vector<128x16xi32>
    %gather3A_363 = tpu.dynamic_gather %broadcast_in_dim3A_353[%gather3A_362] in [1] : vector<128x128xf32>, vector<128x16xi32> -> vector<128x16xf32>
    %slice3A_364 = vector.extract_strided_slice %slice3A_10 {offsets = [0, 128], sizes = [1, 128], strides = [1, 1]} : vector<1x1024xf32> to vector<1x128xf32>
    %broadcast_in_dim3A_365 = vector.shape_cast %slice3A_364 : vector<1x128xf32> to vector<1x128xf32>
    %broadcast_in_dim3A_366 = vector.broadcast %broadcast_in_dim3A_365 : vector<1x128xf32> to vector<128x128xf32>
    %lt3A_367 = arith.constant 0 : i32
    %lt3A_368 = vector.broadcast %lt3A_367 : i32 to vector<128x16xi32>
    %lt3A_369 = arith.cmpi slt, %and3A_284, %lt3A_368 : vector<128x16xi32>
    %add3A_370 = arith.constant 128 : i32
    %add3A_371 = vector.broadcast %add3A_370 : i32 to vector<128x16xi32>
    %add3A_372 = arith.addi %and3A_284, %add3A_371 : vector<128x16xi32>
    %select_n3A_373 = arith.select %lt3A_369, %add3A_372, %and3A_284 : vector<128x16xi1>, vector<128x16xi32>
    %reshape3A_374 = vector.shape_cast %select_n3A_373 : vector<128x16xi32> to vector<128x16x1xi32>
    %gather3A_375 = vector.shape_cast %reshape3A_374 : vector<128x16x1xi32> to vector<128x16xi32>
    %gather3A_376 = tpu.dynamic_gather %broadcast_in_dim3A_366[%gather3A_375] in [1] : vector<128x128xf32>, vector<128x16xi32> -> vector<128x16xf32>
    %select_n3A_377 = arith.select %eq3A_337, %gather3A_350, %select_n3A_332 : vector<128x16xi1>, vector<128x16xf32>
    %select_n3A_378 = arith.select %eq3A_337, %gather3A_363, %select_n3A_333 : vector<128x16xi1>, vector<128x16xf32>
    %select_n3A_379 = arith.select %eq3A_337, %gather3A_376, %select_n3A_334 : vector<128x16xi1>, vector<128x16xf32>
    %eq3A_380 = arith.constant 2 : i32
    %eq3A_381 = vector.broadcast %eq3A_380 : i32 to vector<128x16xi32>
    %eq3A_382 = arith.cmpi eq, %shift_right_arithmetic3A_286, %eq3A_381 : vector<128x16xi32>
    %slice3A_383 = vector.extract_strided_slice %slice3A {offsets = [0, 256], sizes = [1, 128], strides = [1, 1]} : vector<1x1024xf32> to vector<1x128xf32>
    %broadcast_in_dim3A_384 = vector.shape_cast %slice3A_383 : vector<1x128xf32> to vector<1x128xf32>
    %broadcast_in_dim3A_385 = vector.broadcast %broadcast_in_dim3A_384 : vector<1x128xf32> to vector<128x128xf32>
    %lt3A_386 = arith.constant 0 : i32
    %lt3A_387 = vector.broadcast %lt3A_386 : i32 to vector<128x16xi32>
    %lt3A_388 = arith.cmpi slt, %and3A_284, %lt3A_387 : vector<128x16xi32>
    %add3A_389 = arith.constant 128 : i32
    %add3A_390 = vector.broadcast %add3A_389 : i32 to vector<128x16xi32>
    %add3A_391 = arith.addi %and3A_284, %add3A_390 : vector<128x16xi32>
    %select_n3A_392 = arith.select %lt3A_388, %add3A_391, %and3A_284 : vector<128x16xi1>, vector<128x16xi32>
    %reshape3A_393 = vector.shape_cast %select_n3A_392 : vector<128x16xi32> to vector<128x16x1xi32>
    %gather3A_394 = vector.shape_cast %reshape3A_393 : vector<128x16x1xi32> to vector<128x16xi32>
    %gather3A_395 = tpu.dynamic_gather %broadcast_in_dim3A_385[%gather3A_394] in [1] : vector<128x128xf32>, vector<128x16xi32> -> vector<128x16xf32>
    %slice3A_396 = vector.extract_strided_slice %slice3A_9 {offsets = [0, 256], sizes = [1, 128], strides = [1, 1]} : vector<1x1024xf32> to vector<1x128xf32>
    %broadcast_in_dim3A_397 = vector.shape_cast %slice3A_396 : vector<1x128xf32> to vector<1x128xf32>
    %broadcast_in_dim3A_398 = vector.broadcast %broadcast_in_dim3A_397 : vector<1x128xf32> to vector<128x128xf32>
    %lt3A_399 = arith.constant 0 : i32
    %lt3A_400 = vector.broadcast %lt3A_399 : i32 to vector<128x16xi32>
    %lt3A_401 = arith.cmpi slt, %and3A_284, %lt3A_400 : vector<128x16xi32>
    %add3A_402 = arith.constant 128 : i32
    %add3A_403 = vector.broadcast %add3A_402 : i32 to vector<128x16xi32>
    %add3A_404 = arith.addi %and3A_284, %add3A_403 : vector<128x16xi32>
    %select_n3A_405 = arith.select %lt3A_401, %add3A_404, %and3A_284 : vector<128x16xi1>, vector<128x16xi32>
    %reshape3A_406 = vector.shape_cast %select_n3A_405 : vector<128x16xi32> to vector<128x16x1xi32>
    %gather3A_407 = vector.shape_cast %reshape3A_406 : vector<128x16x1xi32> to vector<128x16xi32>
    %gather3A_408 = tpu.dynamic_gather %broadcast_in_dim3A_398[%gather3A_407] in [1] : vector<128x128xf32>, vector<128x16xi32> -> vector<128x16xf32>
    %slice3A_409 = vector.extract_strided_slice %slice3A_10 {offsets = [0, 256], sizes = [1, 128], strides = [1, 1]} : vector<1x1024xf32> to vector<1x128xf32>
    %broadcast_in_dim3A_410 = vector.shape_cast %slice3A_409 : vector<1x128xf32> to vector<1x128xf32>
    %broadcast_in_dim3A_411 = vector.broadcast %broadcast_in_dim3A_410 : vector<1x128xf32> to vector<128x128xf32>
    %lt3A_412 = arith.constant 0 : i32
    %lt3A_413 = vector.broadcast %lt3A_412 : i32 to vector<128x16xi32>
    %lt3A_414 = arith.cmpi slt, %and3A_284, %lt3A_413 : vector<128x16xi32>
    %add3A_415 = arith.constant 128 : i32
    %add3A_416 = vector.broadcast %add3A_415 : i32 to vector<128x16xi32>
    %add3A_417 = arith.addi %and3A_284, %add3A_416 : vector<128x16xi32>
    %select_n3A_418 = arith.select %lt3A_414, %add3A_417, %and3A_284 : vector<128x16xi1>, vector<128x16xi32>
    %reshape3A_419 = vector.shape_cast %select_n3A_418 : vector<128x16xi32> to vector<128x16x1xi32>
    %gather3A_420 = vector.shape_cast %reshape3A_419 : vector<128x16x1xi32> to vector<128x16xi32>
    %gather3A_421 = tpu.dynamic_gather %broadcast_in_dim3A_411[%gather3A_420] in [1] : vector<128x128xf32>, vector<128x16xi32> -> vector<128x16xf32>
    %select_n3A_422 = arith.select %eq3A_382, %gather3A_395, %select_n3A_377 : vector<128x16xi1>, vector<128x16xf32>
    %select_n3A_423 = arith.select %eq3A_382, %gather3A_408, %select_n3A_378 : vector<128x16xi1>, vector<128x16xf32>
    %select_n3A_424 = arith.select %eq3A_382, %gather3A_421, %select_n3A_379 : vector<128x16xi1>, vector<128x16xf32>
    %eq3A_425 = arith.constant 3 : i32
    %eq3A_426 = vector.broadcast %eq3A_425 : i32 to vector<128x16xi32>
    %eq3A_427 = arith.cmpi eq, %shift_right_arithmetic3A_286, %eq3A_426 : vector<128x16xi32>
    %slice3A_428 = vector.extract_strided_slice %slice3A {offsets = [0, 384], sizes = [1, 128], strides = [1, 1]} : vector<1x1024xf32> to vector<1x128xf32>
    %broadcast_in_dim3A_429 = vector.shape_cast %slice3A_428 : vector<1x128xf32> to vector<1x128xf32>
    %broadcast_in_dim3A_430 = vector.broadcast %broadcast_in_dim3A_429 : vector<1x128xf32> to vector<128x128xf32>
    %lt3A_431 = arith.constant 0 : i32
    %lt3A_432 = vector.broadcast %lt3A_431 : i32 to vector<128x16xi32>
    %lt3A_433 = arith.cmpi slt, %and3A_284, %lt3A_432 : vector<128x16xi32>
    %add3A_434 = arith.constant 128 : i32
    %add3A_435 = vector.broadcast %add3A_434 : i32 to vector<128x16xi32>
    %add3A_436 = arith.addi %and3A_284, %add3A_435 : vector<128x16xi32>
    %select_n3A_437 = arith.select %lt3A_433, %add3A_436, %and3A_284 : vector<128x16xi1>, vector<128x16xi32>
    %reshape3A_438 = vector.shape_cast %select_n3A_437 : vector<128x16xi32> to vector<128x16x1xi32>
    %gather3A_439 = vector.shape_cast %reshape3A_438 : vector<128x16x1xi32> to vector<128x16xi32>
    %gather3A_440 = tpu.dynamic_gather %broadcast_in_dim3A_430[%gather3A_439] in [1] : vector<128x128xf32>, vector<128x16xi32> -> vector<128x16xf32>
    %slice3A_441 = vector.extract_strided_slice %slice3A_9 {offsets = [0, 384], sizes = [1, 128], strides = [1, 1]} : vector<1x1024xf32> to vector<1x128xf32>
    %broadcast_in_dim3A_442 = vector.shape_cast %slice3A_441 : vector<1x128xf32> to vector<1x128xf32>
    %broadcast_in_dim3A_443 = vector.broadcast %broadcast_in_dim3A_442 : vector<1x128xf32> to vector<128x128xf32>
    %lt3A_444 = arith.constant 0 : i32
    %lt3A_445 = vector.broadcast %lt3A_444 : i32 to vector<128x16xi32>
    %lt3A_446 = arith.cmpi slt, %and3A_284, %lt3A_445 : vector<128x16xi32>
    %add3A_447 = arith.constant 128 : i32
    %add3A_448 = vector.broadcast %add3A_447 : i32 to vector<128x16xi32>
    %add3A_449 = arith.addi %and3A_284, %add3A_448 : vector<128x16xi32>
    %select_n3A_450 = arith.select %lt3A_446, %add3A_449, %and3A_284 : vector<128x16xi1>, vector<128x16xi32>
    %reshape3A_451 = vector.shape_cast %select_n3A_450 : vector<128x16xi32> to vector<128x16x1xi32>
    %gather3A_452 = vector.shape_cast %reshape3A_451 : vector<128x16x1xi32> to vector<128x16xi32>
    %gather3A_453 = tpu.dynamic_gather %broadcast_in_dim3A_443[%gather3A_452] in [1] : vector<128x128xf32>, vector<128x16xi32> -> vector<128x16xf32>
    %slice3A_454 = vector.extract_strided_slice %slice3A_10 {offsets = [0, 384], sizes = [1, 128], strides = [1, 1]} : vector<1x1024xf32> to vector<1x128xf32>
    %broadcast_in_dim3A_455 = vector.shape_cast %slice3A_454 : vector<1x128xf32> to vector<1x128xf32>
    %broadcast_in_dim3A_456 = vector.broadcast %broadcast_in_dim3A_455 : vector<1x128xf32> to vector<128x128xf32>
    %lt3A_457 = arith.constant 0 : i32
    %lt3A_458 = vector.broadcast %lt3A_457 : i32 to vector<128x16xi32>
    %lt3A_459 = arith.cmpi slt, %and3A_284, %lt3A_458 : vector<128x16xi32>
    %add3A_460 = arith.constant 128 : i32
    %add3A_461 = vector.broadcast %add3A_460 : i32 to vector<128x16xi32>
    %add3A_462 = arith.addi %and3A_284, %add3A_461 : vector<128x16xi32>
    %select_n3A_463 = arith.select %lt3A_459, %add3A_462, %and3A_284 : vector<128x16xi1>, vector<128x16xi32>
    %reshape3A_464 = vector.shape_cast %select_n3A_463 : vector<128x16xi32> to vector<128x16x1xi32>
    %gather3A_465 = vector.shape_cast %reshape3A_464 : vector<128x16x1xi32> to vector<128x16xi32>
    %gather3A_466 = tpu.dynamic_gather %broadcast_in_dim3A_456[%gather3A_465] in [1] : vector<128x128xf32>, vector<128x16xi32> -> vector<128x16xf32>
    %select_n3A_467 = arith.select %eq3A_427, %gather3A_440, %select_n3A_422 : vector<128x16xi1>, vector<128x16xf32>
    %select_n3A_468 = arith.select %eq3A_427, %gather3A_453, %select_n3A_423 : vector<128x16xi1>, vector<128x16xf32>
    %select_n3A_469 = arith.select %eq3A_427, %gather3A_466, %select_n3A_424 : vector<128x16xi1>, vector<128x16xf32>
    %eq3A_470 = arith.constant 4 : i32
    %eq3A_471 = vector.broadcast %eq3A_470 : i32 to vector<128x16xi32>
    %eq3A_472 = arith.cmpi eq, %shift_right_arithmetic3A_286, %eq3A_471 : vector<128x16xi32>
    %slice3A_473 = vector.extract_strided_slice %slice3A {offsets = [0, 512], sizes = [1, 128], strides = [1, 1]} : vector<1x1024xf32> to vector<1x128xf32>
    %broadcast_in_dim3A_474 = vector.shape_cast %slice3A_473 : vector<1x128xf32> to vector<1x128xf32>
    %broadcast_in_dim3A_475 = vector.broadcast %broadcast_in_dim3A_474 : vector<1x128xf32> to vector<128x128xf32>
    %lt3A_476 = arith.constant 0 : i32
    %lt3A_477 = vector.broadcast %lt3A_476 : i32 to vector<128x16xi32>
    %lt3A_478 = arith.cmpi slt, %and3A_284, %lt3A_477 : vector<128x16xi32>
    %add3A_479 = arith.constant 128 : i32
    %add3A_480 = vector.broadcast %add3A_479 : i32 to vector<128x16xi32>
    %add3A_481 = arith.addi %and3A_284, %add3A_480 : vector<128x16xi32>
    %select_n3A_482 = arith.select %lt3A_478, %add3A_481, %and3A_284 : vector<128x16xi1>, vector<128x16xi32>
    %reshape3A_483 = vector.shape_cast %select_n3A_482 : vector<128x16xi32> to vector<128x16x1xi32>
    %gather3A_484 = vector.shape_cast %reshape3A_483 : vector<128x16x1xi32> to vector<128x16xi32>
    %gather3A_485 = tpu.dynamic_gather %broadcast_in_dim3A_475[%gather3A_484] in [1] : vector<128x128xf32>, vector<128x16xi32> -> vector<128x16xf32>
    %slice3A_486 = vector.extract_strided_slice %slice3A_9 {offsets = [0, 512], sizes = [1, 128], strides = [1, 1]} : vector<1x1024xf32> to vector<1x128xf32>
    %broadcast_in_dim3A_487 = vector.shape_cast %slice3A_486 : vector<1x128xf32> to vector<1x128xf32>
    %broadcast_in_dim3A_488 = vector.broadcast %broadcast_in_dim3A_487 : vector<1x128xf32> to vector<128x128xf32>
    %lt3A_489 = arith.constant 0 : i32
    %lt3A_490 = vector.broadcast %lt3A_489 : i32 to vector<128x16xi32>
    %lt3A_491 = arith.cmpi slt, %and3A_284, %lt3A_490 : vector<128x16xi32>
    %add3A_492 = arith.constant 128 : i32
    %add3A_493 = vector.broadcast %add3A_492 : i32 to vector<128x16xi32>
    %add3A_494 = arith.addi %and3A_284, %add3A_493 : vector<128x16xi32>
    %select_n3A_495 = arith.select %lt3A_491, %add3A_494, %and3A_284 : vector<128x16xi1>, vector<128x16xi32>
    %reshape3A_496 = vector.shape_cast %select_n3A_495 : vector<128x16xi32> to vector<128x16x1xi32>
    %gather3A_497 = vector.shape_cast %reshape3A_496 : vector<128x16x1xi32> to vector<128x16xi32>
    %gather3A_498 = tpu.dynamic_gather %broadcast_in_dim3A_488[%gather3A_497] in [1] : vector<128x128xf32>, vector<128x16xi32> -> vector<128x16xf32>
    %slice3A_499 = vector.extract_strided_slice %slice3A_10 {offsets = [0, 512], sizes = [1, 128], strides = [1, 1]} : vector<1x1024xf32> to vector<1x128xf32>
    %broadcast_in_dim3A_500 = vector.shape_cast %slice3A_499 : vector<1x128xf32> to vector<1x128xf32>
    %broadcast_in_dim3A_501 = vector.broadcast %broadcast_in_dim3A_500 : vector<1x128xf32> to vector<128x128xf32>
    %lt3A_502 = arith.constant 0 : i32
    %lt3A_503 = vector.broadcast %lt3A_502 : i32 to vector<128x16xi32>
    %lt3A_504 = arith.cmpi slt, %and3A_284, %lt3A_503 : vector<128x16xi32>
    %add3A_505 = arith.constant 128 : i32
    %add3A_506 = vector.broadcast %add3A_505 : i32 to vector<128x16xi32>
    %add3A_507 = arith.addi %and3A_284, %add3A_506 : vector<128x16xi32>
    %select_n3A_508 = arith.select %lt3A_504, %add3A_507, %and3A_284 : vector<128x16xi1>, vector<128x16xi32>
    %reshape3A_509 = vector.shape_cast %select_n3A_508 : vector<128x16xi32> to vector<128x16x1xi32>
    %gather3A_510 = vector.shape_cast %reshape3A_509 : vector<128x16x1xi32> to vector<128x16xi32>
    %gather3A_511 = tpu.dynamic_gather %broadcast_in_dim3A_501[%gather3A_510] in [1] : vector<128x128xf32>, vector<128x16xi32> -> vector<128x16xf32>
    %select_n3A_512 = arith.select %eq3A_472, %gather3A_485, %select_n3A_467 : vector<128x16xi1>, vector<128x16xf32>
    %select_n3A_513 = arith.select %eq3A_472, %gather3A_498, %select_n3A_468 : vector<128x16xi1>, vector<128x16xf32>
    %select_n3A_514 = arith.select %eq3A_472, %gather3A_511, %select_n3A_469 : vector<128x16xi1>, vector<128x16xf32>
    %eq3A_515 = arith.constant 5 : i32
    %eq3A_516 = vector.broadcast %eq3A_515 : i32 to vector<128x16xi32>
    %eq3A_517 = arith.cmpi eq, %shift_right_arithmetic3A_286, %eq3A_516 : vector<128x16xi32>
    %slice3A_518 = vector.extract_strided_slice %slice3A {offsets = [0, 640], sizes = [1, 128], strides = [1, 1]} : vector<1x1024xf32> to vector<1x128xf32>
    %broadcast_in_dim3A_519 = vector.shape_cast %slice3A_518 : vector<1x128xf32> to vector<1x128xf32>
    %broadcast_in_dim3A_520 = vector.broadcast %broadcast_in_dim3A_519 : vector<1x128xf32> to vector<128x128xf32>
    %lt3A_521 = arith.constant 0 : i32
    %lt3A_522 = vector.broadcast %lt3A_521 : i32 to vector<128x16xi32>
    %lt3A_523 = arith.cmpi slt, %and3A_284, %lt3A_522 : vector<128x16xi32>
    %add3A_524 = arith.constant 128 : i32
    %add3A_525 = vector.broadcast %add3A_524 : i32 to vector<128x16xi32>
    %add3A_526 = arith.addi %and3A_284, %add3A_525 : vector<128x16xi32>
    %select_n3A_527 = arith.select %lt3A_523, %add3A_526, %and3A_284 : vector<128x16xi1>, vector<128x16xi32>
    %reshape3A_528 = vector.shape_cast %select_n3A_527 : vector<128x16xi32> to vector<128x16x1xi32>
    %gather3A_529 = vector.shape_cast %reshape3A_528 : vector<128x16x1xi32> to vector<128x16xi32>
    %gather3A_530 = tpu.dynamic_gather %broadcast_in_dim3A_520[%gather3A_529] in [1] : vector<128x128xf32>, vector<128x16xi32> -> vector<128x16xf32>
    %slice3A_531 = vector.extract_strided_slice %slice3A_9 {offsets = [0, 640], sizes = [1, 128], strides = [1, 1]} : vector<1x1024xf32> to vector<1x128xf32>
    %broadcast_in_dim3A_532 = vector.shape_cast %slice3A_531 : vector<1x128xf32> to vector<1x128xf32>
    %broadcast_in_dim3A_533 = vector.broadcast %broadcast_in_dim3A_532 : vector<1x128xf32> to vector<128x128xf32>
    %lt3A_534 = arith.constant 0 : i32
    %lt3A_535 = vector.broadcast %lt3A_534 : i32 to vector<128x16xi32>
    %lt3A_536 = arith.cmpi slt, %and3A_284, %lt3A_535 : vector<128x16xi32>
    %add3A_537 = arith.constant 128 : i32
    %add3A_538 = vector.broadcast %add3A_537 : i32 to vector<128x16xi32>
    %add3A_539 = arith.addi %and3A_284, %add3A_538 : vector<128x16xi32>
    %select_n3A_540 = arith.select %lt3A_536, %add3A_539, %and3A_284 : vector<128x16xi1>, vector<128x16xi32>
    %reshape3A_541 = vector.shape_cast %select_n3A_540 : vector<128x16xi32> to vector<128x16x1xi32>
    %gather3A_542 = vector.shape_cast %reshape3A_541 : vector<128x16x1xi32> to vector<128x16xi32>
    %gather3A_543 = tpu.dynamic_gather %broadcast_in_dim3A_533[%gather3A_542] in [1] : vector<128x128xf32>, vector<128x16xi32> -> vector<128x16xf32>
    %slice3A_544 = vector.extract_strided_slice %slice3A_10 {offsets = [0, 640], sizes = [1, 128], strides = [1, 1]} : vector<1x1024xf32> to vector<1x128xf32>
    %broadcast_in_dim3A_545 = vector.shape_cast %slice3A_544 : vector<1x128xf32> to vector<1x128xf32>
    %broadcast_in_dim3A_546 = vector.broadcast %broadcast_in_dim3A_545 : vector<1x128xf32> to vector<128x128xf32>
    %lt3A_547 = arith.constant 0 : i32
    %lt3A_548 = vector.broadcast %lt3A_547 : i32 to vector<128x16xi32>
    %lt3A_549 = arith.cmpi slt, %and3A_284, %lt3A_548 : vector<128x16xi32>
    %add3A_550 = arith.constant 128 : i32
    %add3A_551 = vector.broadcast %add3A_550 : i32 to vector<128x16xi32>
    %add3A_552 = arith.addi %and3A_284, %add3A_551 : vector<128x16xi32>
    %select_n3A_553 = arith.select %lt3A_549, %add3A_552, %and3A_284 : vector<128x16xi1>, vector<128x16xi32>
    %reshape3A_554 = vector.shape_cast %select_n3A_553 : vector<128x16xi32> to vector<128x16x1xi32>
    %gather3A_555 = vector.shape_cast %reshape3A_554 : vector<128x16x1xi32> to vector<128x16xi32>
    %gather3A_556 = tpu.dynamic_gather %broadcast_in_dim3A_546[%gather3A_555] in [1] : vector<128x128xf32>, vector<128x16xi32> -> vector<128x16xf32>
    %select_n3A_557 = arith.select %eq3A_517, %gather3A_530, %select_n3A_512 : vector<128x16xi1>, vector<128x16xf32>
    %select_n3A_558 = arith.select %eq3A_517, %gather3A_543, %select_n3A_513 : vector<128x16xi1>, vector<128x16xf32>
    %select_n3A_559 = arith.select %eq3A_517, %gather3A_556, %select_n3A_514 : vector<128x16xi1>, vector<128x16xf32>
    %eq3A_560 = arith.constant 6 : i32
    %eq3A_561 = vector.broadcast %eq3A_560 : i32 to vector<128x16xi32>
    %eq3A_562 = arith.cmpi eq, %shift_right_arithmetic3A_286, %eq3A_561 : vector<128x16xi32>
    %slice3A_563 = vector.extract_strided_slice %slice3A {offsets = [0, 768], sizes = [1, 128], strides = [1, 1]} : vector<1x1024xf32> to vector<1x128xf32>
    %broadcast_in_dim3A_564 = vector.shape_cast %slice3A_563 : vector<1x128xf32> to vector<1x128xf32>
    %broadcast_in_dim3A_565 = vector.broadcast %broadcast_in_dim3A_564 : vector<1x128xf32> to vector<128x128xf32>
    %lt3A_566 = arith.constant 0 : i32
    %lt3A_567 = vector.broadcast %lt3A_566 : i32 to vector<128x16xi32>
    %lt3A_568 = arith.cmpi slt, %and3A_284, %lt3A_567 : vector<128x16xi32>
    %add3A_569 = arith.constant 128 : i32
    %add3A_570 = vector.broadcast %add3A_569 : i32 to vector<128x16xi32>
    %add3A_571 = arith.addi %and3A_284, %add3A_570 : vector<128x16xi32>
    %select_n3A_572 = arith.select %lt3A_568, %add3A_571, %and3A_284 : vector<128x16xi1>, vector<128x16xi32>
    %reshape3A_573 = vector.shape_cast %select_n3A_572 : vector<128x16xi32> to vector<128x16x1xi32>
    %gather3A_574 = vector.shape_cast %reshape3A_573 : vector<128x16x1xi32> to vector<128x16xi32>
    %gather3A_575 = tpu.dynamic_gather %broadcast_in_dim3A_565[%gather3A_574] in [1] : vector<128x128xf32>, vector<128x16xi32> -> vector<128x16xf32>
    %slice3A_576 = vector.extract_strided_slice %slice3A_9 {offsets = [0, 768], sizes = [1, 128], strides = [1, 1]} : vector<1x1024xf32> to vector<1x128xf32>
    %broadcast_in_dim3A_577 = vector.shape_cast %slice3A_576 : vector<1x128xf32> to vector<1x128xf32>
    %broadcast_in_dim3A_578 = vector.broadcast %broadcast_in_dim3A_577 : vector<1x128xf32> to vector<128x128xf32>
    %lt3A_579 = arith.constant 0 : i32
    %lt3A_580 = vector.broadcast %lt3A_579 : i32 to vector<128x16xi32>
    %lt3A_581 = arith.cmpi slt, %and3A_284, %lt3A_580 : vector<128x16xi32>
    %add3A_582 = arith.constant 128 : i32
    %add3A_583 = vector.broadcast %add3A_582 : i32 to vector<128x16xi32>
    %add3A_584 = arith.addi %and3A_284, %add3A_583 : vector<128x16xi32>
    %select_n3A_585 = arith.select %lt3A_581, %add3A_584, %and3A_284 : vector<128x16xi1>, vector<128x16xi32>
    %reshape3A_586 = vector.shape_cast %select_n3A_585 : vector<128x16xi32> to vector<128x16x1xi32>
    %gather3A_587 = vector.shape_cast %reshape3A_586 : vector<128x16x1xi32> to vector<128x16xi32>
    %gather3A_588 = tpu.dynamic_gather %broadcast_in_dim3A_578[%gather3A_587] in [1] : vector<128x128xf32>, vector<128x16xi32> -> vector<128x16xf32>
    %slice3A_589 = vector.extract_strided_slice %slice3A_10 {offsets = [0, 768], sizes = [1, 128], strides = [1, 1]} : vector<1x1024xf32> to vector<1x128xf32>
    %broadcast_in_dim3A_590 = vector.shape_cast %slice3A_589 : vector<1x128xf32> to vector<1x128xf32>
    %broadcast_in_dim3A_591 = vector.broadcast %broadcast_in_dim3A_590 : vector<1x128xf32> to vector<128x128xf32>
    %lt3A_592 = arith.constant 0 : i32
    %lt3A_593 = vector.broadcast %lt3A_592 : i32 to vector<128x16xi32>
    %lt3A_594 = arith.cmpi slt, %and3A_284, %lt3A_593 : vector<128x16xi32>
    %add3A_595 = arith.constant 128 : i32
    %add3A_596 = vector.broadcast %add3A_595 : i32 to vector<128x16xi32>
    %add3A_597 = arith.addi %and3A_284, %add3A_596 : vector<128x16xi32>
    %select_n3A_598 = arith.select %lt3A_594, %add3A_597, %and3A_284 : vector<128x16xi1>, vector<128x16xi32>
    %reshape3A_599 = vector.shape_cast %select_n3A_598 : vector<128x16xi32> to vector<128x16x1xi32>
    %gather3A_600 = vector.shape_cast %reshape3A_599 : vector<128x16x1xi32> to vector<128x16xi32>
    %gather3A_601 = tpu.dynamic_gather %broadcast_in_dim3A_591[%gather3A_600] in [1] : vector<128x128xf32>, vector<128x16xi32> -> vector<128x16xf32>
    %select_n3A_602 = arith.select %eq3A_562, %gather3A_575, %select_n3A_557 : vector<128x16xi1>, vector<128x16xf32>
    %select_n3A_603 = arith.select %eq3A_562, %gather3A_588, %select_n3A_558 : vector<128x16xi1>, vector<128x16xf32>
    %select_n3A_604 = arith.select %eq3A_562, %gather3A_601, %select_n3A_559 : vector<128x16xi1>, vector<128x16xf32>
    %eq3A_605 = arith.constant 7 : i32
    %eq3A_606 = vector.broadcast %eq3A_605 : i32 to vector<128x16xi32>
    %eq3A_607 = arith.cmpi eq, %shift_right_arithmetic3A_286, %eq3A_606 : vector<128x16xi32>
    %slice3A_608 = vector.extract_strided_slice %slice3A {offsets = [0, 896], sizes = [1, 128], strides = [1, 1]} : vector<1x1024xf32> to vector<1x128xf32>
    %broadcast_in_dim3A_609 = vector.shape_cast %slice3A_608 : vector<1x128xf32> to vector<1x128xf32>
    %broadcast_in_dim3A_610 = vector.broadcast %broadcast_in_dim3A_609 : vector<1x128xf32> to vector<128x128xf32>
    %lt3A_611 = arith.constant 0 : i32
    %lt3A_612 = vector.broadcast %lt3A_611 : i32 to vector<128x16xi32>
    %lt3A_613 = arith.cmpi slt, %and3A_284, %lt3A_612 : vector<128x16xi32>
    %add3A_614 = arith.constant 128 : i32
    %add3A_615 = vector.broadcast %add3A_614 : i32 to vector<128x16xi32>
    %add3A_616 = arith.addi %and3A_284, %add3A_615 : vector<128x16xi32>
    %select_n3A_617 = arith.select %lt3A_613, %add3A_616, %and3A_284 : vector<128x16xi1>, vector<128x16xi32>
    %reshape3A_618 = vector.shape_cast %select_n3A_617 : vector<128x16xi32> to vector<128x16x1xi32>
    %gather3A_619 = vector.shape_cast %reshape3A_618 : vector<128x16x1xi32> to vector<128x16xi32>
    %gather3A_620 = tpu.dynamic_gather %broadcast_in_dim3A_610[%gather3A_619] in [1] : vector<128x128xf32>, vector<128x16xi32> -> vector<128x16xf32>
    %slice3A_621 = vector.extract_strided_slice %slice3A_9 {offsets = [0, 896], sizes = [1, 128], strides = [1, 1]} : vector<1x1024xf32> to vector<1x128xf32>
    %broadcast_in_dim3A_622 = vector.shape_cast %slice3A_621 : vector<1x128xf32> to vector<1x128xf32>
    %broadcast_in_dim3A_623 = vector.broadcast %broadcast_in_dim3A_622 : vector<1x128xf32> to vector<128x128xf32>
    %lt3A_624 = arith.constant 0 : i32
    %lt3A_625 = vector.broadcast %lt3A_624 : i32 to vector<128x16xi32>
    %lt3A_626 = arith.cmpi slt, %and3A_284, %lt3A_625 : vector<128x16xi32>
    %add3A_627 = arith.constant 128 : i32
    %add3A_628 = vector.broadcast %add3A_627 : i32 to vector<128x16xi32>
    %add3A_629 = arith.addi %and3A_284, %add3A_628 : vector<128x16xi32>
    %select_n3A_630 = arith.select %lt3A_626, %add3A_629, %and3A_284 : vector<128x16xi1>, vector<128x16xi32>
    %reshape3A_631 = vector.shape_cast %select_n3A_630 : vector<128x16xi32> to vector<128x16x1xi32>
    %gather3A_632 = vector.shape_cast %reshape3A_631 : vector<128x16x1xi32> to vector<128x16xi32>
    %gather3A_633 = tpu.dynamic_gather %broadcast_in_dim3A_623[%gather3A_632] in [1] : vector<128x128xf32>, vector<128x16xi32> -> vector<128x16xf32>
    %slice3A_634 = vector.extract_strided_slice %slice3A_10 {offsets = [0, 896], sizes = [1, 128], strides = [1, 1]} : vector<1x1024xf32> to vector<1x128xf32>
    %broadcast_in_dim3A_635 = vector.shape_cast %slice3A_634 : vector<1x128xf32> to vector<1x128xf32>
    %broadcast_in_dim3A_636 = vector.broadcast %broadcast_in_dim3A_635 : vector<1x128xf32> to vector<128x128xf32>
    %lt3A_637 = arith.constant 0 : i32
    %lt3A_638 = vector.broadcast %lt3A_637 : i32 to vector<128x16xi32>
    %lt3A_639 = arith.cmpi slt, %and3A_284, %lt3A_638 : vector<128x16xi32>
    %add3A_640 = arith.constant 128 : i32
    %add3A_641 = vector.broadcast %add3A_640 : i32 to vector<128x16xi32>
    %add3A_642 = arith.addi %and3A_284, %add3A_641 : vector<128x16xi32>
    %select_n3A_643 = arith.select %lt3A_639, %add3A_642, %and3A_284 : vector<128x16xi1>, vector<128x16xi32>
    %reshape3A_644 = vector.shape_cast %select_n3A_643 : vector<128x16xi32> to vector<128x16x1xi32>
    %gather3A_645 = vector.shape_cast %reshape3A_644 : vector<128x16x1xi32> to vector<128x16xi32>
    %gather3A_646 = tpu.dynamic_gather %broadcast_in_dim3A_636[%gather3A_645] in [1] : vector<128x128xf32>, vector<128x16xi32> -> vector<128x16xf32>
    %select_n3A_647 = arith.select %eq3A_607, %gather3A_620, %select_n3A_602 : vector<128x16xi1>, vector<128x16xf32>
    %select_n3A_648 = arith.select %eq3A_607, %gather3A_633, %select_n3A_603 : vector<128x16xi1>, vector<128x16xf32>
    %select_n3A_649 = arith.select %eq3A_607, %gather3A_646, %select_n3A_604 : vector<128x16xi1>, vector<128x16xf32>
    %sub3A_650 = vector.broadcast %slice3A_14 : vector<128x1xf32> to vector<128x16xf32>
    %sub3A_651 = arith.subf %select_n3A_647, %sub3A_650 : vector<128x16xf32>
    %sub3A_652 = vector.broadcast %slice3A_15 : vector<128x1xf32> to vector<128x16xf32>
    %sub3A_653 = arith.subf %select_n3A_648, %sub3A_652 : vector<128x16xf32>
    %sub3A_654 = vector.broadcast %slice3A_16 : vector<128x1xf32> to vector<128x16xf32>
    %sub3A_655 = arith.subf %select_n3A_649, %sub3A_654 : vector<128x16xf32>
    %mul3A_656 = arith.mulf %sub3A_651, %sub3A_651 : vector<128x16xf32>
    %mul3A_657 = arith.mulf %sub3A_653, %sub3A_653 : vector<128x16xf32>
    %add3A_658 = arith.addf %mul3A_656, %mul3A_657 : vector<128x16xf32>
    %mul3A_659 = arith.mulf %sub3A_655, %sub3A_655 : vector<128x16xf32>
    %add3A_660 = arith.addf %add3A_658, %mul3A_659 : vector<128x16xf32>
    %max3A_661 = arith.constant 9.99999996E-13 : f32
    %max3A_662 = vector.broadcast %max3A_661 : f32 to vector<128x16xf32>
    %max3A_663 = arith.maximumf %add3A_660, %max3A_662 : vector<128x16xf32>
    %sqrt3A_664 = math.sqrt %max3A_663 : vector<128x16xf32>
    %add3A_665 = arith.constant 9.99999997E-7 : f32
    %add3A_666 = vector.broadcast %add3A_665 : f32 to vector<128x16xf32>
    %add3A_667 = arith.addf %sqrt3A_664, %add3A_666 : vector<128x16xf32>
    %log1p3A = math.log1p %add3A_667 : vector<128x16xf32>
    %concatenate3A_668 = tpu.concatenate %sub3A_651, %sub3A_653, %sub3A_655, %log1p3A in 1 : vector<128x16xf32>, vector<128x16xf32>, vector<128x16xf32>, vector<128x16xf32> -> vector<128x64xf32>
    %swap3A_669 = arith.constant 0 : index
    %swap3A_670 = arith.constant 0 : index
    %swap3A_671 = arith.constant 0 : index
    %swap3A_672 = vector.load %arg5[%swap3A_669, %swap3A_670, %swap3A_671] : memref<1x128x64xf32, #tpu.memory_space<vmem>>, vector<1x128x64xf32>
    %swap3A_673 = vector.shape_cast %swap3A_672 : vector<1x128x64xf32> to vector<128x64xf32>
    %swap3A_674 = vector.shape_cast %concatenate3A_668 : vector<128x64xf32> to vector<1x128x64xf32>
    tpu.vector_store %arg5[%swap3A_669, %swap3A_670, %swap3A_671], %swap3A_674 {strides = array<i32>} : memref<1x128x64xf32, #tpu.memory_space<vmem>>, vector<1x128x64xf32>,
    return
  }
  func.func @transform_0(%arg0: i32, %arg1: i32) -> (i32, i32, i32) {
    %c0_i32 = arith.constant 0 : i32
    %c0_i32_0 = arith.constant 0 : i32
    return %arg0, %arg1, %c0_i32 : i32, i32, i32
  }
  func.func @transform_1(%arg0: i32, %arg1: i32) -> (i32, i32, i32) {
    %c0_i32 = arith.constant 0 : i32
    %c0_i32_0 = arith.constant 0 : i32
    %c0_i32_1 = arith.constant 0 : i32
    return %arg0, %c0_i32, %c0_i32_0 : i32, i32, i32
  }
  func.func @transform_2(%arg0: i32, %arg1: i32) -> (i32, i32, i32) {
    %c0_i32 = arith.constant 0 : i32
    %c0_i32_0 = arith.constant 0 : i32
    return %arg0, %arg1, %c0_i32 : i32, i32, i32
  }
  func.func @transform_3(%arg0: i32, %arg1: i32) -> (i32, i32, i32) {
    %c0_i32 = arith.constant 0 : i32
    %c0_i32_0 = arith.constant 0 : i32
    return %arg0, %arg1, %c0_i32 : i32, i32, i32
  }
}

module attributes {stable_mosaic.version = 14 : i64} {
  func.func @_edge_kernel(%arg0: i32, %arg1: i32, %arg2: memref<1x128x256xf32, #tpu.memory_space<vmem>>, %arg3: memref<1x128x16x128xi32, #tpu.memory_space<vmem>>, %arg4: memref<1x128x64xf32, #tpu.memory_space<vmem>>, %arg5: memref<1x1x256xf32, #tpu.memory_space<vmem>>, %arg6: memref<256x256xf32, #tpu.memory_space<vmem>>, %arg7: memref<1x256xf32, #tpu.memory_space<vmem>>, %arg8: memref<256x256xf32, #tpu.memory_space<vmem>>, %arg9: memref<1x256xf32, #tpu.memory_space<vmem>>, %arg10: memref<64x4096xf32, #tpu.memory_space<vmem>>, %arg11: memref<1x4096xf32, #tpu.memory_space<vmem>>, %arg12: memref<256x256xf32, #tpu.memory_space<vmem>>, %arg13: memref<1x256xf32, #tpu.memory_space<vmem>>, %arg14: memref<256x128xf32, #tpu.memory_space<vmem>>, %arg15: memref<1x128xf32, #tpu.memory_space<vmem>>, %arg16: memref<128x1xf32, #tpu.memory_space<vmem>>, %arg17: memref<1x1xf32, #tpu.memory_space<vmem>>, %arg18: memref<256x256xf32, #tpu.memory_space<vmem>>, %arg19: memref<1x256xf32, #tpu.memory_space<vmem>>, %arg20: memref<128x2048xf32, #tpu.memory_space<vmem>>, %arg21: memref<2048x128xf32, #tpu.memory_space<vmem>>, %arg22: memref<256x256xf32, #tpu.memory_space<vmem>>, %arg23: memref<256x256xf32, #tpu.memory_space<vmem>>, %arg24: memref<1x256xf32, #tpu.memory_space<vmem>>, %arg25: memref<1x256xf32, #tpu.memory_space<vmem>>, %arg26: memref<1x256xf32, #tpu.memory_space<vmem>>, %arg27: memref<1x128x256xf32, #tpu.memory_space<vmem>>) attributes {dimension_semantics = [#tpu.dimension_semantics<parallel>, #tpu.dimension_semantics<parallel>], iteration_bounds = array<i64: 4, 8>, scalar_prefetch = 0 : i64, scratch_operands = 0 : i64, tpu.core_type = #tpu.core_type<tc>, window_params = [{transform_indices = @transform_0, window_bounds = array<i64: 1, 128, 256>}, {transform_indices = @transform_1, window_bounds = array<i64: 1, 128, 16, 128>}, {transform_indices = @transform_2, window_bounds = array<i64: 1, 128, 64>}, {transform_indices = @transform_3, window_bounds = array<i64: 1, 1, 256>}, {pipeline_mode = #tpu.pipeline_mode<synchronous>, transform_indices = @transform_4, window_bounds = array<i64: 256, 256>}, {pipeline_mode = #tpu.pipeline_mode<synchronous>, transform_indices = @transform_5, window_bounds = array<i64: 1, 256>}, {pipeline_mode = #tpu.pipeline_mode<synchronous>, transform_indices = @transform_6, window_bounds = array<i64: 256, 256>}, {pipeline_mode = #tpu.pipeline_mode<synchronous>, transform_indices = @transform_7, window_bounds = array<i64: 1, 256>}, {pipeline_mode = #tpu.pipeline_mode<synchronous>, transform_indices = @transform_8, window_bounds = array<i64: 64, 4096>}, {pipeline_mode = #tpu.pipeline_mode<synchronous>, transform_indices = @transform_9, window_bounds = array<i64: 1, 4096>}, {pipeline_mode = #tpu.pipeline_mode<synchronous>, transform_indices = @transform_10, window_bounds = array<i64: 256, 256>}, {pipeline_mode = #tpu.pipeline_mode<synchronous>, transform_indices = @transform_11, window_bounds = array<i64: 1, 256>}, {pipeline_mode = #tpu.pipeline_mode<synchronous>, transform_indices = @transform_12, window_bounds = array<i64: 256, 128>}, {pipeline_mode = #tpu.pipeline_mode<synchronous>, transform_indices = @transform_13, window_bounds = array<i64: 1, 128>}, {pipeline_mode = #tpu.pipeline_mode<synchronous>, transform_indices = @transform_14, window_bounds = array<i64: 128, 1>}, {pipeline_mode = #tpu.pipeline_mode<synchronous>, transform_indices = @transform_15, window_bounds = array<i64: 1, 1>}, {pipeline_mode = #tpu.pipeline_mode<synchronous>, transform_indices = @transform_16, window_bounds = array<i64: 256, 256>}, {pipeline_mode = #tpu.pipeline_mode<synchronous>, transform_indices = @transform_17, window_bounds = array<i64: 1, 256>}, {pipeline_mode = #tpu.pipeline_mode<synchronous>, transform_indices = @transform_18, window_bounds = array<i64: 128, 2048>}, {pipeline_mode = #tpu.pipeline_mode<synchronous>, transform_indices = @transform_19, window_bounds = array<i64: 2048, 128>}, {pipeline_mode = #tpu.pipeline_mode<synchronous>, transform_indices = @transform_20, window_bounds = array<i64: 256, 256>}, {pipeline_mode = #tpu.pipeline_mode<synchronous>, transform_indices = @transform_21, window_bounds = array<i64: 256, 256>}, {pipeline_mode = #tpu.pipeline_mode<synchronous>, transform_indices = @transform_22, window_bounds = array<i64: 1, 256>}, {pipeline_mode = #tpu.pipeline_mode<synchronous>, transform_indices = @transform_23, window_bounds = array<i64: 1, 256>}, {pipeline_mode = #tpu.pipeline_mode<synchronous>, transform_indices = @transform_24, window_bounds = array<i64: 1, 256>}, {transform_indices = @transform_25, window_bounds = array<i64: 1, 128, 256>}]} {
    %get3A = arith.constant 0 : index
    %get3A_0 = arith.constant 0 : index
    %get3A_1 = arith.constant 0 : index
    %get3A_2 = vector.load %arg2[%get3A, %get3A_0, %get3A_1] : memref<1x128x256xf32, #tpu.memory_space<vmem>>, vector<1x128x256xf32>
    %get3A_3 = vector.shape_cast %get3A_2 : vector<1x128x256xf32> to vector<128x256xf32>
    %get3A_4 = arith.constant 0 : index
    %get3A_5 = arith.constant 0 : index
    %get3A_6 = arith.constant 0 : index
    %get3A_7 = arith.constant 0 : index
    %get3A_8 = vector.load %arg3[%get3A_4, %get3A_5, %get3A_6, %get3A_7] : memref<1x128x16x128xi32, #tpu.memory_space<vmem>>, vector<1x128x16x128xi32>
    %get3A_9 = vector.shape_cast %get3A_8 : vector<1x128x16x128xi32> to vector<128x16x128xi32>
    %reshape3A = vector.shape_cast %get3A_9 : vector<128x16x128xi32> to vector<2048x128xi32>
    %shift_left3A = arith.constant 16 : i32
    %shift_left3A_10 = vector.broadcast %shift_left3A : i32 to vector<2048x128xi32>
    %shift_left3A_11 = arith.shli %reshape3A, %shift_left3A_10 : vector<2048x128xi32>
    %bitcast_convert_type3A = tpu.bitcast %shift_left3A_11 : vector<2048x128xi32> -> vector<2048x128xf32>
    %and3A = arith.constant -65536 : i32
    %and3A_12 = vector.broadcast %and3A : i32 to vector<2048x128xi32>
    %and3A_13 = arith.andi %reshape3A, %and3A_12 : vector<2048x128xi32>
    %bitcast_convert_type3A_14 = tpu.bitcast %and3A_13 : vector<2048x128xi32> -> vector<2048x128xf32>
    %concatenate3A = tpu.concatenate %bitcast_convert_type3A, %bitcast_convert_type3A_14 in 1 : vector<2048x128xf32>, vector<2048x128xf32> -> vector<2048x256xf32>
    %get3A_15 = arith.constant 0 : index
    %get3A_16 = arith.constant 0 : index
    %get3A_17 = arith.constant 0 : index
    %get3A_18 = vector.load %arg4[%get3A_15, %get3A_16, %get3A_17] : memref<1x128x64xf32, #tpu.memory_space<vmem>>, vector<1x128x64xf32>
    %get3A_19 = vector.shape_cast %get3A_18 : vector<1x128x64xf32> to vector<128x64xf32>
    %get3A_20 = arith.constant 0 : index
    %get3A_21 = arith.constant 0 : index
    %get3A_22 = arith.constant 0 : index
    %get3A_23 = vector.load %arg5[%get3A_20, %get3A_21, %get3A_22] : memref<1x1x256xf32, #tpu.memory_space<vmem>>, vector<1x1x256xf32>
    %get3A_24 = vector.shape_cast %get3A_23 : vector<1x1x256xf32> to vector<1x256xf32>
    %get3A_25 = arith.constant 0 : index
    %get3A_26 = arith.constant 0 : index
    %get3A_27 = vector.load %arg6[%get3A_25, %get3A_26] : memref<256x256xf32, #tpu.memory_space<vmem>>, vector<256x256xf32>
    %dot_general3A = arith.constant dense<0.000000e+00> : vector<1x256xf32>
    %dot_general3A_28 = tpu.matmul %get3A_24, %get3A_27, %dot_general3A {dimension_numbers = #tpu.dot_dimension_numbers<[1], [0], [0], [1], [0, 0, 1, 1], [], []>, transpose_lhs_hint = false} : vector<1x256xf32>, vector<256x256xf32>, vector<1x256xf32> -> vector<1x256xf32>
    %get3A_29 = arith.constant 0 : index
    %get3A_30 = arith.constant 0 : index
    %get3A_31 = vector.load %arg7[%get3A_29, %get3A_30] : memref<1x256xf32, #tpu.memory_space<vmem>>, vector<1x256xf32>
    %add3A = arith.addf %dot_general3A_28, %get3A_31 : vector<1x256xf32>
    %logistic3A = arith.negf %add3A : vector<1x256xf32>
    %logistic3A_32 = math.exp %logistic3A : vector<1x256xf32>
    %logistic3A_33 = arith.constant 1.000000e+00 : f32
    %logistic3A_34 = vector.broadcast %logistic3A_33 : f32 to vector<1x256xf32>
    %logistic3A_35 = arith.addf %logistic3A_34, %logistic3A_32 : vector<1x256xf32>
    %logistic3A_36 = arith.divf %logistic3A_34, %logistic3A_35 : vector<1x256xf32>
    %get3A_37 = arith.constant 0 : index
    %get3A_38 = arith.constant 0 : index
    %get3A_39 = vector.load %arg8[%get3A_37, %get3A_38] : memref<256x256xf32, #tpu.memory_space<vmem>>, vector<256x256xf32>
    %dot_general3A_40 = arith.constant dense<0.000000e+00> : vector<1x256xf32>
    %dot_general3A_41 = tpu.matmul %get3A_24, %get3A_39, %dot_general3A_40 {dimension_numbers = #tpu.dot_dimension_numbers<[1], [0], [0], [1], [0, 0, 1, 1], [], []>, transpose_lhs_hint = false} : vector<1x256xf32>, vector<256x256xf32>, vector<1x256xf32> -> vector<1x256xf32>
    %get3A_42 = arith.constant 0 : index
    %get3A_43 = arith.constant 0 : index
    %get3A_44 = vector.load %arg9[%get3A_42, %get3A_43] : memref<1x256xf32, #tpu.memory_space<vmem>>, vector<1x256xf32>
    %add3A_45 = arith.addf %dot_general3A_41, %get3A_44 : vector<1x256xf32>
    %get3A_46 = arith.constant 0 : index
    %get3A_47 = arith.constant 0 : index
    %get3A_48 = vector.load %arg10[%get3A_46, %get3A_47] : memref<64x4096xf32, #tpu.memory_space<vmem>>, vector<64x4096xf32>
    %dot_general3A_49 = arith.constant dense<0.000000e+00> : vector<128x4096xf32>
    %dot_general3A_50 = tpu.matmul %get3A_19, %get3A_48, %dot_general3A_49 {dimension_numbers = #tpu.dot_dimension_numbers<[1], [0], [0], [1], [0, 0, 1, 1], [], []>, transpose_lhs_hint = false} : vector<128x64xf32>, vector<64x4096xf32>, vector<128x4096xf32> -> vector<128x4096xf32>
    %get3A_51 = arith.constant 0 : index
    %get3A_52 = arith.constant 0 : index
    %get3A_53 = vector.load %arg11[%get3A_51, %get3A_52] : memref<1x4096xf32, #tpu.memory_space<vmem>>, vector<1x4096xf32>
    %add3A_54 = vector.broadcast %get3A_53 : vector<1x4096xf32> to vector<128x4096xf32>
    %add3A_55 = arith.addf %dot_general3A_50, %add3A_54 : vector<128x4096xf32>
    %max3A = arith.constant 0.000000e+00 : f32
    %max3A_56 = vector.broadcast %max3A : f32 to vector<128x4096xf32>
    %max3A_57 = arith.maximumf %add3A_55, %max3A_56 : vector<128x4096xf32>
    %reshape3A_58 = vector.shape_cast %max3A_57 : vector<128x4096xf32> to vector<2048x256xf32>
    %get3A_59 = arith.constant 0 : index
    %get3A_60 = arith.constant 0 : index
    %get3A_61 = vector.load %arg12[%get3A_59, %get3A_60] : memref<256x256xf32, #tpu.memory_space<vmem>>, vector<256x256xf32>
    %dot_general3A_62 = arith.constant dense<0.000000e+00> : vector<2048x256xf32>
    %dot_general3A_63 = tpu.matmul %reshape3A_58, %get3A_61, %dot_general3A_62 {dimension_numbers = #tpu.dot_dimension_numbers<[1], [0], [0], [1], [0, 0, 1, 1], [], []>, transpose_lhs_hint = false} : vector<2048x256xf32>, vector<256x256xf32>, vector<2048x256xf32> -> vector<2048x256xf32>
    %get3A_64 = arith.constant 0 : index
    %get3A_65 = arith.constant 0 : index
    %get3A_66 = vector.load %arg13[%get3A_64, %get3A_65] : memref<1x256xf32, #tpu.memory_space<vmem>>, vector<1x256xf32>
    %add3A_67 = vector.broadcast %get3A_66 : vector<1x256xf32> to vector<2048x256xf32>
    %add3A_68 = arith.addf %dot_general3A_63, %add3A_67 : vector<2048x256xf32>
    %max3A_69 = arith.constant 0.000000e+00 : f32
    %max3A_70 = vector.broadcast %max3A_69 : f32 to vector<2048x256xf32>
    %max3A_71 = arith.maximumf %add3A_68, %max3A_70 : vector<2048x256xf32>
    %mul3A = vector.broadcast %logistic3A_36 : vector<1x256xf32> to vector<2048x256xf32>
    %mul3A_72 = arith.mulf %max3A_71, %mul3A : vector<2048x256xf32>
    %add3A_73 = vector.broadcast %add3A_45 : vector<1x256xf32> to vector<2048x256xf32>
    %add3A_74 = arith.addf %mul3A_72, %add3A_73 : vector<2048x256xf32>
    %broadcast_in_dim3A = vector.shape_cast %get3A_3 : vector<128x256xf32> to vector<128x1x256xf32>
    %broadcast_in_dim3A_75 = vector.shape_cast %broadcast_in_dim3A : vector<128x1x256xf32> to vector<128x1x256xf32>
    %broadcast_in_dim3A_76 = vector.broadcast %broadcast_in_dim3A_75 : vector<128x1x256xf32> to vector<128x16x256xf32>
    %reshape3A_77 = vector.shape_cast %broadcast_in_dim3A_76 : vector<128x16x256xf32> to vector<2048x256xf32>
    %add3A_78 = arith.addf %reshape3A_77, %concatenate3A : vector<2048x256xf32>
    %add3A_79 = arith.addf %add3A_78, %add3A_74 : vector<2048x256xf32>
    %tanh3A = math.tanh %add3A_79 : vector<2048x256xf32>
    %get3A_80 = arith.constant 0 : index
    %get3A_81 = arith.constant 0 : index
    %get3A_82 = vector.load %arg14[%get3A_80, %get3A_81] : memref<256x128xf32, #tpu.memory_space<vmem>>, vector<256x128xf32>
    %dot_general3A_83 = arith.constant dense<0.000000e+00> : vector<2048x128xf32>
    %dot_general3A_84 = tpu.matmul %tanh3A, %get3A_82, %dot_general3A_83 {dimension_numbers = #tpu.dot_dimension_numbers<[1], [0], [0], [1], [0, 0, 1, 1], [], []>, transpose_lhs_hint = false} : vector<2048x256xf32>, vector<256x128xf32>, vector<2048x128xf32> -> vector<2048x128xf32>
    %get3A_85 = arith.constant 0 : index
    %get3A_86 = arith.constant 0 : index
    %get3A_87 = vector.load %arg15[%get3A_85, %get3A_86] : memref<1x128xf32, #tpu.memory_space<vmem>>, vector<1x128xf32>
    %add3A_88 = vector.broadcast %get3A_87 : vector<1x128xf32> to vector<2048x128xf32>
    %add3A_89 = arith.addf %dot_general3A_84, %add3A_88 : vector<2048x128xf32>
    %max3A_90 = arith.constant 0.000000e+00 : f32
    %max3A_91 = vector.broadcast %max3A_90 : f32 to vector<2048x128xf32>
    %max3A_92 = arith.maximumf %add3A_89, %max3A_91 : vector<2048x128xf32>
    %get3A_93 = arith.constant 0 : index
    %get3A_94 = arith.constant 0 : index
    %get3A_95 = vector.load %arg16[%get3A_93, %get3A_94] : memref<128x1xf32, #tpu.memory_space<vmem>>, vector<128x1xf32>
    %dot_general3A_96 = arith.constant dense<0.000000e+00> : vector<2048x1xf32>
    %dot_general3A_97 = tpu.matmul %max3A_92, %get3A_95, %dot_general3A_96 {dimension_numbers = #tpu.dot_dimension_numbers<[1], [0], [0], [1], [0, 0, 1, 1], [], []>, transpose_lhs_hint = false} : vector<2048x128xf32>, vector<128x1xf32>, vector<2048x1xf32> -> vector<2048x1xf32>
    %get3A_98 = arith.constant 0 : index
    %get3A_99 = arith.constant 0 : index
    %get3A_100 = vector.load %arg17[%get3A_98, %get3A_99] : memref<1x1xf32, #tpu.memory_space<vmem>>, vector<1x1xf32>
    %add3A_101 = vector.broadcast %get3A_100 : vector<1x1xf32> to vector<2048x1xf32>
    %add3A_102 = arith.addf %dot_general3A_97, %add3A_101 : vector<2048x1xf32>
    %exp3A = math.exp %add3A_102 : vector<2048x1xf32>
    %get3A_103 = arith.constant 0 : index
    %get3A_104 = arith.constant 0 : index
    %get3A_105 = vector.load %arg20[%get3A_103, %get3A_104] : memref<128x2048xf32, #tpu.memory_space<vmem>>, vector<128x2048xf32>
    %dot_general3A_106 = arith.constant dense<0.000000e+00> : vector<128x1xf32>
    %dot_general3A_107 = tpu.matmul %get3A_105, %exp3A, %dot_general3A_106 {dimension_numbers = #tpu.dot_dimension_numbers<[1], [0], [0], [1], [0, 0, 1, 1], [], []>, transpose_lhs_hint = false} : vector<128x2048xf32>, vector<2048x1xf32>, vector<128x1xf32> -> vector<128x1xf32>
    %get3A_108 = arith.constant 0 : index
    %get3A_109 = arith.constant 0 : index
    %get3A_110 = vector.load %arg21[%get3A_108, %get3A_109] : memref<2048x128xf32, #tpu.memory_space<vmem>>, vector<2048x128xf32>
    %dot_general3A_111 = arith.constant dense<0.000000e+00> : vector<2048x1xf32>
    %dot_general3A_112 = tpu.matmul %get3A_110, %dot_general3A_107, %dot_general3A_111 {dimension_numbers = #tpu.dot_dimension_numbers<[1], [0], [0], [1], [0, 0, 1, 1], [], []>, transpose_lhs_hint = false} : vector<2048x128xf32>, vector<128x1xf32>, vector<2048x1xf32> -> vector<2048x1xf32>
    %get3A_113 = arith.constant 0 : index
    %get3A_114 = arith.constant 0 : index
    %get3A_115 = vector.load %arg18[%get3A_113, %get3A_114] : memref<256x256xf32, #tpu.memory_space<vmem>>, vector<256x256xf32>
    %dot_general3A_116 = arith.constant dense<0.000000e+00> : vector<2048x256xf32>
    %dot_general3A_117 = tpu.matmul %concatenate3A, %get3A_115, %dot_general3A_116 {dimension_numbers = #tpu.dot_dimension_numbers<[1], [0], [0], [1], [0, 0, 1, 1], [], []>, transpose_lhs_hint = false} : vector<2048x256xf32>, vector<256x256xf32>, vector<2048x256xf32> -> vector<2048x256xf32>
    %get3A_118 = arith.constant 0 : index
    %get3A_119 = arith.constant 0 : index
    %get3A_120 = vector.load %arg19[%get3A_118, %get3A_119] : memref<1x256xf32, #tpu.memory_space<vmem>>, vector<1x256xf32>
    %add3A_121 = vector.broadcast %get3A_120 : vector<1x256xf32> to vector<2048x256xf32>
    %add3A_122 = arith.addf %dot_general3A_117, %add3A_121 : vector<2048x256xf32>
    %max3A_123 = arith.constant 0.000000e+00 : f32
    %max3A_124 = vector.broadcast %max3A_123 : f32 to vector<2048x256xf32>
    %max3A_125 = arith.maximumf %add3A_122, %max3A_124 : vector<2048x256xf32>
    %get3A_126 = arith.constant 0 : index
    %get3A_127 = arith.constant 0 : index
    %get3A_128 = vector.load %arg20[%get3A_126, %get3A_127] : memref<128x2048xf32, #tpu.memory_space<vmem>>, vector<128x2048xf32>
    %div3A = arith.divf %exp3A, %dot_general3A_112 : vector<2048x1xf32>
    %mul3A_129 = vector.broadcast %div3A : vector<2048x1xf32> to vector<2048x256xf32>
    %mul3A_130 = arith.mulf %max3A_125, %mul3A_129 : vector<2048x256xf32>
    %dot_general3A_131 = arith.constant dense<0.000000e+00> : vector<128x256xf32>
    %dot_general3A_132 = tpu.matmul %get3A_128, %mul3A_130, %dot_general3A_131 {dimension_numbers = #tpu.dot_dimension_numbers<[1], [0], [0], [1], [0, 0, 1, 1], [], []>, transpose_lhs_hint = false} : vector<128x2048xf32>, vector<2048x256xf32>, vector<128x256xf32> -> vector<128x256xf32>
    %get3A_133 = arith.constant 0 : index
    %get3A_134 = arith.constant 0 : index
    %get3A_135 = vector.load %arg22[%get3A_133, %get3A_134] : memref<256x256xf32, #tpu.memory_space<vmem>>, vector<256x256xf32>
    %dot_general3A_136 = arith.constant dense<0.000000e+00> : vector<128x256xf32>
    %dot_general3A_137 = tpu.matmul %get3A_3, %get3A_135, %dot_general3A_136 {dimension_numbers = #tpu.dot_dimension_numbers<[1], [0], [0], [1], [0, 0, 1, 1], [], []>, transpose_lhs_hint = false} : vector<128x256xf32>, vector<256x256xf32>, vector<128x256xf32> -> vector<128x256xf32>
    %get3A_138 = arith.constant 0 : index
    %get3A_139 = arith.constant 0 : index
    %get3A_140 = vector.load %arg23[%get3A_138, %get3A_139] : memref<256x256xf32, #tpu.memory_space<vmem>>, vector<256x256xf32>
    %dot_general3A_141 = arith.constant dense<0.000000e+00> : vector<128x256xf32>
    %dot_general3A_142 = tpu.matmul %dot_general3A_132, %get3A_140, %dot_general3A_141 {dimension_numbers = #tpu.dot_dimension_numbers<[1], [0], [0], [1], [0, 0, 1, 1], [], []>, transpose_lhs_hint = false} : vector<128x256xf32>, vector<256x256xf32>, vector<128x256xf32> -> vector<128x256xf32>
    %add3A_143 = arith.addf %dot_general3A_137, %dot_general3A_142 : vector<128x256xf32>
    %get3A_144 = arith.constant 0 : index
    %get3A_145 = arith.constant 0 : index
    %get3A_146 = vector.load %arg24[%get3A_144, %get3A_145] : memref<1x256xf32, #tpu.memory_space<vmem>>, vector<1x256xf32>
    %add3A_147 = vector.broadcast %get3A_146 : vector<1x256xf32> to vector<128x256xf32>
    %add3A_148 = arith.addf %add3A_143, %add3A_147 : vector<128x256xf32>
    %max3A_149 = arith.constant 0.000000e+00 : f32
    %max3A_150 = vector.broadcast %max3A_149 : f32 to vector<128x256xf32>
    %max3A_151 = arith.maximumf %add3A_148, %max3A_150 : vector<128x256xf32>
    %add3A_152 = arith.addf %get3A_3, %max3A_151 : vector<128x256xf32>
    %reduce_sum3A = arith.constant dense<0.000000e+00> : vector<128xf32>
    %reduce_sum3A_153 = vector.multi_reduction <add>, %add3A_152, %reduce_sum3A [1] : vector<128x256xf32> to vector<128xf32>
    %broadcast_in_dim3A_154 = vector.shape_cast %reduce_sum3A_153 : vector<128xf32> to vector<128x1xf32>
    %div3A_155 = arith.constant 2.560000e+02 : f32
    %div3A_156 = vector.broadcast %div3A_155 : f32 to vector<128x1xf32>
    %div3A_157 = arith.divf %broadcast_in_dim3A_154, %div3A_156 : vector<128x1xf32>
    %sub3A = vector.broadcast %div3A_157 : vector<128x1xf32> to vector<128x256xf32>
    %sub3A_158 = arith.subf %add3A_152, %sub3A : vector<128x256xf32>
    %integer_pow3A = arith.mulf %sub3A_158, %sub3A_158 : vector<128x256xf32>
    %reduce_sum3A_159 = arith.constant dense<0.000000e+00> : vector<128xf32>
    %reduce_sum3A_160 = vector.multi_reduction <add>, %integer_pow3A, %reduce_sum3A_159 [1] : vector<128x256xf32> to vector<128xf32>
    %broadcast_in_dim3A_161 = vector.shape_cast %reduce_sum3A_160 : vector<128xf32> to vector<128x1xf32>
    %div3A_162 = arith.constant 2.560000e+02 : f32
    %div3A_163 = vector.broadcast %div3A_162 : f32 to vector<128x1xf32>
    %div3A_164 = arith.divf %broadcast_in_dim3A_161, %div3A_163 : vector<128x1xf32>
    %sub3A_165 = vector.broadcast %div3A_157 : vector<128x1xf32> to vector<128x256xf32>
    %sub3A_166 = arith.subf %add3A_152, %sub3A_165 : vector<128x256xf32>
    %add3A_167 = arith.constant 9.99999974E-6 : f32
    %add3A_168 = vector.broadcast %add3A_167 : f32 to vector<128x1xf32>
    %add3A_169 = arith.addf %div3A_164, %add3A_168 : vector<128x1xf32>
    %rsqrt3A = math.rsqrt %add3A_169 : vector<128x1xf32>
    %mul3A_170 = vector.broadcast %rsqrt3A : vector<128x1xf32> to vector<128x256xf32>
    %mul3A_171 = arith.mulf %sub3A_166, %mul3A_170 : vector<128x256xf32>
    %get3A_172 = arith.constant 0 : index
    %get3A_173 = arith.constant 0 : index
    %get3A_174 = vector.load %arg25[%get3A_172, %get3A_173] : memref<1x256xf32, #tpu.memory_space<vmem>>, vector<1x256xf32>
    %mul3A_175 = vector.broadcast %get3A_174 : vector<1x256xf32> to vector<128x256xf32>
    %mul3A_176 = arith.mulf %mul3A_171, %mul3A_175 : vector<128x256xf32>
    %get3A_177 = arith.constant 0 : index
    %get3A_178 = arith.constant 0 : index
    %get3A_179 = vector.load %arg26[%get3A_177, %get3A_178] : memref<1x256xf32, #tpu.memory_space<vmem>>, vector<1x256xf32>
    %add3A_180 = vector.broadcast %get3A_179 : vector<1x256xf32> to vector<128x256xf32>
    %add3A_181 = arith.addf %mul3A_176, %add3A_180 : vector<128x256xf32>
    %swap3A = arith.constant 0 : index
    %swap3A_182 = arith.constant 0 : index
    %swap3A_183 = arith.constant 0 : index
    %swap3A_184 = vector.load %arg27[%swap3A, %swap3A_182, %swap3A_183] : memref<1x128x256xf32, #tpu.memory_space<vmem>>, vector<1x128x256xf32>
    %swap3A_185 = vector.shape_cast %swap3A_184 : vector<1x128x256xf32> to vector<128x256xf32>
    %swap3A_186 = vector.shape_cast %add3A_181 : vector<128x256xf32> to vector<1x128x256xf32>
    tpu.vector_store %arg27[%swap3A, %swap3A_182, %swap3A_183], %swap3A_186 {strides = array<i32>} : memref<1x128x256xf32, #tpu.memory_space<vmem>>, vector<1x128x256xf32>,
    return
  }
  func.func @transform_0(%arg0: i32, %arg1: i32) -> (i32, i32, i32) {
    %c0_i32 = arith.constant 0 : i32
    %c0_i32_0 = arith.constant 0 : i32
    return %arg0, %arg1, %c0_i32 : i32, i32, i32
  }
  func.func @transform_1(%arg0: i32, %arg1: i32) -> (i32, i32, i32, i32) {
    %c0_i32 = arith.constant 0 : i32
    %c0_i32_0 = arith.constant 0 : i32
    %c0_i32_1 = arith.constant 0 : i32
    return %arg0, %arg1, %c0_i32, %c0_i32_0 : i32, i32, i32, i32
  }
  func.func @transform_2(%arg0: i32, %arg1: i32) -> (i32, i32, i32) {
    %c0_i32 = arith.constant 0 : i32
    %c0_i32_0 = arith.constant 0 : i32
    return %arg0, %arg1, %c0_i32 : i32, i32, i32
  }
  func.func @transform_3(%arg0: i32, %arg1: i32) -> (i32, i32, i32) {
    %c0_i32 = arith.constant 0 : i32
    %c0_i32_0 = arith.constant 0 : i32
    %c0_i32_1 = arith.constant 0 : i32
    return %arg0, %c0_i32, %c0_i32_0 : i32, i32, i32
  }
  func.func @transform_4(%arg0: i32, %arg1: i32) -> (i32, i32) {
    %c0_i32 = arith.constant 0 : i32
    %c0_i32_0 = arith.constant 0 : i32
    %c0_i32_1 = arith.constant 0 : i32
    return %c0_i32, %c0_i32_0 : i32, i32
  }
  func.func @transform_5(%arg0: i32, %arg1: i32) -> (i32, i32) {
    %c0_i32 = arith.constant 0 : i32
    %c0_i32_0 = arith.constant 0 : i32
    %c0_i32_1 = arith.constant 0 : i32
    return %c0_i32, %c0_i32_0 : i32, i32
  }
  func.func @transform_6(%arg0: i32, %arg1: i32) -> (i32, i32) {
    %c0_i32 = arith.constant 0 : i32
    %c0_i32_0 = arith.constant 0 : i32
    %c0_i32_1 = arith.constant 0 : i32
    return %c0_i32, %c0_i32_0 : i32, i32
  }
  func.func @transform_7(%arg0: i32, %arg1: i32) -> (i32, i32) {
    %c0_i32 = arith.constant 0 : i32
    %c0_i32_0 = arith.constant 0 : i32
    %c0_i32_1 = arith.constant 0 : i32
    return %c0_i32, %c0_i32_0 : i32, i32
  }
  func.func @transform_8(%arg0: i32, %arg1: i32) -> (i32, i32) {
    %c0_i32 = arith.constant 0 : i32
    %c0_i32_0 = arith.constant 0 : i32
    %c0_i32_1 = arith.constant 0 : i32
    return %c0_i32, %c0_i32_0 : i32, i32
  }
  func.func @transform_9(%arg0: i32, %arg1: i32) -> (i32, i32) {
    %c0_i32 = arith.constant 0 : i32
    %c0_i32_0 = arith.constant 0 : i32
    %c0_i32_1 = arith.constant 0 : i32
    return %c0_i32, %c0_i32_0 : i32, i32
  }
  func.func @transform_10(%arg0: i32, %arg1: i32) -> (i32, i32) {
    %c0_i32 = arith.constant 0 : i32
    %c0_i32_0 = arith.constant 0 : i32
    %c0_i32_1 = arith.constant 0 : i32
    return %c0_i32, %c0_i32_0 : i32, i32
  }
  func.func @transform_11(%arg0: i32, %arg1: i32) -> (i32, i32) {
    %c0_i32 = arith.constant 0 : i32
    %c0_i32_0 = arith.constant 0 : i32
    %c0_i32_1 = arith.constant 0 : i32
    return %c0_i32, %c0_i32_0 : i32, i32
  }
  func.func @transform_12(%arg0: i32, %arg1: i32) -> (i32, i32) {
    %c0_i32 = arith.constant 0 : i32
    %c0_i32_0 = arith.constant 0 : i32
    %c0_i32_1 = arith.constant 0 : i32
    return %c0_i32, %c0_i32_0 : i32, i32
  }
  func.func @transform_13(%arg0: i32, %arg1: i32) -> (i32, i32) {
    %c0_i32 = arith.constant 0 : i32
    %c0_i32_0 = arith.constant 0 : i32
    %c0_i32_1 = arith.constant 0 : i32
    return %c0_i32, %c0_i32_0 : i32, i32
  }
  func.func @transform_14(%arg0: i32, %arg1: i32) -> (i32, i32) {
    %c0_i32 = arith.constant 0 : i32
    %c0_i32_0 = arith.constant 0 : i32
    %c0_i32_1 = arith.constant 0 : i32
    return %c0_i32, %c0_i32_0 : i32, i32
  }
  func.func @transform_15(%arg0: i32, %arg1: i32) -> (i32, i32) {
    %c0_i32 = arith.constant 0 : i32
    %c0_i32_0 = arith.constant 0 : i32
    %c0_i32_1 = arith.constant 0 : i32
    return %c0_i32, %c0_i32_0 : i32, i32
  }
  func.func @transform_16(%arg0: i32, %arg1: i32) -> (i32, i32) {
    %c0_i32 = arith.constant 0 : i32
    %c0_i32_0 = arith.constant 0 : i32
    %c0_i32_1 = arith.constant 0 : i32
    return %c0_i32, %c0_i32_0 : i32, i32
  }
  func.func @transform_17(%arg0: i32, %arg1: i32) -> (i32, i32) {
    %c0_i32 = arith.constant 0 : i32
    %c0_i32_0 = arith.constant 0 : i32
    %c0_i32_1 = arith.constant 0 : i32
    return %c0_i32, %c0_i32_0 : i32, i32
  }
  func.func @transform_18(%arg0: i32, %arg1: i32) -> (i32, i32) {
    %c0_i32 = arith.constant 0 : i32
    %c0_i32_0 = arith.constant 0 : i32
    %c0_i32_1 = arith.constant 0 : i32
    return %c0_i32, %c0_i32_0 : i32, i32
  }
  func.func @transform_19(%arg0: i32, %arg1: i32) -> (i32, i32) {
    %c0_i32 = arith.constant 0 : i32
    %c0_i32_0 = arith.constant 0 : i32
    %c0_i32_1 = arith.constant 0 : i32
    return %c0_i32, %c0_i32_0 : i32, i32
  }
  func.func @transform_20(%arg0: i32, %arg1: i32) -> (i32, i32) {
    %c0_i32 = arith.constant 0 : i32
    %c0_i32_0 = arith.constant 0 : i32
    %c0_i32_1 = arith.constant 0 : i32
    return %c0_i32, %c0_i32_0 : i32, i32
  }
  func.func @transform_21(%arg0: i32, %arg1: i32) -> (i32, i32) {
    %c0_i32 = arith.constant 0 : i32
    %c0_i32_0 = arith.constant 0 : i32
    %c0_i32_1 = arith.constant 0 : i32
    return %c0_i32, %c0_i32_0 : i32, i32
  }
  func.func @transform_22(%arg0: i32, %arg1: i32) -> (i32, i32) {
    %c0_i32 = arith.constant 0 : i32
    %c0_i32_0 = arith.constant 0 : i32
    %c0_i32_1 = arith.constant 0 : i32
    return %c0_i32, %c0_i32_0 : i32, i32
  }
  func.func @transform_23(%arg0: i32, %arg1: i32) -> (i32, i32) {
    %c0_i32 = arith.constant 0 : i32
    %c0_i32_0 = arith.constant 0 : i32
    %c0_i32_1 = arith.constant 0 : i32
    return %c0_i32, %c0_i32_0 : i32, i32
  }
  func.func @transform_24(%arg0: i32, %arg1: i32) -> (i32, i32) {
    %c0_i32 = arith.constant 0 : i32
    %c0_i32_0 = arith.constant 0 : i32
    %c0_i32_1 = arith.constant 0 : i32
    return %c0_i32, %c0_i32_0 : i32, i32
  }
  func.func @transform_25(%arg0: i32, %arg1: i32) -> (i32, i32, i32) {
    %c0_i32 = arith.constant 0 : i32
    %c0_i32_0 = arith.constant 0 : i32
    return %arg0, %arg1, %c0_i32 : i32, i32, i32
  }
}

</mosaic_0001>

<sc_bundles>
// kernel: kernel.11.cloned.1.call-start
scs
__scs_entry_jumppad:
0x0: {  	(pc) =	sbr.rel $0x88, $3  }
0x1: {  	(tag) =	ssettag $0x0;
	lr =	simm.s32 $0x1  }
0x2: {  	[smem:$0x3F8C] =	sst lr;
	_ =	strace $0xD0000000  }
0x3: {  	_ = 	snop  }
0x4: {  	_ = 	snop  }
0x5: {  	_ = 	snop  }
0x6: {  	_ = 	snop  }
0x7: {  	_ = 	snop  }
__scs_overlays_trampoline_lowered:
0x8: {  	[smem:$0x3F9B] =	sst s0  }
0x9: {  	[smem:$0x3F9C] =	sst s1  }
0xa: {  	[smem:$0x3F9D] =	sst s2  }
0xb: {  	[smem:$0x3F9E] =	sst s3  }
0xc: {  	[smem:$0x3F9F] =	sst s4  }
0xd: {  	[smem:$0x3FA0] =	sst s5  }
0xe: {  	[smem:$0x3FA1] =	sst s6  }
0xf: {  	[smem:$0x3FA2] =	sst s7  }
0x10: {  	[smem:$0x3FA3] =	sst s8  }
0x11: {  	[smem:$0x3FA4] =	sst s9;
	s0 =	simm.s32 @!p0 $0x0  }
0x12: {  	s1 =	sld [smem:$0x3F8A];
	s0 =	simm.s32 @p0 $0x1  }
0x13: {  	[smem:$0x3FA5] =	sst s0;
	s0 =	simm.s32 @!p1 $0x0  }
0x14: {  	s2 =	sld [smem:$0x3F89];
	s0 =	simm.s32 @p1 $0x1  }
0x15: {  	[smem:$0x3FA6] =	sst s0;
	s0 =	simm.s32 @!p2 $0x0  }
0x16: {  	s3 =	sld [smem:$0x3FDB];
	s0 =	simm.s32 @p2 $0x1  }
0x17: {  	s4 =	simm.s32 $0x1BF5;
	[smem:$0x3FA8] =	sst s0  }
0x18: {  	s0 =	sld [smem:$0x3F8B];
	_ =	swait.ge [sflag:s4], $0x0  }
0x19: {  	s7 =	sld [smem:$0x3F8C]  }
0x1a: {  	s8 =	sadd.s32 $0xFFFFE003, lr  }
0x1b: {  	s9 =	sadd.s32 $0xFFFFFEF7, lr;
	s5 =	simm.s32 $0xFFFFFFFF;
	p2 =	slt.u32 s8, $0xFFFFF086  }
0x1c: {  	p1 =	slt.u32 s9, $0xF7A;
	s5 =	simm.s32 @!p2 $0x0  }
0x1d: {  	s5 =	simm.s32 @p1 $0x1;
	p0 =	seq.s32 s7, s2  }
0x1e: {  	s7 =	smul.u32 @!p0 $0xF7A, s2;
	p2 =	seq.s32 @!p0 s5, $0x0  }
0x1f: {  	s9 =	smul.u32 $0xF7A, s1;
	s8 =	simm.s32 @!p0 $0x1BF5;
	p2 =	por !p2, p0  }
0x20: {  	[sflag:s8] =	ssyncset.s32 @!p0 $0xFFFFF086;
	s6 =	sadd.s32 @!p0 s3, s7;
	s7 =	simm.s32 @!p0 $0x108  }
0x21: {  	s3 =	sadd.s32 s3, s9;
	s6 =	sadd.s32 @!p0 $0x88, s6;
	s7 =	simm.s32 @p2 $0x1082  }
0x22: {  	[simem:s7], [sflag:s8] =	dma.local @!p0 [hbm:s6], $0xF7A  }
0x23: {  	s9 =	sor.u32 $0xD0000000, s2;
	s6 =	simm.s32 $0x108;
	_ =	swait.ge @!p0 [sflag:s8], $0x0  }
0x24: {  	s3 =	sadd.s32 $0x88, s3;
	s6 =	simm.s32 @!p1 $0x1082;
	[sflag:s4] =	ssyncset.s32 $0xFFFFF086  }
0x25: {  	[simem:s6], [sflag:s4] =	dma.local [hbm:s3], $0xF7A  }
0x26: {  	[smem:$0x3F8C] =	sst s1;
	(tag) =	ssettag s2;
	_ =	strace s9  }
0x27: {  	s1 =	sld [smem:$0x3F9C]  }
0x28: {  	s2 =	sld [smem:$0x3F9D]  }
0x29: {  	s4 =	sld [smem:$0x3F9F]  }
0x2a: {  	p0 =	seq.s32 s5, $0x0;
	s5 =	sld [smem:$0x3FA0]  }
0x2b: {  	s6 =	sld [smem:$0x3FA1]  }
0x2c: {  	s7 =	sld [smem:$0x3FA2]  }
0x2d: {  	s3 =	simm.s32 $0x108;
	s8 =	sld [smem:$0x3FA3]  }
0x2e: {  	s3 =	simm.s32 @!p0 $0x1082;
	s9 =	sld [smem:$0x3FA4]  }
0x2f: {  	lr =	sadd.s32 s0, s3;
	s0 =	sld [smem:$0x3F9B]  }
0x30: {  	s3 =	sld [smem:$0x3F9E]  }
0x31: {  	[smem:$0x3FA7] =	sst s10  }
0x32: {  	s10 =	sld [smem:$0x3FA5];
	_ =	sdelay $0x3  }
0x33: {  	p0 =	seq.s32 s10, $0x1;
	s10 =	sld [smem:$0x3FA7];
	_ =	sdelay $0x3  }
0x34: {  	[smem:$0x3FA7] =	sst s10  }
0x35: {  	s10 =	sld [smem:$0x3FA6];
	_ =	sdelay $0x3  }
0x36: {  	p1 =	seq.s32 s10, $0x1;
	s10 =	sld [smem:$0x3FA7];
	_ =	sdelay $0x3  }
0x37: {  	[smem:$0x3FA7] =	sst s10  }
0x38: {  	s10 =	sld [smem:$0x3FA8]  }
0x39: {  	_ = 	snop;
	(pc) =	sbr.ind lr, $3  }
0x3a: {  	_ = 	snop  }
0x3b: {  	_ = 	snop  }
0x3c: {  	p2 =	seq.s32 s10, $0x1;
	s10 =	sld [smem:$0x3FA7]  }
0x3d: {  	_ =	shalt  }
0x3e: {  	_ =	shalt  }
0x3f: {  	_ =	shalt  }
0x40: {  	_ =	shalt  }
0x41: {  	_ =	shalt  }
0x42: {  	_ =	shalt  }
0x43: {  	_ =	shalt  }
0x44: {  	_ =	shalt  }
0x45: {  	_ =	shalt  }
0x46: {  	_ =	shalt  }
0x47: {  	_ =	shalt  }
0x48: {  	_ =	shalt  }
0x49: {  	_ =	shalt  }
0x4a: {  	_ =	shalt  }
0x4b: {  	_ =	shalt  }
0x4c: {  	_ =	shalt  }
0x4d: {  	_ =	shalt  }
0x4e: {  	_ =	shalt  }
0x4f: {  	_ =	shalt  }
0x50: {  	_ =	shalt  }
0x51: {  	_ =	shalt  }
0x52: {  	_ =	shalt  }
0x53: {  	_ =	shalt  }
0x54: {  	_ =	shalt  }
0x55: {  	_ =	shalt  }
0x56: {  	_ =	shalt  }
0x57: {  	_ =	shalt  }
0x58: {  	_ =	shalt  }
0x59: {  	_ =	shalt  }
0x5a: {  	_ =	shalt  }
0x5b: {  	_ =	shalt  }
0x5c: {  	_ =	shalt  }
0x5d: {  	_ =	shalt  }
0x5e: {  	_ =	shalt  }
0x5f: {  	_ =	shalt  }
0x60: {  	_ =	shalt  }
0x61: {  	_ =	shalt  }
0x62: {  	_ =	shalt  }
0x63: {  	_ =	shalt  }
0x64: {  	_ =	shalt  }
0x65: {  	_ =	shalt  }
0x66: {  	_ =	shalt  }
0x67: {  	_ =	shalt  }
0x68: {  	_ =	shalt  }
0x69: {  	_ =	shalt  }
0x6a: {  	_ =	shalt  }
0x6b: {  	_ =	shalt  }
0x6c: {  	_ =	shalt  }
0x6d: {  	_ =	shalt  }
0x6e: {  	_ =	shalt  }
0x6f: {  	_ =	shalt  }
0x70: {  	_ =	shalt  }
0x71: {  	_ =	shalt  }
0x72: {  	_ =	shalt  }
0x73: {  	_ =	shalt  }
0x74: {  	_ =	shalt  }
0x75: {  	_ =	shalt  }
0x76: {  	_ =	shalt  }
0x77: {  	_ =	shalt  }
0x78: {  	_ =	shalt  }
0x79: {  	_ =	shalt  }
0x7a: {  	_ =	shalt  }
0x7b: {  	_ =	shalt  }
0x7c: {  	_ =	shalt  }
0x7d: {  	_ =	shalt  }
0x7e: {  	_ =	shalt  }
0x7f: {  	_ =	shalt  }
0x80: {  	_ =	shalt  }
0x81: {  	_ =	shalt  }
0x82: {  	_ =	shalt  }
0x83: {  	_ =	shalt  }
0x84: {  	_ =	shalt  }
0x85: {  	_ =	shalt  }
0x86: {  	_ =	shalt  }
0x87: {  	_ =	shalt  }
.Lfunc_end0:
.L_simem_size_0:
called_computation.1_lowered:
.L_overlay_start_0:
0x88: {  	s2 =	sld [smem:$0x3FD9]  }
0x89: {  	s3 =	sld [smem:$0x3FFE];
	_ =	sdelay $0x1  }
0x8a: {  	s1 =	srdreg.scid  }
0x8b: {  	s0 =	sand.u32 $0x1, s1  }
0x8c: {  	s17 =	sshll.u32 s0, $0xA;
	s2 =	sadd.s32 s3, s2  }
0x8d: {  	s2 =	sadd.s32 s2, s17  }
0x8e: {  	[smem:$0x3FB3] =	sst s2  }
0x8f: {  	_ = 	snop  }
0x90: {  	s2 =	sld [smem:$0x3FD0];
	(tm) =	ssettm $0x1  }
0x91: {  	s18 =	sld [smem:$0x3FFB];
	_ =	sdelay $0x3  }
0x92: {  	_ =	strace s18  }
0x93: {  	s3 =	sld [smem:$0x3FFC];
	_ =	sdelay $0x3  }
0x94: {  	_ =	strace s3  }
0x95: {  	s3 =	sld [smem:$0x3FFD];
	_ =	sdelay $0x3  }
0x96: {  	_ =	strace s3  }
0x97: {  	_ =	strace $0x8FFFFFFF  }
0x98: {  	s19 =	sld [smem:$0x3FDB];
	_ =	sdelay $0x1  }
0x99: {  	s4 =	simm.s32 $_scs_section_size  }
0x9a: {  	s5 =	simm.s32 $_size__tile_overlayer_lowered;
	s6 =	simm.s32 $_tile_overlayer_lowered  }
0x9b: {  	s22 =	simm.s32 $0x1BFF;
	s21 =	sshll.u32 s6, $0x1;
	s3 =	sadd.s32 s4, s19  }
0x9c: {  	s7 =	simm.s32 $0x0;
	s20 =	sshll.u32 s5, $0x1;
	s5 =	sadd.s32 s21, s3  }
0x9d: {  	[timem:s7], [sflag:s22] =	dma.local [hbm:s5], s20  }
0x9e: {  	_ =	swait.ge [sflag:s22], s20  }
0x9f: {  	s4 =	ssub.s32 $0x0, s20;
	[sflag:s22] =	ssyncset.done $0x0  }
0xa0: {  	[sflag:s22] =	ssyncadd.s32 s4;
	_ =	sdelay $0x1  }
0xa1: {  	s23 =	simm.s32 $0x1B8B  }
0xa2: {  	_ =	swait.ge [sflag:s23], $0x1  }
0xa3: {  	[sflag:s23] =	ssyncset.done $0x0  }
0xa4: {  	s25 =	simm.s32 $0x1B8E;
	s24 =	sld [smem:$0x3FFE];
	[sflag:s23] =	ssyncadd.s32 $0xFFFFFFFF  }
0xa5: {  	s26 =	simm.s32 $execute0_lowered;
	[smem:$0x3FD2] =	sst s25  }
0xa6: {  	s5 =	sshll.u32 s26, $0x1;
	_ =	strace $0x80000046;
	[dreg:$0x1] =	wrdreg $0xFFFFFFFF  }
0xa7: {  	s28 =	simm.s32 $_size_execute0_lowered;
	s3 =	sadd.s32 s3, s5;
	[dreg:$0x0] =	wrdreg $0x0  }
0xa8: {  	s5 =	sshll.u32 s28, $0x1;
	[dreg:$0x2] =	wrdreg s3  }
0xa9: {  	[dreg:$0x3] =	wrdreg s5  }
0xaa: {  	[dreg:$0x4] =	wrdreg $0xC0  }
0xab: {  	_ =	task [dreg:s7], $0x5FFFF  }
0xac: {  	[dreg:$0x1] =	wrdreg $0xFFFFFFFF  }
0xad: {  	[dreg:$0x0] =	wrdreg $0x60  }
0xae: {  	[dreg:$0x2] =	wrdreg s2  }
0xaf: {  	[dreg:$0x3] =	wrdreg s24  }
0xb0: {  	[dreg:$0x4] =	wrdreg $0xA  }
0xb1: {  	_ =	task.clear_ibuf [dreg:s7], $0x5FFFF;
	_ =	strace $0x90000046  }
0xb2: {  	s29 =	simm.s32 $0xA;
	_ =	strace $0x8000004F  }
0xb3: {  	_ =	swait.ge [sflag:s29], $0x1  }
0xb4: {  	[sflag:s29] =	ssyncadd.s32 $0xFFFFFFFF  }
0xb5: {  	_ =	strace $0x9000004F  }
0xb6: {  	_ =	sfence  }
0xb7: {  	s30 =	sld [smem:$0x0];
	_ =	sdelay $0x2  }
0xb8: {  	s31 =	sshll.u32 s1, $0xD;
	s1 =	sshrl.u32 s1, $0x2  }
0xb9: {  	s3 =	sand.u32 $0x4000, s31;
	s1 =	sadd.s32 s1, s30  }
0xba: {  	s0 =	sor.u32 s3, s0;
	s1 =	sshll.u32 s1, $0x11  }
0xbb: {  	s0 =	sor.u32 s1, s0  }
0xbc: {  	s0 =	sadd.s32 $0x8F2B, s0  }
0xbd: {  	[sflag:s0] =	ssyncadd.remote.s32 $0x1  }
0xbe: {  	_ =	sfence.sel $0xFFFF  }
0xbf: {  	[dreg:$0x0] =	wrdreg $0xFFFFFFFF;
	(pc) =	sbr.abs _section_cstart, $3  }
0xc0: {  	[dreg:$0x1] =	wrdreg $0xFFFFFFFF  }
0xc1: {  	_ =	task.clear_ibuf [dreg:s7], $0x2FFFF;
	_ =	strace $0x9FFFFFFF  }
0xc2: {  	(tm) =	ssettm $0x7FFFFFFF  }
0xc3: {  	_ =	shalt  }
tec
execute0_lowered:
.L_overlay_start_1:
0x0: {  	(tag) =	ssettag $0x1  }
0x1: {  	s0 =	rddreg [dreg:$0x0]  }
0x2: {  	s4 =	rddreg [dreg:$0x1]  }
0x3: {  	s1 =	simm.s32 $0x0;
	[dreg:$0x3] =	wrdreg s0  }
0x4: {  	s2 =	srdreg.scid;
	s8 =	simm.s32 $0x80;
	s0 =	rddreg [dreg:$0x2]  }
0x5: {  	s9 =	simm.s32 $0x4;
	s10 =	simm.s32 $0x0;
	[smem:$0x7FF] =	sst s1  }
0x6: {  	s3 =	sadd.s32 $0x4600, s4;
	s5 =	sand.u32 $0x1, s2;
	s4 =	sadd.s32 $0x6600, s4  }
0x7: {  	s2 =	stileid.u32;
	_ =	strace $0x80000047;
	[dreg:$0x5] =	wrdreg s4  }
0x8: {  	s6 =	ssub.s32 $0x2, s5;
	s5 =	sshll.u32 s5, $0x4;
	[dreg:$0x4] =	wrdreg s8  }
0x9: {  	s8 =	simm.s32 $0x5;
	s7 =	sshrl.u32 s6, $0x1;
	s5 =	sor.u32 s2, s5  }
0xa: {  	s6 =	ssub.s32 s6, s7;
	s31 =	sshll.u32 s5, $0x8;
	s4 =	sshll.u32 s5, $0x4  }
0xb: {  	s7 =	simm.s32 $0x1;
	s5 =	sadd.s32 s3, s31;
	s6 =	smax.u32 s6, $0x1  }
.LBB2_1:
0xc: {  	_ =	strace $0x80000048;
	s11 =	simm.s32 $0x1;
	p0 =	por $0x0, $0x0  }
0xd: {  	[tilespmem:s1], [sflag:$0x1] =	stream.linear.gather [hbm4b:s5+s1], $0x80, $0x200038;
	[tilespmem:$0x8100] =	vst v63  }
0xe: {  	s11 =	simm.s32 @p0 $0x0  }
0xf: {  	p4 =	por $0x1, $0x1;
	s20 =	sand.u32 $0x1, s1;
	p1 =	sne.s32 s11, $0x0  }
0x10: {  	p2 =	por $0x1, $0x1;
	s18 =	simm.s32 $0xE;
	p0 =	por !p4, !p1  }
0x11: {  	s16 =	simm.s32 $0x0;
	p5 =	por $0x0, $0x0;
	p0 =	por !p0, !p0  }
0x12: {  	s23 =	sadd.s32 $0x0, s4;
	s30 =	sadd.s32 $0x1, s20;
	s12 =	sadd.s32 @p0 s4, s11  }
0x13: {  	_ =	strace $0x90000048;
	s13 =	sand.u32 @p0 $0x1, s7;
	s12 =	sshll.u32 @p0 s12, $0x4  }
0x14: {  	_ =	strace @p0 $0x80000049;
	s15 =	simm.s32 @p0 $0x0;
	s12 =	sand.u32 @p0 $0x1FFFFFF0, s12  }
0x15: {  	s14 =	sshll.u32 @p0 s13, $0x7;
	s13 =	sadd.s32 @p0 $0x1, s13;
	s12 =	sadd.s32 @p0 s3, s12  }
0x16: {  	[tilespmem:s14], [sflag:s13] =	stream.linear.gather @p0 [hbm4b:s12+s15], $0x80, $0x200038;
	[tilespmem:$0x8100] =	vst v63  }
0x17: {  	p3 =	por p2, p2;
	s21 =	sshll.u32 s20, $0xE;
	_ =	strace @p0 $0x90000049  }
0x18: {  	s16 =	sand.u32 $0x80, s16;
	p2 =	por p5, p5;
	_ =	strace $0x8000004A  }
0x19: {  	s17 =	sadd.s32 $0x1, s11;
	s22 =	sor.u32 $0x100, s21;
	_ =	swait.ge [sflag:s30], $0x80  }
0x1a: {  	s21 =	simm.s32 $0x1;
	p6 =	por p1, p1;
	[sflag:s30] =	ssyncset.done $0x0  }
0x1b: {  	p1 =	por p3, p3;
	p4 =	por $0x1, $0x1;
	[sflag:s30] =	ssyncadd.s32 $0xFFFFFF80  }
0x1c: {  	s12 =	simm.s32 $0xF;
	s15 =	sand.u32 @!p3 $0x1, s1;
	_ =	strace $0x9000004A  }
0x1d: {  	s13 =	simm.s32 $0x1;
	p3 =	seq.s32 s17, $0x10;
	_ =	strace $0x8000004B  }
0x1e: {  	s13 =	simm.s32 @!p0 $0x0;
	s17 =	simm.s32 @p3 $0x0;
	s19 =	rddreg [dreg:$0x4]  }
0x1f: {  	p0 =	por $0x0, $0x0;
	s14 =	sadd.s32 $0x1, s13;
	s31 =	rddreg [dreg:$0x3]  }
0x20: {  	[tilespmem:s22], [sflag:$0x5] =	stream.indirect.gather [hbm4b:s31+s19], $0x80, s16, s19, $0x2000b8;
	[tilespmem:$0x8100] =	vst v63  }
0x21: {  	p3 =	sne.s32 s11, s17;
	s21 =	simm.s32 @!p0 $0x0;
	_ =	swait.ge [sflag:s8], $0x4000  }
0x22: {  	p5 =	por !p4, !p3;
	p4 =	por $0x0, $0x0;
	[sflag:s8] =	ssyncset.done $0x0  }
0x23: {  	s13 =	simm.s32 $0x0;
	p6 =	por p4, p6;
	[sflag:s8] =	ssyncadd.s32 $0xFFFFC000  }
0x24: {  	s16 =	simm.s32 $0x0;
	s19 =	simm.s32 $0x0;
	_ =	strace $0x9000004B  }
.LBB2_2:
0x25: {  	_ =	strace @p6 $0x8000004C;
	s13 =	sadd.s32 s21, s13;
	s21 =	smov.u32 s12  }
0x26: {  	s12 =	smov.u32 s18;
	s18 =	sadd.s32 $0xFFFFFFFF, s18;
	p0 =	por p3, p3  }
0x27: {  	s28 =	sshll.u32 @p6 s23, $0xB;
	s20 =	sadd.s32 @p6 $0x3, s20;
	s24 =	simm.s32 @!p0 $0x0  }
0x28: {  	s25 =	rddreg [dreg:$0x5];
	s28 =	sand.u32 @p6 $0x1FFFF800, s28;
	s24 =	simm.s32 @p0 $0x1  }
0x29: {  	s25 =	sadd.s32 @p6 s25, s28;
	s28 =	simm.s32 @p6 $0x0;
	p0 =	sne.s32 s18, $0x0  }
0x2a: {  	[hbm4b:s25+s28] =	stream.linear.scatter @p6 [tilespmem:s22], [sflag:s20], $0x4000, $0x200038;
	[tilespmem:$0x8100] =	vst v63  }
0x2b: {  	s20 =	sadd.s32 @!p1 $0x3, s15;
	s15 =	simm.s32 @!p0 $0x0  }
0x2c: {  	s26 =	simm.s32 $0x1;
	[smem:$0x7FC] =	sst s24;
	s15 =	simm.s32 @p0 $0x1  }
0x2d: {  	s26 =	simm.s32 @!p6 $0x0;
	_ =	strace @p6 $0x9000004C;
	[smem:$0x7FD] =	sst s15  }
0x2e: {  	p5 =	por !p5, !p5;
	s19 =	sadd.s32 s26, s19;
	_ =	strace @!p1 $0x8000004D  }
0x2f: {  	s24 =	sand.u32 @!p2 $0x1, s13;
	s22 =	sand.u32 @p5 $0x1, s14;
	_ =	swait.ge @!p1 [sflag:s20], $0x4000  }
0x30: {  	s15 =	smov.u32 s24;
	s24 =	sadd.s32 @p5 s4, s17;
	[sflag:s20] =	ssyncset.done @!p1 $0x0  }
0x31: {  	s25 =	sshll.u32 @p5 s22, $0x7;
	s24 =	sshll.u32 @p5 s24, $0x4;
	[sflag:s20] =	ssyncadd.s32 @!p1 $0xFFFFC000  }
0x32: {  	s20 =	sadd.s32 @p5 $0x1, s22;
	s22 =	sand.u32 @p5 $0x1FFFFFF0, s24;
	_ =	strace @!p1 $0x9000004D  }
0x33: {  	s24 =	simm.s32 @p5 $0x0;
	s22 =	sadd.s32 @p5 s3, s22;
	_ =	strace @p5 $0x80000049  }
0x34: {  	[tilespmem:s25], [sflag:s20] =	stream.linear.gather @p5 [hbm4b:s22+s24], $0x80, $0x200038;
	[tilespmem:$0x8100] =	vst v63  }
0x35: {  	s16 =	sadd.s32 s26, s16;
	s26 =	sand.u32 $0x1, s19;
	_ =	strace @p5 $0x90000049  }
0x36: {  	s24 =	sadd.s32 $0x1, s26;
	_ =	strace $0x8000004A  }
0x37: {  	_ =	swait.ge [sflag:s24], $0x80  }
0x38: {  	[sflag:s24] =	ssyncset.done $0x0  }
0x39: {  	s20 =	simm.s32 $0x1;
	[sflag:s24] =	ssyncadd.s32 $0xFFFFFF80  }
0x3a: {  	s20 =	simm.s32 @!p5 $0x0;
	_ =	strace $0x9000004A  }
0x3b: {  	s14 =	sadd.s32 s20, s14;
	s20 =	sand.u32 $0x1, s16;
	_ =	strace $0x8000004B  }
0x3c: {  	s29 =	sshll.u32 s19, $0x7;
	s25 =	sshll.u32 s20, $0xE;
	s26 =	rddreg [dreg:$0x4]  }
0x3d: {  	s29 =	sand.u32 $0x80, s29;
	s22 =	sor.u32 $0x100, s25;
	s30 =	rddreg [dreg:$0x3]  }
0x3e: {  	[tilespmem:s22], [sflag:$0x5] =	stream.indirect.gather [hbm4b:s30+s26], $0x80, s29, s26, $0x2000b8;
	[tilespmem:$0x8100] =	vst v63  }
0x3f: {  	_ =	swait.ge [sflag:s8], $0x4000  }
0x40: {  	s31 =	sadd.s32 $0x1, s17;
	[sflag:s8] =	ssyncset.done $0x0  }
0x41: {  	s23 =	sadd.s32 s4, s11;
	s11 =	smov.u32 s17;
	[sflag:s8] =	ssyncadd.s32 $0xFFFFC000  }
0x42: {  	p3 =	seq.s32 s31, $0x10;
	s17 =	smov.u32 s31;
	_ =	strace $0x9000004B  }
0x43: {  	s17 =	simm.s32 @p3 $0x0;
	s31 =	sld [smem:$0x7FD]  }
0x44: {  	p6 =	sne.s32 s12, $0x1;
	p0 =	sne.s32 s21, $0x10;
	p3 =	sne.s32 s11, s17  }
0x45: {  	p5 =	por !p6, !p3;
	p6 =	seq.s32 s21, $0x1;
	s21 =	simm.s32 $0x1  }
0x46: {  	s21 =	simm.s32 @!p0 $0x0;
	p0 =	seq.s32 s31, $0x1  }
.Ltmp0:
0x47: {  	s30 =	sld [smem:$0x7FC];
	(pc) =	sbr.rel @p0 .LBB2_2-.Ltmp0, $4  }
0x48: {  	_ = 	snop  }
0x49: {  	p4 =	seq.s32 s12, $0x10  }
0x4a: {  	p1 =	por p2, p2;
	p2 =	por p4, p4;
	p4 =	seq.s32 s30, $0x1  }
0x4b: {  	p6 =	por p6, p4  }
0x4c: {  	_ =	strace @p6 $0x8000004C;
	s23 =	sshll.u32 @p6 s23, $0xB  }
0x4d: {  	s18 =	rddreg [dreg:$0x5];
	s23 =	sand.u32 @p6 $0x1FFFF800, s23  }
0x4e: {  	s20 =	sadd.s32 @p6 $0x3, s20;
	s18 =	sadd.s32 @p6 s18, s23;
	s23 =	simm.s32 @p6 $0x0  }
0x4f: {  	[hbm4b:s18+s23] =	stream.linear.scatter @p6 [tilespmem:s22], [sflag:s20], $0x4000, $0x200038;
	[tilespmem:$0x8100] =	vst v63  }
0x50: {  	p0 =	por !p5, !p5;
	_ =	strace @p6 $0x9000004C  }
0x51: {  	s15 =	sadd.s32 @!p1 $0x3, s15;
	s17 =	sadd.s32 @p0 s4, s17;
	_ =	strace @!p1 $0x8000004D  }
0x52: {  	s14 =	sand.u32 @p0 $0x1, s14;
	s17 =	sshll.u32 @p0 s17, $0x4;
	_ =	swait.ge @!p1 [sflag:s15], $0x4000  }
0x53: {  	s18 =	simm.s32 $0x1;
	s20 =	sshll.u32 @p0 s14, $0x7;
	[sflag:s15] =	ssyncset.done @!p1 $0x0  }
0x54: {  	s14 =	sadd.s32 @p0 $0x1, s14;
	s18 =	simm.s32 @!p6 $0x0;
	[sflag:s15] =	ssyncadd.s32 @!p1 $0xFFFFC000  }
0x55: {  	s19 =	sadd.s32 s18, s19;
	s15 =	sand.u32 @p0 $0x1FFFFFF0, s17;
	_ =	strace @!p1 $0x9000004D  }
0x56: {  	s17 =	simm.s32 @p0 $0x0;
	s15 =	sadd.s32 @p0 s3, s15;
	_ =	strace @p0 $0x80000049  }
0x57: {  	[tilespmem:s20], [sflag:s14] =	stream.linear.gather @p0 [hbm4b:s15+s17], $0x80, $0x200038;
	[tilespmem:$0x8100] =	vst v63  }
0x58: {  	s25 =	sand.u32 $0x1, s19;
	_ =	strace @p0 $0x90000049  }
0x59: {  	s14 =	sadd.s32 $0x1, s25;
	_ =	strace $0x8000004A  }
0x5a: {  	_ =	swait.ge [sflag:s14], $0x80  }
0x5b: {  	[sflag:s14] =	ssyncset.done $0x0  }
0x5c: {  	[sflag:s14] =	ssyncadd.s32 $0xFFFFFF80  }
0x5d: {  	s26 =	sadd.s32 s18, s16;
	_ =	strace $0x9000004A  }
0x5e: {  	s14 =	sand.u32 $0x1, s26;
	_ =	strace $0x8000004B  }
0x5f: {  	s30 =	sshll.u32 s19, $0x7;
	s31 =	sshll.u32 s14, $0xE;
	s28 =	rddreg [dreg:$0x4]  }
0x60: {  	s17 =	sand.u32 $0x80, s30;
	s18 =	sor.u32 $0x100, s31;
	s29 =	rddreg [dreg:$0x3]  }
0x61: {  	[tilespmem:s18], [sflag:$0x5] =	stream.indirect.gather [hbm4b:s29+s28], $0x80, s17, s28, $0x2000b8;
	[tilespmem:$0x8100] =	vst v63  }
0x62: {  	_ =	swait.ge [sflag:s8], $0x4000  }
0x63: {  	[sflag:s8] =	ssyncset.done $0x0  }
0x64: {  	p5 =	por p3, p3;
	p6 =	seq.s32 s12, $0x1;
	[sflag:s8] =	ssyncadd.s32 $0xFFFFC000  }
0x65: {  	s11 =	sadd.s32 s4, s11;
	p0 =	por p6, p5;
	_ =	strace $0x9000004B  }
0x66: {  	s11 =	sshll.u32 @p0 s11, $0xB;
	_ =	strace @p0 $0x8000004C  }
0x67: {  	s13 =	sadd.s32 s21, s13;
	s11 =	sand.u32 @p0 $0x1FFFF800, s11;
	s12 =	rddreg [dreg:$0x5]  }
0x68: {  	s14 =	sadd.s32 @p0 $0x3, s14;
	s11 =	sadd.s32 @p0 s12, s11;
	s12 =	simm.s32 @p0 $0x0  }
0x69: {  	[hbm4b:s11+s12] =	stream.linear.scatter @p0 [tilespmem:s18], [sflag:s14], $0x4000, $0x200038;
	[tilespmem:$0x8100] =	vst v63  }
0x6a: {  	p1 =	por p2, p2;
	s11 =	sand.u32 @!p2 $0x1, s13;
	_ =	strace @p0 $0x9000004C  }
0x6b: {  	s11 =	sadd.s32 @!p1 $0x3, s11;
	_ =	strace @!p1 $0x8000004D  }
0x6c: {  	_ =	swait.ge @!p1 [sflag:s11], $0x4000  }
0x6d: {  	[sflag:s11] =	ssyncset.done @!p1 $0x0  }
0x6e: {  	s10 =	sadd.s32 $0x1, s10;
	[sflag:s11] =	ssyncadd.s32 @!p1 $0xFFFFC000  }
0x6f: {  	p0 =	sne.s32 s10, s6;
	_ =	strace @!p1 $0x9000004D  }
.Ltmp1:
0x70: {  	_ =	strace $0x8000004E;
	(pc) =	sbr.rel @p0 .LBB2_1-.Ltmp1, $4  }
0x71: {  	_ =	swait.ge [sflag:s9], $0x4000  }
0x72: {  	[sflag:s9] =	ssyncset.done $0x0  }
0x73: {  	[sflag:s9] =	ssyncadd.s32 $0xFFFFC000  }
0x74: {  	_ =	strace $0x9000004E  }
0x75: {  	_ =	sfence.sel $0x180000  }
0x76: {  	[bflag:$0x0] =	sbarrier.arrive $0xFFFF  }
0x77: {  	p0 =	sne.s32 s2, $0x0;
	_ =	strace $0x90000047  }
0x78: {  	s0 =	sadd.s32 @!p0 $0x100000, s0;
	[bflag:$0x2] =	sbarrier.arrive $0xFFFF  }
0x79: {  	[sflag:s0] =	ssyncadd.tile.s32 @!p0 $0x1;
	_ =	shalt  }
.Lfunc_end2:
_tile_overlayer_lowered:
.L_overlay_start_2:
0x7a: {  	(tag) =	ssettag $0x2  }
0x7b: {  	s0 =	rddreg [dreg:$0x0];
	s2 =	stileid.u32  }
0x7c: {  	s1 =	rddreg [dreg:$0x1];
	p0 =	sne.s32 s2, $0x0  }
0x7d: {  	s3 =	rddreg [dreg:$0x2];
	[bflag:$0x3] =	sbarrier.arrive $0xFFFF;
	s2 =	simm.s32 @!p0 $0x1C01  }
0x7e: {  	[timem:s3], [sflag:s2] =	dma.local @!p0 [hbm:s0], s1  }
0x7f: {  	s0 =	simm.s32 @!p0 $0x1  }
0x80: {  	_ =	swait.ge @!p0 [sflag:s0], s1  }
0x81: {  	s1 =	ssub.s32 @!p0 $0x0, s1;
	[sflag:s0] =	ssyncset.done @!p0 $0x0  }
0x82: {  	[sflag:s0] =	ssyncadd.s32 @!p0 s1  }
0x83: {  	[bflag:$0x3] =	sbarrier.arrive $0xFFFF  }
0x84: {  	_ =	shalt  }

// kernel: kernel.8.cloned.1.call-start
scs
__scs_entry_jumppad:
0x0: {  	(pc) =	sbr.rel $0x88, $3  }
0x1: {  	(tag) =	ssettag $0x0;
	lr =	simm.s32 $0x1  }
0x2: {  	[smem:$0x3F8C] =	sst lr;
	_ =	strace $0xD0000000  }
0x3: {  	_ = 	snop  }
0x4: {  	_ = 	snop  }
0x5: {  	_ = 	snop  }
0x6: {  	_ = 	snop  }
0x7: {  	_ = 	snop  }
__scs_overlays_trampoline_lowered:
0x8: {  	[smem:$0x3F9B] =	sst s0  }
0x9: {  	[smem:$0x3F9C] =	sst s1  }
0xa: {  	[smem:$0x3F9D] =	sst s2  }
0xb: {  	[smem:$0x3F9E] =	sst s3  }
0xc: {  	[smem:$0x3F9F] =	sst s4  }
0xd: {  	[smem:$0x3FA0] =	sst s5  }
0xe: {  	[smem:$0x3FA1] =	sst s6  }
0xf: {  	[smem:$0x3FA2] =	sst s7  }
0x10: {  	[smem:$0x3FA3] =	sst s8  }
0x11: {  	[smem:$0x3FA4] =	sst s9;
	s0 =	simm.s32 @!p0 $0x0  }
0x12: {  	s1 =	sld [smem:$0x3F8A];
	s0 =	simm.s32 @p0 $0x1  }
0x13: {  	[smem:$0x3FA5] =	sst s0;
	s0 =	simm.s32 @!p1 $0x0  }
0x14: {  	s2 =	sld [smem:$0x3F89];
	s0 =	simm.s32 @p1 $0x1  }
0x15: {  	[smem:$0x3FA6] =	sst s0;
	s0 =	simm.s32 @!p2 $0x0  }
0x16: {  	s3 =	sld [smem:$0x3FDB];
	s0 =	simm.s32 @p2 $0x1  }
0x17: {  	s4 =	simm.s32 $0x1BF5;
	[smem:$0x3FA8] =	sst s0  }
0x18: {  	s0 =	sld [smem:$0x3F8B];
	_ =	swait.ge [sflag:s4], $0x0  }
0x19: {  	s7 =	sld [smem:$0x3F8C]  }
0x1a: {  	s8 =	sadd.s32 $0xFFFFE003, lr  }
0x1b: {  	s9 =	sadd.s32 $0xFFFFFEF7, lr;
	s5 =	simm.s32 $0xFFFFFFFF;
	p2 =	slt.u32 s8, $0xFFFFF086  }
0x1c: {  	p1 =	slt.u32 s9, $0xF7A;
	s5 =	simm.s32 @!p2 $0x0  }
0x1d: {  	s5 =	simm.s32 @p1 $0x1;
	p0 =	seq.s32 s7, s2  }
0x1e: {  	s7 =	smul.u32 @!p0 $0xF7A, s2;
	p2 =	seq.s32 @!p0 s5, $0x0  }
0x1f: {  	s9 =	smul.u32 $0xF7A, s1;
	s8 =	simm.s32 @!p0 $0x1BF5;
	p2 =	por !p2, p0  }
0x20: {  	[sflag:s8] =	ssyncset.s32 @!p0 $0xFFFFF086;
	s6 =	sadd.s32 @!p0 s3, s7;
	s7 =	simm.s32 @!p0 $0x108  }
0x21: {  	s3 =	sadd.s32 s3, s9;
	s6 =	sadd.s32 @!p0 $0x88, s6;
	s7 =	simm.s32 @p2 $0x1082  }
0x22: {  	[simem:s7], [sflag:s8] =	dma.local @!p0 [hbm:s6], $0xF7A  }
0x23: {  	s9 =	sor.u32 $0xD0000000, s2;
	s6 =	simm.s32 $0x108;
	_ =	swait.ge @!p0 [sflag:s8], $0x0  }
0x24: {  	s3 =	sadd.s32 $0x88, s3;
	s6 =	simm.s32 @!p1 $0x1082;
	[sflag:s4] =	ssyncset.s32 $0xFFFFF086  }
0x25: {  	[simem:s6], [sflag:s4] =	dma.local [hbm:s3], $0xF7A  }
0x26: {  	[smem:$0x3F8C] =	sst s1;
	(tag) =	ssettag s2;
	_ =	strace s9  }
0x27: {  	s1 =	sld [smem:$0x3F9C]  }
0x28: {  	s2 =	sld [smem:$0x3F9D]  }
0x29: {  	s4 =	sld [smem:$0x3F9F]  }
0x2a: {  	p0 =	seq.s32 s5, $0x0;
	s5 =	sld [smem:$0x3FA0]  }
0x2b: {  	s6 =	sld [smem:$0x3FA1]  }
0x2c: {  	s7 =	sld [smem:$0x3FA2]  }
0x2d: {  	s3 =	simm.s32 $0x108;
	s8 =	sld [smem:$0x3FA3]  }
0x2e: {  	s3 =	simm.s32 @!p0 $0x1082;
	s9 =	sld [smem:$0x3FA4]  }
0x2f: {  	lr =	sadd.s32 s0, s3;
	s0 =	sld [smem:$0x3F9B]  }
0x30: {  	s3 =	sld [smem:$0x3F9E]  }
0x31: {  	[smem:$0x3FA7] =	sst s10  }
0x32: {  	s10 =	sld [smem:$0x3FA5];
	_ =	sdelay $0x3  }
0x33: {  	p0 =	seq.s32 s10, $0x1;
	s10 =	sld [smem:$0x3FA7];
	_ =	sdelay $0x3  }
0x34: {  	[smem:$0x3FA7] =	sst s10  }
0x35: {  	s10 =	sld [smem:$0x3FA6];
	_ =	sdelay $0x3  }
0x36: {  	p1 =	seq.s32 s10, $0x1;
	s10 =	sld [smem:$0x3FA7];
	_ =	sdelay $0x3  }
0x37: {  	[smem:$0x3FA7] =	sst s10  }
0x38: {  	s10 =	sld [smem:$0x3FA8]  }
0x39: {  	_ = 	snop;
	(pc) =	sbr.ind lr, $3  }
0x3a: {  	_ = 	snop  }
0x3b: {  	_ = 	snop  }
0x3c: {  	p2 =	seq.s32 s10, $0x1;
	s10 =	sld [smem:$0x3FA7]  }
0x3d: {  	_ =	shalt  }
0x3e: {  	_ =	shalt  }
0x3f: {  	_ =	shalt  }
0x40: {  	_ =	shalt  }
0x41: {  	_ =	shalt  }
0x42: {  	_ =	shalt  }
0x43: {  	_ =	shalt  }
0x44: {  	_ =	shalt  }
0x45: {  	_ =	shalt  }
0x46: {  	_ =	shalt  }
0x47: {  	_ =	shalt  }
0x48: {  	_ =	shalt  }
0x49: {  	_ =	shalt  }
0x4a: {  	_ =	shalt  }
0x4b: {  	_ =	shalt  }
0x4c: {  	_ =	shalt  }
0x4d: {  	_ =	shalt  }
0x4e: {  	_ =	shalt  }
0x4f: {  	_ =	shalt  }
0x50: {  	_ =	shalt  }
0x51: {  	_ =	shalt  }
0x52: {  	_ =	shalt  }
0x53: {  	_ =	shalt  }
0x54: {  	_ =	shalt  }
0x55: {  	_ =	shalt  }
0x56: {  	_ =	shalt  }
0x57: {  	_ =	shalt  }
0x58: {  	_ =	shalt  }
0x59: {  	_ =	shalt  }
0x5a: {  	_ =	shalt  }
0x5b: {  	_ =	shalt  }
0x5c: {  	_ =	shalt  }
0x5d: {  	_ =	shalt  }
0x5e: {  	_ =	shalt  }
0x5f: {  	_ =	shalt  }
0x60: {  	_ =	shalt  }
0x61: {  	_ =	shalt  }
0x62: {  	_ =	shalt  }
0x63: {  	_ =	shalt  }
0x64: {  	_ =	shalt  }
0x65: {  	_ =	shalt  }
0x66: {  	_ =	shalt  }
0x67: {  	_ =	shalt  }
0x68: {  	_ =	shalt  }
0x69: {  	_ =	shalt  }
0x6a: {  	_ =	shalt  }
0x6b: {  	_ =	shalt  }
0x6c: {  	_ =	shalt  }
0x6d: {  	_ =	shalt  }
0x6e: {  	_ =	shalt  }
0x6f: {  	_ =	shalt  }
0x70: {  	_ =	shalt  }
0x71: {  	_ =	shalt  }
0x72: {  	_ =	shalt  }
0x73: {  	_ =	shalt  }
0x74: {  	_ =	shalt  }
0x75: {  	_ =	shalt  }
0x76: {  	_ =	shalt  }
0x77: {  	_ =	shalt  }
0x78: {  	_ =	shalt  }
0x79: {  	_ =	shalt  }
0x7a: {  	_ =	shalt  }
0x7b: {  	_ =	shalt  }
0x7c: {  	_ =	shalt  }
0x7d: {  	_ =	shalt  }
0x7e: {  	_ =	shalt  }
0x7f: {  	_ =	shalt  }
0x80: {  	_ =	shalt  }
0x81: {  	_ =	shalt  }
0x82: {  	_ =	shalt  }
0x83: {  	_ =	shalt  }
0x84: {  	_ =	shalt  }
0x85: {  	_ =	shalt  }
0x86: {  	_ =	shalt  }
0x87: {  	_ =	shalt  }
.Lfunc_end0:
.L_simem_size_0:
called_computation_lowered:
.L_overlay_start_0:
0x88: {  	s2 =	sld [smem:$0x3FD9]  }
0x89: {  	s3 =	sld [smem:$0x3FFE];
	_ =	sdelay $0x1  }
0x8a: {  	s1 =	srdreg.scid  }
0x8b: {  	s0 =	sand.u32 $0x1, s1  }
0x8c: {  	s17 =	sshll.u32 s0, $0xA;
	s2 =	sadd.s32 s3, s2  }
0x8d: {  	s2 =	sadd.s32 s2, s17  }
0x8e: {  	[smem:$0x3FB3] =	sst s2  }
0x8f: {  	_ = 	snop  }
0x90: {  	(tm) =	ssettm $0x1  }
0x91: {  	s18 =	sld [smem:$0x3FFB];
	_ =	sdelay $0x3  }
0x92: {  	_ =	strace s18  }
0x93: {  	s2 =	sld [smem:$0x3FFC];
	_ =	sdelay $0x3  }
0x94: {  	_ =	strace s2  }
0x95: {  	s2 =	sld [smem:$0x3FFD];
	_ =	sdelay $0x3  }
0x96: {  	_ =	strace s2  }
0x97: {  	_ =	strace $0x8FFFFFFF  }
0x98: {  	s19 =	sld [smem:$0x3FDB];
	_ =	sdelay $0x1  }
0x99: {  	s20 =	simm.s32 $_scs_section_size  }
0x9a: {  	s4 =	simm.s32 $_size__tile_overlayer_lowered;
	s5 =	simm.s32 $_tile_overlayer_lowered  }
0x9b: {  	s6 =	simm.s32 $0x1BFF;
	s21 =	sshll.u32 s5, $0x1;
	s3 =	sadd.s32 s20, s19  }
0x9c: {  	s22 =	simm.s32 $0x0;
	s4 =	sshll.u32 s4, $0x1;
	s5 =	sadd.s32 s21, s3  }
0x9d: {  	[timem:s22], [sflag:s6] =	dma.local [hbm:s5], s4  }
0x9e: {  	_ =	swait.ge [sflag:s6], s4  }
0x9f: {  	s4 =	ssub.s32 $0x0, s4;
	[sflag:s6] =	ssyncset.done $0x0  }
0xa0: {  	[sflag:s6] =	ssyncadd.s32 s4;
	_ =	sdelay $0x1  }
0xa1: {  	s23 =	simm.s32 $0x1B8B  }
0xa2: {  	_ =	swait.ge [sflag:s23], $0x1  }
0xa3: {  	[sflag:s23] =	ssyncset.done $0x0  }
0xa4: {  	[sflag:s23] =	ssyncadd.s32 $0xFFFFFFFF  }
0xa5: {  	s4 =	sld [smem:$0x0]  }
0xa6: {  	s5 =	sand.u32 $0xFFFFFFFE, s1  }
0xa7: {  	p0 =	sne.s32 s1, s5  }
0xa8: {  	s5 =	sshll.u32 @p0 s5, $0xE  }
0xa9: {  	s5 =	sadd.s32 @p0 $0x11B8D, s5;
	s6 =	sshll.u32 @p0 s4, $0x11  }
0xaa: {  	s5 =	sor.u32 @p0 s6, s5  }
0xab: {  	[sflag:s5] =	ssyncadd.remote.s32 @p0 $0x1;
	_ =	sdelay $0x1  }
0xac: {  	s5 =	simm.s32 @p0 $0x1B8D  }
0xad: {  	_ =	swait.eq @p0 [sflag:s5], $0x1  }
0xae: {  	[sflag:s5] =	ssyncadd.s32 @p0 $0xFFFFFFFF  }
0xaf: {  	s6 =	sshll.u32 @!p0 s1, $0xE  }
0xb0: {  	s6 =	sor.u32 @!p0 $0x4000, s6;
	s5 =	simm.s32 @!p0 $0x1B8D  }
0xb1: {  	s4 =	sshll.u32 @!p0 s4, $0x11;
	s6 =	sadd.s32 @!p0 $0x11B8D, s6;
	_ =	swait.eq @!p0 [sflag:s5], $0x1  }
0xb2: {  	s4 =	sor.u32 @!p0 s4, s6;
	[sflag:s5] =	ssyncadd.s32 @!p0 $0xFFFFFFFF  }
0xb3: {  	s25 =	simm.s32 $0x1B8E;
	s24 =	sld [smem:$0x3FFE];
	[sflag:s4] =	ssyncadd.remote.s32 @!p0 $0x1  }
0xb4: {  	s26 =	simm.s32 $execute0_lowered;
	[smem:$0x3FD2] =	sst s25  }
0xb5: {  	s5 =	sshll.u32 s26, $0x1;
	_ =	strace $0x80000050;
	[dreg:$0x1] =	wrdreg $0xFFFFFFFF  }
0xb6: {  	s28 =	simm.s32 $_size_execute0_lowered;
	s3 =	sadd.s32 s3, s5;
	[dreg:$0x0] =	wrdreg $0x0  }
0xb7: {  	s5 =	sshll.u32 s28, $0x1;
	[dreg:$0x2] =	wrdreg s3  }
0xb8: {  	[dreg:$0x3] =	wrdreg s5  }
0xb9: {  	[dreg:$0x4] =	wrdreg $0xC0  }
0xba: {  	_ =	task [dreg:s22], $0x5FFFF  }
0xbb: {  	[dreg:$0x1] =	wrdreg $0xFFFFFFFF  }
0xbc: {  	[dreg:$0x0] =	wrdreg $0x60  }
0xbd: {  	[dreg:$0x2] =	wrdreg s24  }
0xbe: {  	[dreg:$0x3] =	wrdreg $0x9  }
0xbf: {  	_ =	task.clear_ibuf [dreg:s22], $0x4FFFF;
	_ =	strace $0x90000050  }
0xc0: {  	s29 =	simm.s32 $0x9;
	_ =	strace $0x80000059  }
0xc1: {  	_ =	swait.ge [sflag:s29], $0x1  }
0xc2: {  	[sflag:s29] =	ssyncadd.s32 $0xFFFFFFFF  }
0xc3: {  	_ =	strace $0x90000059  }
0xc4: {  	_ =	sfence  }
0xc5: {  	s30 =	sld [smem:$0x0];
	_ =	sdelay $0x2  }
0xc6: {  	s31 =	sshll.u32 s1, $0xD;
	s1 =	sshrl.u32 s1, $0x2  }
0xc7: {  	s4 =	sand.u32 $0x4000, s31;
	s1 =	sadd.s32 s1, s30  }
0xc8: {  	s0 =	sor.u32 s4, s0;
	s1 =	sshll.u32 s1, $0x11  }
0xc9: {  	s0 =	sor.u32 s1, s0  }
0xca: {  	s0 =	sadd.s32 $0x8F2B, s0  }
0xcb: {  	[sflag:s0] =	ssyncadd.remote.s32 $0x1  }
0xcc: {  	_ =	sfence.sel $0xFFFF  }
0xcd: {  	[dreg:$0x0] =	wrdreg $0xFFFFFFFF;
	(pc) =	sbr.abs _section_cstart, $3  }
0xce: {  	[dreg:$0x1] =	wrdreg $0xFFFFFFFF  }
0xcf: {  	_ =	task.clear_ibuf [dreg:s22], $0x2FFFF;
	_ =	strace $0x9FFFFFFF  }
0xd0: {  	(tm) =	ssettm $0x7FFFFFFF  }
0xd1: {  	_ =	shalt  }
tec
execute0_lowered:
.L_overlay_start_1:
0x0: {  	(tag) =	ssettag $0x1  }
0x1: {  	s4 =	rddreg [dreg:$0x0]  }
0x2: {  	s0 =	rddreg [dreg:$0x1];
	s1 =	simm.s32 $0x0;
	s5 =	srdreg.scid  }
0x3: {  	s8 =	simm.s32 $0x80;
	s9 =	simm.s32 $0x4;
	[smem:$0x7FF] =	sst s1  }
0x4: {  	s10 =	simm.s32 $0x0;
	s2 =	sadd.s32 $0x108600, s4;
	s3 =	sadd.s32 $0x106600, s4  }
0x5: {  	s4 =	sadd.s32 $0x118600, s4;
	_ =	strace $0x80000051;
	[dreg:$0x2] =	wrdreg s2  }
0x6: {  	s5 =	sand.u32 $0x1, s5;
	s2 =	stileid.u32;
	[dreg:$0x4] =	wrdreg s4  }
0x7: {  	s6 =	ssub.s32 $0x2, s5;
	s5 =	sshll.u32 s5, $0x4;
	[dreg:$0x3] =	wrdreg s8  }
0x8: {  	s8 =	simm.s32 $0x5;
	s7 =	sshrl.u32 s6, $0x1;
	s5 =	sor.u32 s2, s5  }
0x9: {  	s6 =	ssub.s32 s6, s7;
	s31 =	sshll.u32 s5, $0x8;
	s4 =	sshll.u32 s5, $0x4  }
0xa: {  	s7 =	simm.s32 $0x1;
	s5 =	sadd.s32 s3, s31;
	s6 =	smax.u32 s6, $0x1  }
.LBB2_1:
0xb: {  	_ =	strace $0x80000052;
	s11 =	simm.s32 $0x1;
	p0 =	por $0x0, $0x0  }
0xc: {  	[tilespmem:s1], [sflag:$0x1] =	stream.linear.gather [hbm4b:s5+s1], $0x80, $0x200038;
	[tilespmem:$0x8100] =	vst v63  }
0xd: {  	s11 =	simm.s32 @p0 $0x0  }
0xe: {  	p4 =	por $0x1, $0x1;
	s20 =	sand.u32 $0x1, s1;
	p1 =	sne.s32 s11, $0x0  }
0xf: {  	p2 =	por $0x1, $0x1;
	s18 =	simm.s32 $0xE;
	p0 =	por !p4, !p1  }
0x10: {  	s16 =	simm.s32 $0x0;
	p5 =	por $0x0, $0x0;
	p0 =	por !p0, !p0  }
0x11: {  	s23 =	sadd.s32 $0x0, s4;
	s30 =	sadd.s32 $0x1, s20;
	s12 =	sadd.s32 @p0 s4, s11  }
0x12: {  	_ =	strace $0x90000052;
	s13 =	sand.u32 @p0 $0x1, s7;
	s12 =	sshll.u32 @p0 s12, $0x4  }
0x13: {  	_ =	strace @p0 $0x80000053;
	s15 =	simm.s32 @p0 $0x0;
	s12 =	sand.u32 @p0 $0x1FFFFFF0, s12  }
0x14: {  	s14 =	sshll.u32 @p0 s13, $0x7;
	s13 =	sadd.s32 @p0 $0x1, s13;
	s12 =	sadd.s32 @p0 s3, s12  }
0x15: {  	[tilespmem:s14], [sflag:s13] =	stream.linear.gather @p0 [hbm4b:s12+s15], $0x80, $0x200038;
	[tilespmem:$0x8100] =	vst v63  }
0x16: {  	p3 =	por p2, p2;
	s21 =	sshll.u32 s20, $0xE;
	_ =	strace @p0 $0x90000053  }
0x17: {  	s16 =	sand.u32 $0x80, s16;
	p2 =	por p5, p5;
	_ =	strace $0x80000054  }
0x18: {  	s17 =	sadd.s32 $0x1, s11;
	s22 =	sor.u32 $0x100, s21;
	_ =	swait.ge [sflag:s30], $0x80  }
0x19: {  	s21 =	simm.s32 $0x1;
	p6 =	por p1, p1;
	[sflag:s30] =	ssyncset.done $0x0  }
0x1a: {  	p1 =	por p3, p3;
	p4 =	por $0x1, $0x1;
	[sflag:s30] =	ssyncadd.s32 $0xFFFFFF80  }
0x1b: {  	s12 =	simm.s32 $0xF;
	s15 =	sand.u32 @!p3 $0x1, s1;
	_ =	strace $0x90000054  }
0x1c: {  	s13 =	simm.s32 $0x1;
	p3 =	seq.s32 s17, $0x10;
	_ =	strace $0x80000055  }
0x1d: {  	s13 =	simm.s32 @!p0 $0x0;
	s17 =	simm.s32 @p3 $0x0;
	s19 =	rddreg [dreg:$0x3]  }
0x1e: {  	p0 =	por $0x0, $0x0;
	s14 =	sadd.s32 $0x1, s13;
	s31 =	rddreg [dreg:$0x2]  }
0x1f: {  	[tilespmem:s22], [sflag:$0x5] =	stream.indirect.gather [hbm4b:s31+s19], $0x80, s16, s19, $0x2000b8;
	[tilespmem:$0x8100] =	vst v63  }
0x20: {  	p3 =	sne.s32 s11, s17;
	s21 =	simm.s32 @!p0 $0x0;
	_ =	swait.ge [sflag:s8], $0x4000  }
0x21: {  	p5 =	por !p4, !p3;
	p4 =	por $0x0, $0x0;
	[sflag:s8] =	ssyncset.done $0x0  }
0x22: {  	s13 =	simm.s32 $0x0;
	p6 =	por p4, p6;
	[sflag:s8] =	ssyncadd.s32 $0xFFFFC000  }
0x23: {  	s16 =	simm.s32 $0x0;
	s19 =	simm.s32 $0x0;
	_ =	strace $0x90000055  }
.LBB2_2:
0x24: {  	_ =	strace @p6 $0x80000056;
	s13 =	sadd.s32 s21, s13;
	s21 =	smov.u32 s12  }
0x25: {  	s12 =	smov.u32 s18;
	s18 =	sadd.s32 $0xFFFFFFFF, s18;
	p0 =	por p3, p3  }
0x26: {  	s28 =	sshll.u32 @p6 s23, $0xB;
	s20 =	sadd.s32 @p6 $0x3, s20;
	s24 =	simm.s32 @!p0 $0x0  }
0x27: {  	s25 =	rddreg [dreg:$0x4];
	s28 =	sand.u32 @p6 $0x1FFFF800, s28;
	s24 =	simm.s32 @p0 $0x1  }
0x28: {  	s25 =	sadd.s32 @p6 s25, s28;
	s28 =	simm.s32 @p6 $0x0;
	p0 =	sne.s32 s18, $0x0  }
0x29: {  	[hbm4b:s25+s28] =	stream.linear.scatter @p6 [tilespmem:s22], [sflag:s20], $0x4000, $0x200038;
	[tilespmem:$0x8100] =	vst v63  }
0x2a: {  	s20 =	sadd.s32 @!p1 $0x3, s15;
	s15 =	simm.s32 @!p0 $0x0  }
0x2b: {  	s26 =	simm.s32 $0x1;
	[smem:$0x7FC] =	sst s24;
	s15 =	simm.s32 @p0 $0x1  }
0x2c: {  	s26 =	simm.s32 @!p6 $0x0;
	_ =	strace @p6 $0x90000056;
	[smem:$0x7FD] =	sst s15  }
0x2d: {  	p5 =	por !p5, !p5;
	s19 =	sadd.s32 s26, s19;
	_ =	strace @!p1 $0x80000057  }
0x2e: {  	s24 =	sand.u32 @!p2 $0x1, s13;
	s22 =	sand.u32 @p5 $0x1, s14;
	_ =	swait.ge @!p1 [sflag:s20], $0x4000  }
0x2f: {  	s15 =	smov.u32 s24;
	s24 =	sadd.s32 @p5 s4, s17;
	[sflag:s20] =	ssyncset.done @!p1 $0x0  }
0x30: {  	s25 =	sshll.u32 @p5 s22, $0x7;
	s24 =	sshll.u32 @p5 s24, $0x4;
	[sflag:s20] =	ssyncadd.s32 @!p1 $0xFFFFC000  }
0x31: {  	s20 =	sadd.s32 @p5 $0x1, s22;
	s22 =	sand.u32 @p5 $0x1FFFFFF0, s24;
	_ =	strace @!p1 $0x90000057  }
0x32: {  	s24 =	simm.s32 @p5 $0x0;
	s22 =	sadd.s32 @p5 s3, s22;
	_ =	strace @p5 $0x80000053  }
0x33: {  	[tilespmem:s25], [sflag:s20] =	stream.linear.gather @p5 [hbm4b:s22+s24], $0x80, $0x200038;
	[tilespmem:$0x8100] =	vst v63  }
0x34: {  	s16 =	sadd.s32 s26, s16;
	s26 =	sand.u32 $0x1, s19;
	_ =	strace @p5 $0x90000053  }
0x35: {  	s24 =	sadd.s32 $0x1, s26;
	_ =	strace $0x80000054  }
0x36: {  	_ =	swait.ge [sflag:s24], $0x80  }
0x37: {  	[sflag:s24] =	ssyncset.done $0x0  }
0x38: {  	s20 =	simm.s32 $0x1;
	[sflag:s24] =	ssyncadd.s32 $0xFFFFFF80  }
0x39: {  	s20 =	simm.s32 @!p5 $0x0;
	_ =	strace $0x90000054  }
0x3a: {  	s14 =	sadd.s32 s20, s14;
	s20 =	sand.u32 $0x1, s16;
	_ =	strace $0x80000055  }
0x3b: {  	s29 =	sshll.u32 s19, $0x7;
	s25 =	sshll.u32 s20, $0xE;
	s26 =	rddreg [dreg:$0x3]  }
0x3c: {  	s29 =	sand.u32 $0x80, s29;
	s22 =	sor.u32 $0x100, s25;
	s30 =	rddreg [dreg:$0x2]  }
0x3d: {  	[tilespmem:s22], [sflag:$0x5] =	stream.indirect.gather [hbm4b:s30+s26], $0x80, s29, s26, $0x2000b8;
	[tilespmem:$0x8100] =	vst v63  }
0x3e: {  	_ =	swait.ge [sflag:s8], $0x4000  }
0x3f: {  	s31 =	sadd.s32 $0x1, s17;
	[sflag:s8] =	ssyncset.done $0x0  }
0x40: {  	s23 =	sadd.s32 s4, s11;
	s11 =	smov.u32 s17;
	[sflag:s8] =	ssyncadd.s32 $0xFFFFC000  }
0x41: {  	p3 =	seq.s32 s31, $0x10;
	s17 =	smov.u32 s31;
	_ =	strace $0x90000055  }
0x42: {  	s17 =	simm.s32 @p3 $0x0;
	s31 =	sld [smem:$0x7FD]  }
0x43: {  	p6 =	sne.s32 s12, $0x1;
	p0 =	sne.s32 s21, $0x10;
	p3 =	sne.s32 s11, s17  }
0x44: {  	p5 =	por !p6, !p3;
	p6 =	seq.s32 s21, $0x1;
	s21 =	simm.s32 $0x1  }
0x45: {  	s21 =	simm.s32 @!p0 $0x0;
	p0 =	seq.s32 s31, $0x1  }
.Ltmp0:
0x46: {  	s30 =	sld [smem:$0x7FC];
	(pc) =	sbr.rel @p0 .LBB2_2-.Ltmp0, $4  }
0x47: {  	_ = 	snop  }
0x48: {  	p4 =	seq.s32 s12, $0x10  }
0x49: {  	p1 =	por p2, p2;
	p2 =	por p4, p4;
	p4 =	seq.s32 s30, $0x1  }
0x4a: {  	p6 =	por p6, p4  }
0x4b: {  	_ =	strace @p6 $0x80000056;
	s23 =	sshll.u32 @p6 s23, $0xB  }
0x4c: {  	s18 =	rddreg [dreg:$0x4];
	s23 =	sand.u32 @p6 $0x1FFFF800, s23  }
0x4d: {  	s20 =	sadd.s32 @p6 $0x3, s20;
	s18 =	sadd.s32 @p6 s18, s23;
	s23 =	simm.s32 @p6 $0x0  }
0x4e: {  	[hbm4b:s18+s23] =	stream.linear.scatter @p6 [tilespmem:s22], [sflag:s20], $0x4000, $0x200038;
	[tilespmem:$0x8100] =	vst v63  }
0x4f: {  	p0 =	por !p5, !p5;
	_ =	strace @p6 $0x90000056  }
0x50: {  	s15 =	sadd.s32 @!p1 $0x3, s15;
	s17 =	sadd.s32 @p0 s4, s17;
	_ =	strace @!p1 $0x80000057  }
0x51: {  	s14 =	sand.u32 @p0 $0x1, s14;
	s17 =	sshll.u32 @p0 s17, $0x4;
	_ =	swait.ge @!p1 [sflag:s15], $0x4000  }
0x52: {  	s18 =	simm.s32 $0x1;
	s20 =	sshll.u32 @p0 s14, $0x7;
	[sflag:s15] =	ssyncset.done @!p1 $0x0  }
0x53: {  	s14 =	sadd.s32 @p0 $0x1, s14;
	s18 =	simm.s32 @!p6 $0x0;
	[sflag:s15] =	ssyncadd.s32 @!p1 $0xFFFFC000  }
0x54: {  	s19 =	sadd.s32 s18, s19;
	s15 =	sand.u32 @p0 $0x1FFFFFF0, s17;
	_ =	strace @!p1 $0x90000057  }
0x55: {  	s17 =	simm.s32 @p0 $0x0;
	s15 =	sadd.s32 @p0 s3, s15;
	_ =	strace @p0 $0x80000053  }
0x56: {  	[tilespmem:s20], [sflag:s14] =	stream.linear.gather @p0 [hbm4b:s15+s17], $0x80, $0x200038;
	[tilespmem:$0x8100] =	vst v63  }
0x57: {  	s25 =	sand.u32 $0x1, s19;
	_ =	strace @p0 $0x90000053  }
0x58: {  	s14 =	sadd.s32 $0x1, s25;
	_ =	strace $0x80000054  }
0x59: {  	_ =	swait.ge [sflag:s14], $0x80  }
0x5a: {  	[sflag:s14] =	ssyncset.done $0x0  }
0x5b: {  	[sflag:s14] =	ssyncadd.s32 $0xFFFFFF80  }
0x5c: {  	s26 =	sadd.s32 s18, s16;
	_ =	strace $0x90000054  }
0x5d: {  	s14 =	sand.u32 $0x1, s26;
	_ =	strace $0x80000055  }
0x5e: {  	s30 =	sshll.u32 s19, $0x7;
	s31 =	sshll.u32 s14, $0xE;
	s28 =	rddreg [dreg:$0x3]  }
0x5f: {  	s17 =	sand.u32 $0x80, s30;
	s18 =	sor.u32 $0x100, s31;
	s29 =	rddreg [dreg:$0x2]  }
0x60: {  	[tilespmem:s18], [sflag:$0x5] =	stream.indirect.gather [hbm4b:s29+s28], $0x80, s17, s28, $0x2000b8;
	[tilespmem:$0x8100] =	vst v63  }
0x61: {  	_ =	swait.ge [sflag:s8], $0x4000  }
0x62: {  	[sflag:s8] =	ssyncset.done $0x0  }
0x63: {  	p5 =	por p3, p3;
	p6 =	seq.s32 s12, $0x1;
	[sflag:s8] =	ssyncadd.s32 $0xFFFFC000  }
0x64: {  	s11 =	sadd.s32 s4, s11;
	p0 =	por p6, p5;
	_ =	strace $0x90000055  }
0x65: {  	s11 =	sshll.u32 @p0 s11, $0xB;
	_ =	strace @p0 $0x80000056  }
0x66: {  	s13 =	sadd.s32 s21, s13;
	s11 =	sand.u32 @p0 $0x1FFFF800, s11;
	s12 =	rddreg [dreg:$0x4]  }
0x67: {  	s14 =	sadd.s32 @p0 $0x3, s14;
	s11 =	sadd.s32 @p0 s12, s11;
	s12 =	simm.s32 @p0 $0x0  }
0x68: {  	[hbm4b:s11+s12] =	stream.linear.scatter @p0 [tilespmem:s18], [sflag:s14], $0x4000, $0x200038;
	[tilespmem:$0x8100] =	vst v63  }
0x69: {  	p1 =	por p2, p2;
	s11 =	sand.u32 @!p2 $0x1, s13;
	_ =	strace @p0 $0x90000056  }
0x6a: {  	s11 =	sadd.s32 @!p1 $0x3, s11;
	_ =	strace @!p1 $0x80000057  }
0x6b: {  	_ =	swait.ge @!p1 [sflag:s11], $0x4000  }
0x6c: {  	[sflag:s11] =	ssyncset.done @!p1 $0x0  }
0x6d: {  	s10 =	sadd.s32 $0x1, s10;
	[sflag:s11] =	ssyncadd.s32 @!p1 $0xFFFFC000  }
0x6e: {  	p0 =	sne.s32 s10, s6;
	_ =	strace @!p1 $0x90000057  }
.Ltmp1:
0x6f: {  	_ =	strace $0x80000058;
	(pc) =	sbr.rel @p0 .LBB2_1-.Ltmp1, $4  }
0x70: {  	_ =	swait.ge [sflag:s9], $0x4000  }
0x71: {  	[sflag:s9] =	ssyncset.done $0x0  }
0x72: {  	[sflag:s9] =	ssyncadd.s32 $0xFFFFC000  }
0x73: {  	_ =	strace $0x90000058  }
0x74: {  	_ =	sfence.sel $0x180000  }
0x75: {  	[bflag:$0x0] =	sbarrier.arrive $0xFFFF  }
0x76: {  	p0 =	sne.s32 s2, $0x0;
	_ =	strace $0x90000051  }
0x77: {  	s0 =	sadd.s32 @!p0 $0x100000, s0;
	[bflag:$0x2] =	sbarrier.arrive $0xFFFF  }
0x78: {  	[sflag:s0] =	ssyncadd.tile.s32 @!p0 $0x1;
	_ =	shalt  }
.Lfunc_end2:
_tile_overlayer_lowered:
.L_overlay_start_2:
0x79: {  	(tag) =	ssettag $0x2  }
0x7a: {  	s0 =	rddreg [dreg:$0x0];
	s2 =	stileid.u32  }
0x7b: {  	s1 =	rddreg [dreg:$0x1];
	p0 =	sne.s32 s2, $0x0  }
0x7c: {  	s3 =	rddreg [dreg:$0x2];
	[bflag:$0x3] =	sbarrier.arrive $0xFFFF;
	s2 =	simm.s32 @!p0 $0x1C01  }
0x7d: {  	[timem:s3], [sflag:s2] =	dma.local @!p0 [hbm:s0], s1  }
0x7e: {  	s0 =	simm.s32 @!p0 $0x1  }
0x7f: {  	_ =	swait.ge @!p0 [sflag:s0], s1  }
0x80: {  	s1 =	ssub.s32 @!p0 $0x0, s1;
	[sflag:s0] =	ssyncset.done @!p0 $0x0  }
0x81: {  	[sflag:s0] =	ssyncadd.s32 @!p0 s1  }
0x82: {  	[bflag:$0x3] =	sbarrier.arrive $0xFFFF  }
0x83: {  	_ =	shalt  }

</sc_bundles>
